<compile_context>
chip_gen: v7x
topology: tpu7x:2x2x1
jax: 0.10.2.dev20260603
libtpu: 0.0.44.dev20260713+nightly
codegen_flags: <defaults>
</compile_context>

<pallas_src>
import functools

import jax
import jax.numpy as jnp
from jax import lax
from jax.experimental import pallas as pl
from jax.experimental.pallas import tpu as pltpu
from jax.experimental.pallas import tpu_sc as plsc

LAMBDA_C = 1.0
_L = 16
_NACC = 4


def _sc_partials(feat, label, centers):
    B, D = feat.shape
    NC, NS = 2, 16
    NW = NC * NS
    RPW = B // NW
    RSUB = 16
    NSUB = RPW // RSUB
    NBUF = 4

    mesh = plsc.VectorSubcoreMesh(core_axis_name="c", subcore_axis_name="s")

    @functools.partial(
        pl.kernel,
        mesh=mesh,
        out_type=jax.ShapeDtypeStruct((NW, _L), jnp.float32),
        scratch_types=[
            pltpu.VMEM((RPW,), jnp.int32),
            pltpu.VMEM((NBUF, RSUB, D), jnp.float32),
            pltpu.VMEM((NBUF, RSUB, D), jnp.float32),
            pltpu.VMEM((_L,), jnp.float32),
            pltpu.SemaphoreType.DMA,
            pltpu.SemaphoreType.DMA,
            pltpu.SemaphoreType.DMA,
            pltpu.SemaphoreType.DMA,
            pltpu.SemaphoreType.DMA,
            pltpu.SemaphoreType.DMA,
            pltpu.SemaphoreType.DMA,
            pltpu.SemaphoreType.DMA,
        ],
    )
    def k(feat_hbm, label_hbm, centers_hbm, out_hbm,
          idx_v, feat_v, crows_v, part_v,
          sf0, sf1, sf2, sf3, sc0, sc1, sc2, sc3):
        wid = lax.axis_index("s") * NC + lax.axis_index("c")
        base = wid * RPW
        sems_f = (sf0, sf1, sf2, sf3)
        sems_c = (sc0, sc1, sc2, sc3)
        pltpu.sync_copy(label_hbm.at[pl.ds(base, RPW)], idx_v)

        def issue(s, b):
            row0 = base + s * RSUB
            pltpu.async_copy(centers_hbm.at[idx_v.at[pl.ds(s * RSUB, RSUB)]],
                             crows_v.at[b], sems_c[b])
            pltpu.async_copy(feat_hbm.at[pl.ds(row0, RSUB)],
                             feat_v.at[b], sems_f[b])

        def wait(s, b):
            row0 = base + s * RSUB
            pltpu.make_async_copy(feat_hbm.at[pl.ds(row0, RSUB)],
                                  feat_v.at[b], sems_f[b]).wait()
            pltpu.make_async_copy(
                centers_hbm.at[idx_v.at[pl.ds(s * RSUB, RSUB)]],
                crows_v.at[b], sems_c[b]).wait()

        for b in range(NBUF):
            issue(b, b)

        def compute_sub(b, accs):
            def row_body(r, accs):
                accs = list(accs)
                for c in range(D // _L):
                    f = feat_v[b, r, pl.ds(c * _L, _L)]
                    g = crows_v[b, r, pl.ds(c * _L, _L)]
                    d = f - g
                    j = c % _NACC
                    accs[j] = accs[j] + d * d
                return tuple(accs)
            return lax.fori_loop(0, RSUB, row_body, accs)

        accs = tuple(jnp.zeros((_L,), jnp.float32) for _ in range(_NACC))

        def group_body(g, accs):
            for b in range(NBUF):
                s = g * NBUF + b
                wait(s, b)
                accs = compute_sub(b, accs)

                @pl.when(s + NBUF < NSUB)
                def _():
                    issue(s + NBUF, b)
            return accs

        accs = lax.fori_loop(0, NSUB // NBUF, group_body, accs)

        total = accs[0]
        for j in range(1, _NACC):
            total = total + accs[j]
        part_v[...] = total
        pltpu.sync_copy(part_v, out_hbm.at[wid])

    return k(feat, label, centers)


def kernel(feat, label, centers):
    B = feat.shape[0]
    parts = _sc_partials(feat, label.astype(jnp.int32), centers)
    return LAMBDA_C / 2.0 / B * jnp.sqrt(jnp.sum(parts))

# --- scband reference (transcript-rebuilt; emitter-appended) ---
"""Pipeline reference for scband-center-loss-13529146982722 (READ-ONLY COPY).

The authoritative reference and input builder live on the scoring server;
editing this copy changes nothing except your own understanding.
"""

import jax, jax.numpy as jnp
import numpy as np

FEAT_DIM = 512
NUM_CLASSES = 1000
LAMBDA_C = 1.0

def setup_inputs(seed: int = 0) -> dict:
    key = jax.random.key(seed)
    k1, k2, k3 = jax.random.split(key, 3)
    feat = jax.random.normal(k1, (4096, FEAT_DIM), dtype=jnp.float32)
    label = jax.random.randint(k2, (4096,), 0, NUM_CLASSES, dtype=jnp.int64 if jax.config.jax_enable_x64 else jnp.int32)
    centers = jax.random.normal(k3, (NUM_CLASSES, FEAT_DIM), dtype=jnp.float32)
    return {"feat": feat, "label": label, "centers": centers}

def reference(feat, label, centers):
    batch_size = feat.shape[0]
    expanded_centers = jnp.take(centers, label, axis=0)
    diff = feat - expanded_centers
    intra_distances = jnp.sqrt(jnp.sum(diff * diff))
    loss = LAMBDA_C / 2.0 / batch_size * intra_distances
    return loss

if __name__ == "__main__":
    import jax
    _d = setup_inputs()
    print(jax.jit(kernel)(*tuple(_d.values())))

</pallas_src>

<mosaic_0001>
#map = affine_map<(d0, d1) -> (0, 0)>
#map1 = affine_map<(d0, d1) -> (0)>
module attributes {stable_mosaic.version = 14 : i64} {
  func.func @k(%arg0: i32, %arg1: i32, %arg2: memref<4096x512xf32, #tpu.memory_space<hbm>>, %arg3: memref<4096xi32, #tpu.memory_space<hbm>>, %arg4: memref<1000x512xf32, #tpu.memory_space<hbm>>, %arg5: memref<32x16xf32, #tpu.memory_space<hbm>>, %arg6: memref<128xi32, #tpu.memory_space<vmem>>, %arg7: memref<4x16x512xf32, #tpu.memory_space<vmem>>, %arg8: memref<4x16x512xf32, #tpu.memory_space<vmem>>, %arg9: memref<16xf32, #tpu.memory_space<vmem>>, %arg10: memref<!tpu.dma_semaphore, #tpu.memory_space<semaphore_mem>>, %arg11: memref<!tpu.dma_semaphore, #tpu.memory_space<semaphore_mem>>, %arg12: memref<!tpu.dma_semaphore, #tpu.memory_space<semaphore_mem>>, %arg13: memref<!tpu.dma_semaphore, #tpu.memory_space<semaphore_mem>>, %arg14: memref<!tpu.dma_semaphore, #tpu.memory_space<semaphore_mem>>, %arg15: memref<!tpu.dma_semaphore, #tpu.memory_space<semaphore_mem>>, %arg16: memref<!tpu.dma_semaphore, #tpu.memory_space<semaphore_mem>>, %arg17: memref<!tpu.dma_semaphore, #tpu.memory_space<semaphore_mem>>) attributes {dimension_semantics = [#tpu.dimension_semantics<core_parallel>, #tpu.dimension_semantics<subcore_parallel>], iteration_bounds = array<i64: 2, 16>, scalar_prefetch = 0 : i64, scratch_operands = 12 : i64, tpu.core_type = #tpu.core_type<sc_vector_subcore>, window_params = [{transform_indices = #map}, {transform_indices = #map1}, {transform_indices = #map}, {transform_indices = #map}]} {
    %mul3A = arith.constant 2 : i32
    %mul3A_0 = arith.muli %arg1, %mul3A : i32
    %add3A = arith.addi %mul3A_0, %arg0 : i32
    %mul3A_1 = arith.constant 128 : i32
    %mul3A_2 = arith.muli %add3A, %mul3A_1 : i32
    "tpu.region"() ({
      %run_scoped3A = tpu.sem_alloc : memref<!tpu.dma_semaphore, #tpu.memory_space<semaphore_mem>>
      %dma_start3A_120 = tpu.memref_slice %arg3[%mul3A_2] : memref<4096xi32, #tpu.memory_space<hbm>> -> memref<128xi32, #tpu.memory_space<hbm>>
      %dma_start3A_121 = tpu.memref_slice %arg3[%mul3A_2] : memref<4096xi32, #tpu.memory_space<hbm>> -> memref<128xi32, #tpu.memory_space<hbm>>
      tpu.enqueue_dma source(%dma_start3A_121 : memref<128xi32, #tpu.memory_space<hbm>>) target(%arg6 : memref<128xi32, #tpu.memory_space<vmem>>) target_semaphore(%run_scoped3A : memref<!tpu.dma_semaphore, #tpu.memory_space<semaphore_mem>>)
      %dma_wait3A = tpu.memref_slice %arg3[%mul3A_2] : memref<4096xi32, #tpu.memory_space<hbm>> -> memref<128xi32, #tpu.memory_space<hbm>>
      %dma_wait3A_122 = tpu.memref_slice %arg3[%mul3A_2] : memref<4096xi32, #tpu.memory_space<hbm>> -> memref<128xi32, #tpu.memory_space<hbm>>
      tpu.wait_dma2 semaphore(%run_scoped3A : memref<!tpu.dma_semaphore, #tpu.memory_space<semaphore_mem>>) src(%dma_wait3A_122 : memref<128xi32, #tpu.memory_space<hbm>>) dst(%arg6 : memref<128xi32, #tpu.memory_space<vmem>>)
      tpu.yield
    }) : () -> ()
    %add3A_3 = arith.constant 0 : i32
    %add3A_4 = arith.addi %mul3A_2, %add3A_3 : i32
    %dma_start3A = arith.constant 0 : i32
    %dma_start3A_5 = arith.constant 0 : i32
    %dma_start3A_6 = arith.constant 0 : i32
    %dma_start3A_7 = tpu.memref_slice %arg8[%dma_start3A, %dma_start3A_5, %dma_start3A_6] : memref<4x16x512xf32, #tpu.memory_space<vmem>> -> memref<1x16x512xf32, #tpu.memory_space<vmem>>
    %dma_start3A_8 = tpu.memref_squeeze %dma_start3A_7 : memref<1x16x512xf32, #tpu.memory_space<vmem>> -> memref<16x512xf32, #tpu.memory_space<vmem>>
    %dma_start3A_9 = arith.constant 0 : i32
    %dma_start3A_10 = tpu.memref_slice %arg6[%dma_start3A_9] : memref<128xi32, #tpu.memory_space<vmem>> -> memref<16xi32, #tpu.memory_space<vmem>>
    %dma_start3A_11 = arith.constant 0 : i32
    %dma_start3A_12 = arith.constant 0 : i32
    %dma_start3A_13 = tpu.memref_slice %arg4[%dma_start3A_11, %dma_start3A_12] : memref<1000x512xf32, #tpu.memory_space<hbm>> -> memref<1000x512xf32, #tpu.memory_space<hbm>>
    tpu.enqueue_indirect_dma source(%dma_start3A_13 : memref<1000x512xf32, #tpu.memory_space<hbm>>) target(%dma_start3A_8 : memref<16x512xf32, #tpu.memory_space<vmem>>) offsets(%dma_start3A_10 : memref<16xi32, #tpu.memory_space<vmem>>) semaphore(%arg14 : memref<!tpu.dma_semaphore, #tpu.memory_space<semaphore_mem>>)
    %dma_start3A_14 = arith.constant 0 : i32
    %dma_start3A_15 = arith.constant 0 : i32
    %dma_start3A_16 = arith.constant 0 : i32
    %dma_start3A_17 = tpu.memref_slice %arg7[%dma_start3A_14, %dma_start3A_15, %dma_start3A_16] : memref<4x16x512xf32, #tpu.memory_space<vmem>> -> memref<1x16x512xf32, #tpu.memory_space<vmem>>
    %dma_start3A_18 = tpu.memref_squeeze %dma_start3A_17 : memref<1x16x512xf32, #tpu.memory_space<vmem>> -> memref<16x512xf32, #tpu.memory_space<vmem>>
    %dma_start3A_19 = arith.constant 0 : i32
    %dma_start3A_20 = tpu.memref_slice %arg2[%add3A_4, %dma_start3A_19] : memref<4096x512xf32, #tpu.memory_space<hbm>> -> memref<16x512xf32, #tpu.memory_space<hbm>>
    %dma_start3A_21 = arith.constant 0 : i32
    %dma_start3A_22 = arith.constant 0 : i32
    %dma_start3A_23 = tpu.memref_slice %arg7[%dma_start3A_14, %dma_start3A_21, %dma_start3A_22] : memref<4x16x512xf32, #tpu.memory_space<vmem>> -> memref<1x16x512xf32, #tpu.memory_space<vmem>>
    %dma_start3A_24 = tpu.memref_squeeze %dma_start3A_23 : memref<1x16x512xf32, #tpu.memory_space<vmem>> -> memref<16x512xf32, #tpu.memory_space<vmem>>
    %dma_start3A_25 = arith.constant 0 : i32
    %dma_start3A_26 = tpu.memref_slice %arg2[%add3A_4, %dma_start3A_25] : memref<4096x512xf32, #tpu.memory_space<hbm>> -> memref<16x512xf32, #tpu.memory_space<hbm>>
    tpu.enqueue_dma source(%dma_start3A_26 : memref<16x512xf32, #tpu.memory_space<hbm>>) target(%dma_start3A_24 : memref<16x512xf32, #tpu.memory_space<vmem>>) target_semaphore(%arg10 : memref<!tpu.dma_semaphore, #tpu.memory_space<semaphore_mem>>)
    %add3A_27 = arith.constant 16 : i32
    %add3A_28 = arith.addi %mul3A_2, %add3A_27 : i32
    %dma_start3A_29 = arith.constant 1 : i32
    %dma_start3A_30 = arith.constant 0 : i32
    %dma_start3A_31 = arith.constant 0 : i32
    %dma_start3A_32 = tpu.memref_slice %arg8[%dma_start3A_29, %dma_start3A_30, %dma_start3A_31] : memref<4x16x512xf32, #tpu.memory_space<vmem>> -> memref<1x16x512xf32, #tpu.memory_space<vmem>>
    %dma_start3A_33 = tpu.memref_squeeze %dma_start3A_32 : memref<1x16x512xf32, #tpu.memory_space<vmem>> -> memref<16x512xf32, #tpu.memory_space<vmem>>
    %dma_start3A_34 = arith.constant 16 : i32
    %dma_start3A_35 = tpu.memref_slice %arg6[%dma_start3A_34] : memref<128xi32, #tpu.memory_space<vmem>> -> memref<16xi32, #tpu.memory_space<vmem>>
    %dma_start3A_36 = arith.constant 0 : i32
    %dma_start3A_37 = arith.constant 0 : i32
    %dma_start3A_38 = tpu.memref_slice %arg4[%dma_start3A_36, %dma_start3A_37] : memref<1000x512xf32, #tpu.memory_space<hbm>> -> memref<1000x512xf32, #tpu.memory_space<hbm>>
    tpu.enqueue_indirect_dma source(%dma_start3A_38 : memref<1000x512xf32, #tpu.memory_space<hbm>>) target(%dma_start3A_33 : memref<16x512xf32, #tpu.memory_space<vmem>>) offsets(%dma_start3A_35 : memref<16xi32, #tpu.memory_space<vmem>>) semaphore(%arg15 : memref<!tpu.dma_semaphore, #tpu.memory_space<semaphore_mem>>)
    %dma_start3A_39 = arith.constant 1 : i32
    %dma_start3A_40 = arith.constant 0 : i32
    %dma_start3A_41 = arith.constant 0 : i32
    %dma_start3A_42 = tpu.memref_slice %arg7[%dma_start3A_39, %dma_start3A_40, %dma_start3A_41] : memref<4x16x512xf32, #tpu.memory_space<vmem>> -> memref<1x16x512xf32, #tpu.memory_space<vmem>>
    %dma_start3A_43 = tpu.memref_squeeze %dma_start3A_42 : memref<1x16x512xf32, #tpu.memory_space<vmem>> -> memref<16x512xf32, #tpu.memory_space<vmem>>
    %dma_start3A_44 = arith.constant 0 : i32
    %dma_start3A_45 = tpu.memref_slice %arg2[%add3A_28, %dma_start3A_44] : memref<4096x512xf32, #tpu.memory_space<hbm>> -> memref<16x512xf32, #tpu.memory_space<hbm>>
    %dma_start3A_46 = arith.constant 0 : i32
    %dma_start3A_47 = arith.constant 0 : i32
    %dma_start3A_48 = tpu.memref_slice %arg7[%dma_start3A_39, %dma_start3A_46, %dma_start3A_47] : memref<4x16x512xf32, #tpu.memory_space<vmem>> -> memref<1x16x512xf32, #tpu.memory_space<vmem>>
    %dma_start3A_49 = tpu.memref_squeeze %dma_start3A_48 : memref<1x16x512xf32, #tpu.memory_space<vmem>> -> memref<16x512xf32, #tpu.memory_space<vmem>>
    %dma_start3A_50 = arith.constant 0 : i32
    %dma_start3A_51 = tpu.memref_slice %arg2[%add3A_28, %dma_start3A_50] : memref<4096x512xf32, #tpu.memory_space<hbm>> -> memref<16x512xf32, #tpu.memory_space<hbm>>
    tpu.enqueue_dma source(%dma_start3A_51 : memref<16x512xf32, #tpu.memory_space<hbm>>) target(%dma_start3A_49 : memref<16x512xf32, #tpu.memory_space<vmem>>) target_semaphore(%arg11 : memref<!tpu.dma_semaphore, #tpu.memory_space<semaphore_mem>>)
    %add3A_52 = arith.constant 32 : i32
    %add3A_53 = arith.addi %mul3A_2, %add3A_52 : i32
    %dma_start3A_54 = arith.constant 2 : i32
    %dma_start3A_55 = arith.constant 0 : i32
    %dma_start3A_56 = arith.constant 0 : i32
    %dma_start3A_57 = tpu.memref_slice %arg8[%dma_start3A_54, %dma_start3A_55, %dma_start3A_56] : memref<4x16x512xf32, #tpu.memory_space<vmem>> -> memref<1x16x512xf32, #tpu.memory_space<vmem>>
    %dma_start3A_58 = tpu.memref_squeeze %dma_start3A_57 : memref<1x16x512xf32, #tpu.memory_space<vmem>> -> memref<16x512xf32, #tpu.memory_space<vmem>>
    %dma_start3A_59 = arith.constant 32 : i32
    %dma_start3A_60 = tpu.memref_slice %arg6[%dma_start3A_59] : memref<128xi32, #tpu.memory_space<vmem>> -> memref<16xi32, #tpu.memory_space<vmem>>
    %dma_start3A_61 = arith.constant 0 : i32
    %dma_start3A_62 = arith.constant 0 : i32
    %dma_start3A_63 = tpu.memref_slice %arg4[%dma_start3A_61, %dma_start3A_62] : memref<1000x512xf32, #tpu.memory_space<hbm>> -> memref<1000x512xf32, #tpu.memory_space<hbm>>
    tpu.enqueue_indirect_dma source(%dma_start3A_63 : memref<1000x512xf32, #tpu.memory_space<hbm>>) target(%dma_start3A_58 : memref<16x512xf32, #tpu.memory_space<vmem>>) offsets(%dma_start3A_60 : memref<16xi32, #tpu.memory_space<vmem>>) semaphore(%arg16 : memref<!tpu.dma_semaphore, #tpu.memory_space<semaphore_mem>>)
    %dma_start3A_64 = arith.constant 2 : i32
    %dma_start3A_65 = arith.constant 0 : i32
    %dma_start3A_66 = arith.constant 0 : i32
    %dma_start3A_67 = tpu.memref_slice %arg7[%dma_start3A_64, %dma_start3A_65, %dma_start3A_66] : memref<4x16x512xf32, #tpu.memory_space<vmem>> -> memref<1x16x512xf32, #tpu.memory_space<vmem>>
    %dma_start3A_68 = tpu.memref_squeeze %dma_start3A_67 : memref<1x16x512xf32, #tpu.memory_space<vmem>> -> memref<16x512xf32, #tpu.memory_space<vmem>>
    %dma_start3A_69 = arith.constant 0 : i32
    %dma_start3A_70 = tpu.memref_slice %arg2[%add3A_53, %dma_start3A_69] : memref<4096x512xf32, #tpu.memory_space<hbm>> -> memref<16x512xf32, #tpu.memory_space<hbm>>
    %dma_start3A_71 = arith.constant 0 : i32
    %dma_start3A_72 = arith.constant 0 : i32
    %dma_start3A_73 = tpu.memref_slice %arg7[%dma_start3A_64, %dma_start3A_71, %dma_start3A_72] : memref<4x16x512xf32, #tpu.memory_space<vmem>> -> memref<1x16x512xf32, #tpu.memory_space<vmem>>
    %dma_start3A_74 = tpu.memref_squeeze %dma_start3A_73 : memref<1x16x512xf32, #tpu.memory_space<vmem>> -> memref<16x512xf32, #tpu.memory_space<vmem>>
    %dma_start3A_75 = arith.constant 0 : i32
    %dma_start3A_76 = tpu.memref_slice %arg2[%add3A_53, %dma_start3A_75] : memref<4096x512xf32, #tpu.memory_space<hbm>> -> memref<16x512xf32, #tpu.memory_space<hbm>>
    tpu.enqueue_dma source(%dma_start3A_76 : memref<16x512xf32, #tpu.memory_space<hbm>>) target(%dma_start3A_74 : memref<16x512xf32, #tpu.memory_space<vmem>>) target_semaphore(%arg12 : memref<!tpu.dma_semaphore, #tpu.memory_space<semaphore_mem>>)
    %add3A_77 = arith.constant 48 : i32
    %add3A_78 = arith.addi %mul3A_2, %add3A_77 : i32
    %dma_start3A_79 = arith.constant 3 : i32
    %dma_start3A_80 = arith.constant 0 : i32
    %dma_start3A_81 = arith.constant 0 : i32
    %dma_start3A_82 = tpu.memref_slice %arg8[%dma_start3A_79, %dma_start3A_80, %dma_start3A_81] : memref<4x16x512xf32, #tpu.memory_space<vmem>> -> memref<1x16x512xf32, #tpu.memory_space<vmem>>
    %dma_start3A_83 = tpu.memref_squeeze %dma_start3A_82 : memref<1x16x512xf32, #tpu.memory_space<vmem>> -> memref<16x512xf32, #tpu.memory_space<vmem>>
    %dma_start3A_84 = arith.constant 48 : i32
    %dma_start3A_85 = tpu.memref_slice %arg6[%dma_start3A_84] : memref<128xi32, #tpu.memory_space<vmem>> -> memref<16xi32, #tpu.memory_space<vmem>>
    %dma_start3A_86 = arith.constant 0 : i32
    %dma_start3A_87 = arith.constant 0 : i32
    %dma_start3A_88 = tpu.memref_slice %arg4[%dma_start3A_86, %dma_start3A_87] : memref<1000x512xf32, #tpu.memory_space<hbm>> -> memref<1000x512xf32, #tpu.memory_space<hbm>>
    tpu.enqueue_indirect_dma source(%dma_start3A_88 : memref<1000x512xf32, #tpu.memory_space<hbm>>) target(%dma_start3A_83 : memref<16x512xf32, #tpu.memory_space<vmem>>) offsets(%dma_start3A_85 : memref<16xi32, #tpu.memory_space<vmem>>) semaphore(%arg17 : memref<!tpu.dma_semaphore, #tpu.memory_space<semaphore_mem>>)
    %dma_start3A_89 = arith.constant 3 : i32
    %dma_start3A_90 = arith.constant 0 : i32
    %dma_start3A_91 = arith.constant 0 : i32
    %dma_start3A_92 = tpu.memref_slice %arg7[%dma_start3A_89, %dma_start3A_90, %dma_start3A_91] : memref<4x16x512xf32, #tpu.memory_space<vmem>> -> memref<1x16x512xf32, #tpu.memory_space<vmem>>
    %dma_start3A_93 = tpu.memref_squeeze %dma_start3A_92 : memref<1x16x512xf32, #tpu.memory_space<vmem>> -> memref<16x512xf32, #tpu.memory_space<vmem>>
    %dma_start3A_94 = arith.constant 0 : i32
    %dma_start3A_95 = tpu.memref_slice %arg2[%add3A_78, %dma_start3A_94] : memref<4096x512xf32, #tpu.memory_space<hbm>> -> memref<16x512xf32, #tpu.memory_space<hbm>>
    %dma_start3A_96 = arith.constant 0 : i32
    %dma_start3A_97 = arith.constant 0 : i32
    %dma_start3A_98 = tpu.memref_slice %arg7[%dma_start3A_89, %dma_start3A_96, %dma_start3A_97] : memref<4x16x512xf32, #tpu.memory_space<vmem>> -> memref<1x16x512xf32, #tpu.memory_space<vmem>>
    %dma_start3A_99 = tpu.memref_squeeze %dma_start3A_98 : memref<1x16x512xf32, #tpu.memory_space<vmem>> -> memref<16x512xf32, #tpu.memory_space<vmem>>
    %dma_start3A_100 = arith.constant 0 : i32
    %dma_start3A_101 = tpu.memref_slice %arg2[%add3A_78, %dma_start3A_100] : memref<4096x512xf32, #tpu.memory_space<hbm>> -> memref<16x512xf32, #tpu.memory_space<hbm>>
    tpu.enqueue_dma source(%dma_start3A_101 : memref<16x512xf32, #tpu.memory_space<hbm>>) target(%dma_start3A_99 : memref<16x512xf32, #tpu.memory_space<vmem>>) target_semaphore(%arg13 : memref<!tpu.dma_semaphore, #tpu.memory_space<semaphore_mem>>)
    %broadcast_in_dim3A = arith.constant 0.000000e+00 : f32
    %broadcast_in_dim3A_102 = vector.broadcast %broadcast_in_dim3A : f32 to vector<16xf32>
    %broadcast_in_dim3A_103 = arith.constant 0.000000e+00 : f32
    %broadcast_in_dim3A_104 = vector.broadcast %broadcast_in_dim3A_103 : f32 to vector<16xf32>
    %broadcast_in_dim3A_105 = arith.constant 0.000000e+00 : f32
    %broadcast_in_dim3A_106 = vector.broadcast %broadcast_in_dim3A_105 : f32 to vector<16xf32>
    %broadcast_in_dim3A_107 = arith.constant 0.000000e+00 : f32
    %broadcast_in_dim3A_108 = vector.broadcast %broadcast_in_dim3A_107 : f32 to vector<16xf32>
    %scan3A = arith.constant 0 : i32
    %scan3A_109 = arith.constant 2 : i32
    %scan3A_110 = arith.addi %scan3A, %scan3A_109 : i32
    %scan3A_111 = arith.constant 1 : i32
    %scan3A_112:4 = scf.for %scan3A_120 = %scan3A to %scan3A_110 step %scan3A_111 iter_args(%scan3A_121 = %broadcast_in_dim3A_102, %scan3A_122 = %broadcast_in_dim3A_104, %scan3A_123 = %broadcast_in_dim3A_106, %scan3A_124 = %broadcast_in_dim3A_108) -> (vector<16xf32>, vector<16xf32>, vector<16xf32>, vector<16xf32>)  : i32 {
      %mul3A_125 = arith.constant 4 : i32
      %mul3A_126 = arith.muli %scan3A_120, %mul3A_125 : i32
      %add3A_127 = arith.constant 0 : i32
      %add3A_128 = arith.addi %mul3A_126, %add3A_127 : i32
      %mul3A_129 = arith.constant 16 : i32
      %mul3A_130 = arith.muli %add3A_128, %mul3A_129 : i32
      %add3A_131 = arith.addi %mul3A_2, %mul3A_130 : i32
      %dma_wait3A = arith.constant 0 : i32
      %dma_wait3A_132 = arith.constant 0 : i32
      %dma_wait3A_133 = arith.constant 0 : i32
      %dma_wait3A_134 = tpu.memref_slice %arg7[%dma_wait3A, %dma_wait3A_132, %dma_wait3A_133] : memref<4x16x512xf32, #tpu.memory_space<vmem>> -> memref<1x16x512xf32, #tpu.memory_space<vmem>>
      %dma_wait3A_135 = tpu.memref_squeeze %dma_wait3A_134 : memref<1x16x512xf32, #tpu.memory_space<vmem>> -> memref<16x512xf32, #tpu.memory_space<vmem>>
      %dma_wait3A_136 = arith.constant 0 : i32
      %dma_wait3A_137 = tpu.memref_slice %arg2[%add3A_131, %dma_wait3A_136] : memref<4096x512xf32, #tpu.memory_space<hbm>> -> memref<16x512xf32, #tpu.memory_space<hbm>>
      %dma_wait3A_138 = arith.constant 0 : i32
      %dma_wait3A_139 = arith.constant 0 : i32
      %dma_wait3A_140 = tpu.memref_slice %arg7[%dma_wait3A, %dma_wait3A_138, %dma_wait3A_139] : memref<4x16x512xf32, #tpu.memory_space<vmem>> -> memref<1x16x512xf32, #tpu.memory_space<vmem>>
      %dma_wait3A_141 = tpu.memref_squeeze %dma_wait3A_140 : memref<1x16x512xf32, #tpu.memory_space<vmem>> -> memref<16x512xf32, #tpu.memory_space<vmem>>
      %dma_wait3A_142 = arith.constant 0 : i32
      %dma_wait3A_143 = tpu.memref_slice %arg2[%add3A_131, %dma_wait3A_142] : memref<4096x512xf32, #tpu.memory_space<hbm>> -> memref<16x512xf32, #tpu.memory_space<hbm>>
      tpu.wait_dma2 semaphore(%arg10 : memref<!tpu.dma_semaphore, #tpu.memory_space<semaphore_mem>>) src(%dma_wait3A_143 : memref<16x512xf32, #tpu.memory_space<hbm>>) dst(%dma_wait3A_141 : memref<16x512xf32, #tpu.memory_space<vmem>>)
      %mul3A_144 = arith.constant 16 : i32
      %mul3A_145 = arith.muli %add3A_128, %mul3A_144 : i32
      %dma_wait3A_146 = arith.constant 0 : i32
      %dma_wait3A_147 = arith.constant 0 : i32
      %dma_wait3A_148 = arith.constant 0 : i32
      %dma_wait3A_149 = tpu.memref_slice %arg8[%dma_wait3A_146, %dma_wait3A_147, %dma_wait3A_148] : memref<4x16x512xf32, #tpu.memory_space<vmem>> -> memref<1x16x512xf32, #tpu.memory_space<vmem>>
      %dma_wait3A_150 = tpu.memref_squeeze %dma_wait3A_149 : memref<1x16x512xf32, #tpu.memory_space<vmem>> -> memref<16x512xf32, #tpu.memory_space<vmem>>
      %dma_wait3A_151 = tpu.memref_slice %arg6[%mul3A_145] : memref<128xi32, #tpu.memory_space<vmem>> -> memref<16xi32, #tpu.memory_space<vmem>>
      %dma_wait3A_152 = arith.constant 0 : i32
      %dma_wait3A_153 = arith.constant 0 : i32
      %dma_wait3A_154 = tpu.memref_slice %arg4[%dma_wait3A_152, %dma_wait3A_153] : memref<1000x512xf32, #tpu.memory_space<hbm>> -> memref<1000x512xf32, #tpu.memory_space<hbm>>
      tpu.wait_indirect_dma semaphore(%arg14 : memref<!tpu.dma_semaphore, #tpu.memory_space<semaphore_mem>>) src(%dma_wait3A_154 : memref<1000x512xf32, #tpu.memory_space<hbm>>) dst(%dma_wait3A_150 : memref<16x512xf32, #tpu.memory_space<vmem>>)
      %scan3A_155 = arith.constant 0 : i32
      %scan3A_156 = arith.constant 16 : i32
      %scan3A_157 = arith.addi %scan3A_155, %scan3A_156 : i32
      %scan3A_158 = arith.constant 1 : i32
      %scan3A_159:4 = scf.for %scan3A_297 = %scan3A_155 to %scan3A_157 step %scan3A_158 iter_args(%scan3A_298 = %scan3A_121, %scan3A_299 = %scan3A_122, %scan3A_300 = %scan3A_123, %scan3A_301 = %scan3A_124) -> (vector<16xf32>, vector<16xf32>, vector<16xf32>, vector<16xf32>)  : i32 {
        %get3A = arith.constant 0 : i32
        %get3A_302 = arith.index_cast %get3A : i32 to index
        %get3A_303 = arith.index_cast %scan3A_297 : i32 to index
        %get3A_304 = arith.constant 0 : index
        %get3A_305 = tpu.vector_load %arg7[%get3A_302, %get3A_303, %get3A_304] {strides = array<i32>} : memref<4x16x512xf32, #tpu.memory_space<vmem>>, vector<1x1x16xf32>,
        %get3A_306 = vector.shape_cast %get3A_305 : vector<1x1x16xf32> to vector<16xf32>
        %get3A_307 = arith.constant 0 : i32
        %get3A_308 = arith.index_cast %get3A_307 : i32 to index
        %get3A_309 = arith.index_cast %scan3A_297 : i32 to index
        %get3A_310 = arith.constant 0 : index
        %get3A_311 = tpu.vector_load %arg8[%get3A_308, %get3A_309, %get3A_310] {strides = array<i32>} : memref<4x16x512xf32, #tpu.memory_space<vmem>>, vector<1x1x16xf32>,
        %get3A_312 = vector.shape_cast %get3A_311 : vector<1x1x16xf32> to vector<16xf32>
        %sub3A = arith.subf %get3A_306, %get3A_312 : vector<16xf32>
        %mul3A_313 = arith.mulf %sub3A, %sub3A : vector<16xf32>
        %add3A_314 = arith.addf %scan3A_298, %mul3A_313 : vector<16xf32>
        %get3A_315 = arith.constant 0 : i32
        %get3A_316 = arith.index_cast %get3A_315 : i32 to index
        %get3A_317 = arith.index_cast %scan3A_297 : i32 to index
        %get3A_318 = arith.constant 16 : index
        %get3A_319 = tpu.vector_load %arg7[%get3A_316, %get3A_317, %get3A_318] {strides = array<i32>} : memref<4x16x512xf32, #tpu.memory_space<vmem>>, vector<1x1x16xf32>,
        %get3A_320 = vector.shape_cast %get3A_319 : vector<1x1x16xf32> to vector<16xf32>
        %get3A_321 = arith.constant 0 : i32
        %get3A_322 = arith.index_cast %get3A_321 : i32 to index
        %get3A_323 = arith.index_cast %scan3A_297 : i32 to index
        %get3A_324 = arith.constant 16 : index
        %get3A_325 = tpu.vector_load %arg8[%get3A_322, %get3A_323, %get3A_324] {strides = array<i32>} : memref<4x16x512xf32, #tpu.memory_space<vmem>>, vector<1x1x16xf32>,
        %get3A_326 = vector.shape_cast %get3A_325 : vector<1x1x16xf32> to vector<16xf32>
        %sub3A_327 = arith.subf %get3A_320, %get3A_326 : vector<16xf32>
        %mul3A_328 = arith.mulf %sub3A_327, %sub3A_327 : vector<16xf32>
        %add3A_329 = arith.addf %scan3A_299, %mul3A_328 : vector<16xf32>
        %get3A_330 = arith.constant 0 : i32
        %get3A_331 = arith.index_cast %get3A_330 : i32 to index
        %get3A_332 = arith.index_cast %scan3A_297 : i32 to index
        %get3A_333 = arith.constant 32 : index
        %get3A_334 = tpu.vector_load %arg7[%get3A_331, %get3A_332, %get3A_333] {strides = array<i32>} : memref<4x16x512xf32, #tpu.memory_space<vmem>>, vector<1x1x16xf32>,
        %get3A_335 = vector.shape_cast %get3A_334 : vector<1x1x16xf32> to vector<16xf32>
        %get3A_336 = arith.constant 0 : i32
        %get3A_337 = arith.index_cast %get3A_336 : i32 to index
        %get3A_338 = arith.index_cast %scan3A_297 : i32 to index
        %get3A_339 = arith.constant 32 : index
        %get3A_340 = tpu.vector_load %arg8[%get3A_337, %get3A_338, %get3A_339] {strides = array<i32>} : memref<4x16x512xf32, #tpu.memory_space<vmem>>, vector<1x1x16xf32>,
        %get3A_341 = vector.shape_cast %get3A_340 : vector<1x1x16xf32> to vector<16xf32>
        %sub3A_342 = arith.subf %get3A_335, %get3A_341 : vector<16xf32>
        %mul3A_343 = arith.mulf %sub3A_342, %sub3A_342 : vector<16xf32>
        %add3A_344 = arith.addf %scan3A_300, %mul3A_343 : vector<16xf32>
        %get3A_345 = arith.constant 0 : i32
        %get3A_346 = arith.index_cast %get3A_345 : i32 to index
        %get3A_347 = arith.index_cast %scan3A_297 : i32 to index
        %get3A_348 = arith.constant 48 : index
        %get3A_349 = tpu.vector_load %arg7[%get3A_346, %get3A_347, %get3A_348] {strides = array<i32>} : memref<4x16x512xf32, #tpu.memory_space<vmem>>, vector<1x1x16xf32>,
        %get3A_350 = vector.shape_cast %get3A_349 : vector<1x1x16xf32> to vector<16xf32>
        %get3A_351 = arith.constant 0 : i32
        %get3A_352 = arith.index_cast %get3A_351 : i32 to index
        %get3A_353 = arith.index_cast %scan3A_297 : i32 to index
        %get3A_354 = arith.constant 48 : index
        %get3A_355 = tpu.vector_load %arg8[%get3A_352, %get3A_353, %get3A_354] {strides = array<i32>} : memref<4x16x512xf32, #tpu.memory_space<vmem>>, vector<1x1x16xf32>,
        %get3A_356 = vector.shape_cast %get3A_355 : vector<1x1x16xf32> to vector<16xf32>
        %sub3A_357 = arith.subf %get3A_350, %get3A_356 : vector<16xf32>
        %mul3A_358 = arith.mulf %sub3A_357, %sub3A_357 : vector<16xf32>
        %add3A_359 = arith.addf %scan3A_301, %mul3A_358 : vector<16xf32>
        %get3A_360 = arith.constant 0 : i32
        %get3A_361 = arith.index_cast %get3A_360 : i32 to index
        %get3A_362 = arith.index_cast %scan3A_297 : i32 to index
        %get3A_363 = arith.constant 64 : index
        %get3A_364 = tpu.vector_load %arg7[%get3A_361, %get3A_362, %get3A_363] {strides = array<i32>} : memref<4x16x512xf32, #tpu.memory_space<vmem>>, vector<1x1x16xf32>,
        %get3A_365 = vector.shape_cast %get3A_364 : vector<1x1x16xf32> to vector<16xf32>
        %get3A_366 = arith.constant 0 : i32
        %get3A_367 = arith.index_cast %get3A_366 : i32 to index
        %get3A_368 = arith.index_cast %scan3A_297 : i32 to index
        %get3A_369 = arith.constant 64 : index
        %get3A_370 = tpu.vector_load %arg8[%get3A_367, %get3A_368, %get3A_369] {strides = array<i32>} : memref<4x16x512xf32, #tpu.memory_space<vmem>>, vector<1x1x16xf32>,
        %get3A_371 = vector.shape_cast %get3A_370 : vector<1x1x16xf32> to vector<16xf32>
        %sub3A_372 = arith.subf %get3A_365, %get3A_371 : vector<16xf32>
        %mul3A_373 = arith.mulf %sub3A_372, %sub3A_372 : vector<16xf32>
        %add3A_374 = arith.addf %add3A_314, %mul3A_373 : vector<16xf32>
        %get3A_375 = arith.constant 0 : i32
        %get3A_376 = arith.index_cast %get3A_375 : i32 to index
        %get3A_377 = arith.index_cast %scan3A_297 : i32 to index
        %get3A_378 = arith.constant 80 : index
        %get3A_379 = tpu.vector_load %arg7[%get3A_376, %get3A_377, %get3A_378] {strides = array<i32>} : memref<4x16x512xf32, #tpu.memory_space<vmem>>, vector<1x1x16xf32>,
        %get3A_380 = vector.shape_cast %get3A_379 : vector<1x1x16xf32> to vector<16xf32>
        %get3A_381 = arith.constant 0 : i32
        %get3A_382 = arith.index_cast %get3A_381 : i32 to index
        %get3A_383 = arith.index_cast %scan3A_297 : i32 to index
        %get3A_384 = arith.constant 80 : index
        %get3A_385 = tpu.vector_load %arg8[%get3A_382, %get3A_383, %get3A_384] {strides = array<i32>} : memref<4x16x512xf32, #tpu.memory_space<vmem>>, vector<1x1x16xf32>,
        %get3A_386 = vector.shape_cast %get3A_385 : vector<1x1x16xf32> to vector<16xf32>
        %sub3A_387 = arith.subf %get3A_380, %get3A_386 : vector<16xf32>
        %mul3A_388 = arith.mulf %sub3A_387, %sub3A_387 : vector<16xf32>
        %add3A_389 = arith.addf %add3A_329, %mul3A_388 : vector<16xf32>
        %get3A_390 = arith.constant 0 : i32
        %get3A_391 = arith.index_cast %get3A_390 : i32 to index
        %get3A_392 = arith.index_cast %scan3A_297 : i32 to index
        %get3A_393 = arith.constant 96 : index
        %get3A_394 = tpu.vector_load %arg7[%get3A_391, %get3A_392, %get3A_393] {strides = array<i32>} : memref<4x16x512xf32, #tpu.memory_space<vmem>>, vector<1x1x16xf32>,
        %get3A_395 = vector.shape_cast %get3A_394 : vector<1x1x16xf32> to vector<16xf32>
        %get3A_396 = arith.constant 0 : i32
        %get3A_397 = arith.index_cast %get3A_396 : i32 to index
        %get3A_398 = arith.index_cast %scan3A_297 : i32 to index
        %get3A_399 = arith.constant 96 : index
        %get3A_400 = tpu.vector_load %arg8[%get3A_397, %get3A_398, %get3A_399] {strides = array<i32>} : memref<4x16x512xf32, #tpu.memory_space<vmem>>, vector<1x1x16xf32>,
        %get3A_401 = vector.shape_cast %get3A_400 : vector<1x1x16xf32> to vector<16xf32>
        %sub3A_402 = arith.subf %get3A_395, %get3A_401 : vector<16xf32>
        %mul3A_403 = arith.mulf %sub3A_402, %sub3A_402 : vector<16xf32>
        %add3A_404 = arith.addf %add3A_344, %mul3A_403 : vector<16xf32>
        %get3A_405 = arith.constant 0 : i32
        %get3A_406 = arith.index_cast %get3A_405 : i32 to index
        %get3A_407 = arith.index_cast %scan3A_297 : i32 to index
        %get3A_408 = arith.constant 112 : index
        %get3A_409 = tpu.vector_load %arg7[%get3A_406, %get3A_407, %get3A_408] {strides = array<i32>} : memref<4x16x512xf32, #tpu.memory_space<vmem>>, vector<1x1x16xf32>,
        %get3A_410 = vector.shape_cast %get3A_409 : vector<1x1x16xf32> to vector<16xf32>
        %get3A_411 = arith.constant 0 : i32
        %get3A_412 = arith.index_cast %get3A_411 : i32 to index
        %get3A_413 = arith.index_cast %scan3A_297 : i32 to index
        %get3A_414 = arith.constant 112 : index
        %get3A_415 = tpu.vector_load %arg8[%get3A_412, %get3A_413, %get3A_414] {strides = array<i32>} : memref<4x16x512xf32, #tpu.memory_space<vmem>>, vector<1x1x16xf32>,
        %get3A_416 = vector.shape_cast %get3A_415 : vector<1x1x16xf32> to vector<16xf32>
        %sub3A_417 = arith.subf %get3A_410, %get3A_416 : vector<16xf32>
        %mul3A_418 = arith.mulf %sub3A_417, %sub3A_417 : vector<16xf32>
        %add3A_419 = arith.addf %add3A_359, %mul3A_418 : vector<16xf32>
        %get3A_420 = arith.constant 0 : i32
        %get3A_421 = arith.index_cast %get3A_420 : i32 to index
        %get3A_422 = arith.index_cast %scan3A_297 : i32 to index
        %get3A_423 = arith.constant 128 : index
        %get3A_424 = tpu.vector_load %arg7[%get3A_421, %get3A_422, %get3A_423] {strides = array<i32>} : memref<4x16x512xf32, #tpu.memory_space<vmem>>, vector<1x1x16xf32>,
        %get3A_425 = vector.shape_cast %get3A_424 : vector<1x1x16xf32> to vector<16xf32>
        %get3A_426 = arith.constant 0 : i32
        %get3A_427 = arith.index_cast %get3A_426 : i32 to index
        %get3A_428 = arith.index_cast %scan3A_297 : i32 to index
        %get3A_429 = arith.constant 128 : index
        %get3A_430 = tpu.vector_load %arg8[%get3A_427, %get3A_428, %get3A_429] {strides = array<i32>} : memref<4x16x512xf32, #tpu.memory_space<vmem>>, vector<1x1x16xf32>,
        %get3A_431 = vector.shape_cast %get3A_430 : vector<1x1x16xf32> to vector<16xf32>
        %sub3A_432 = arith.subf %get3A_425, %get3A_431 : vector<16xf32>
        %mul3A_433 = arith.mulf %sub3A_432, %sub3A_432 : vector<16xf32>
        %add3A_434 = arith.addf %add3A_374, %mul3A_433 : vector<16xf32>
        %get3A_435 = arith.constant 0 : i32
        %get3A_436 = arith.index_cast %get3A_435 : i32 to index
        %get3A_437 = arith.index_cast %scan3A_297 : i32 to index
        %get3A_438 = arith.constant 144 : index
        %get3A_439 = tpu.vector_load %arg7[%get3A_436, %get3A_437, %get3A_438] {strides = array<i32>} : memref<4x16x512xf32, #tpu.memory_space<vmem>>, vector<1x1x16xf32>,
        %get3A_440 = vector.shape_cast %get3A_439 : vector<1x1x16xf32> to vector<16xf32>
        %get3A_441 = arith.constant 0 : i32
        %get3A_442 = arith.index_cast %get3A_441 : i32 to index
        %get3A_443 = arith.index_cast %scan3A_297 : i32 to index
        %get3A_444 = arith.constant 144 : index
        %get3A_445 = tpu.vector_load %arg8[%get3A_442, %get3A_443, %get3A_444] {strides = array<i32>} : memref<4x16x512xf32, #tpu.memory_space<vmem>>, vector<1x1x16xf32>,
        %get3A_446 = vector.shape_cast %get3A_445 : vector<1x1x16xf32> to vector<16xf32>
        %sub3A_447 = arith.subf %get3A_440, %get3A_446 : vector<16xf32>
        %mul3A_448 = arith.mulf %sub3A_447, %sub3A_447 : vector<16xf32>
        %add3A_449 = arith.addf %add3A_389, %mul3A_448 : vector<16xf32>
        %get3A_450 = arith.constant 0 : i32
        %get3A_451 = arith.index_cast %get3A_450 : i32 to index
        %get3A_452 = arith.index_cast %scan3A_297 : i32 to index
        %get3A_453 = arith.constant 160 : index
        %get3A_454 = tpu.vector_load %arg7[%get3A_451, %get3A_452, %get3A_453] {strides = array<i32>} : memref<4x16x512xf32, #tpu.memory_space<vmem>>, vector<1x1x16xf32>,
        %get3A_455 = vector.shape_cast %get3A_454 : vector<1x1x16xf32> to vector<16xf32>
        %get3A_456 = arith.constant 0 : i32
        %get3A_457 = arith.index_cast %get3A_456 : i32 to index
        %get3A_458 = arith.index_cast %scan3A_297 : i32 to index
        %get3A_459 = arith.constant 160 : index
        %get3A_460 = tpu.vector_load %arg8[%get3A_457, %get3A_458, %get3A_459] {strides = array<i32>} : memref<4x16x512xf32, #tpu.memory_space<vmem>>, vector<1x1x16xf32>,
        %get3A_461 = vector.shape_cast %get3A_460 : vector<1x1x16xf32> to vector<16xf32>
        %sub3A_462 = arith.subf %get3A_455, %get3A_461 : vector<16xf32>
        %mul3A_463 = arith.mulf %sub3A_462, %sub3A_462 : vector<16xf32>
        %add3A_464 = arith.addf %add3A_404, %mul3A_463 : vector<16xf32>
        %get3A_465 = arith.constant 0 : i32
        %get3A_466 = arith.index_cast %get3A_465 : i32 to index
        %get3A_467 = arith.index_cast %scan3A_297 : i32 to index
        %get3A_468 = arith.constant 176 : index
        %get3A_469 = tpu.vector_load %arg7[%get3A_466, %get3A_467, %get3A_468] {strides = array<i32>} : memref<4x16x512xf32, #tpu.memory_space<vmem>>, vector<1x1x16xf32>,
        %get3A_470 = vector.shape_cast %get3A_469 : vector<1x1x16xf32> to vector<16xf32>
        %get3A_471 = arith.constant 0 : i32
        %get3A_472 = arith.index_cast %get3A_471 : i32 to index
        %get3A_473 = arith.index_cast %scan3A_297 : i32 to index
        %get3A_474 = arith.constant 176 : index
        %get3A_475 = tpu.vector_load %arg8[%get3A_472, %get3A_473, %get3A_474] {strides = array<i32>} : memref<4x16x512xf32, #tpu.memory_space<vmem>>, vector<1x1x16xf32>,
        %get3A_476 = vector.shape_cast %get3A_475 : vector<1x1x16xf32> to vector<16xf32>
        %sub3A_477 = arith.subf %get3A_470, %get3A_476 : vector<16xf32>
        %mul3A_478 = arith.mulf %sub3A_477, %sub3A_477 : vector<16xf32>
        %add3A_479 = arith.addf %add3A_419, %mul3A_478 : vector<16xf32>
        %get3A_480 = arith.constant 0 : i32
        %get3A_481 = arith.index_cast %get3A_480 : i32 to index
        %get3A_482 = arith.index_cast %scan3A_297 : i32 to index
        %get3A_483 = arith.constant 192 : index
        %get3A_484 = tpu.vector_load %arg7[%get3A_481, %get3A_482, %get3A_483] {strides = array<i32>} : memref<4x16x512xf32, #tpu.memory_space<vmem>>, vector<1x1x16xf32>,
        %get3A_485 = vector.shape_cast %get3A_484 : vector<1x1x16xf32> to vector<16xf32>
        %get3A_486 = arith.constant 0 : i32
        %get3A_487 = arith.index_cast %get3A_486 : i32 to index
        %get3A_488 = arith.index_cast %scan3A_297 : i32 to index
        %get3A_489 = arith.constant 192 : index
        %get3A_490 = tpu.vector_load %arg8[%get3A_487, %get3A_488, %get3A_489] {strides = array<i32>} : memref<4x16x512xf32, #tpu.memory_space<vmem>>, vector<1x1x16xf32>,
        %get3A_491 = vector.shape_cast %get3A_490 : vector<1x1x16xf32> to vector<16xf32>
        %sub3A_492 = arith.subf %get3A_485, %get3A_491 : vector<16xf32>
        %mul3A_493 = arith.mulf %sub3A_492, %sub3A_492 : vector<16xf32>
        %add3A_494 = arith.addf %add3A_434, %mul3A_493 : vector<16xf32>
        %get3A_495 = arith.constant 0 : i32
        %get3A_496 = arith.index_cast %get3A_495 : i32 to index
        %get3A_497 = arith.index_cast %scan3A_297 : i32 to index
        %get3A_498 = arith.constant 208 : index
        %get3A_499 = tpu.vector_load %arg7[%get3A_496, %get3A_497, %get3A_498] {strides = array<i32>} : memref<4x16x512xf32, #tpu.memory_space<vmem>>, vector<1x1x16xf32>,
        %get3A_500 = vector.shape_cast %get3A_499 : vector<1x1x16xf32> to vector<16xf32>
        %get3A_501 = arith.constant 0 : i32
        %get3A_502 = arith.index_cast %get3A_501 : i32 to index
        %get3A_503 = arith.index_cast %scan3A_297 : i32 to index
        %get3A_504 = arith.constant 208 : index
        %get3A_505 = tpu.vector_load %arg8[%get3A_502, %get3A_503, %get3A_504] {strides = array<i32>} : memref<4x16x512xf32, #tpu.memory_space<vmem>>, vector<1x1x16xf32>,
        %get3A_506 = vector.shape_cast %get3A_505 : vector<1x1x16xf32> to vector<16xf32>
        %sub3A_507 = arith.subf %get3A_500, %get3A_506 : vector<16xf32>
        %mul3A_508 = arith.mulf %sub3A_507, %sub3A_507 : vector<16xf32>
        %add3A_509 = arith.addf %add3A_449, %mul3A_508 : vector<16xf32>
        %get3A_510 = arith.constant 0 : i32
        %get3A_511 = arith.index_cast %get3A_510 : i32 to index
        %get3A_512 = arith.index_cast %scan3A_297 : i32 to index
        %get3A_513 = arith.constant 224 : index
        %get3A_514 = tpu.vector_load %arg7[%get3A_511, %get3A_512, %get3A_513] {strides = array<i32>} : memref<4x16x512xf32, #tpu.memory_space<vmem>>, vector<1x1x16xf32>,
        %get3A_515 = vector.shape_cast %get3A_514 : vector<1x1x16xf32> to vector<16xf32>
        %get3A_516 = arith.constant 0 : i32
        %get3A_517 = arith.index_cast %get3A_516 : i32 to index
        %get3A_518 = arith.index_cast %scan3A_297 : i32 to index
        %get3A_519 = arith.constant 224 : index
        %get3A_520 = tpu.vector_load %arg8[%get3A_517, %get3A_518, %get3A_519] {strides = array<i32>} : memref<4x16x512xf32, #tpu.memory_space<vmem>>, vector<1x1x16xf32>,
        %get3A_521 = vector.shape_cast %get3A_520 : vector<1x1x16xf32> to vector<16xf32>
        %sub3A_522 = arith.subf %get3A_515, %get3A_521 : vector<16xf32>
        %mul3A_523 = arith.mulf %sub3A_522, %sub3A_522 : vector<16xf32>
        %add3A_524 = arith.addf %add3A_464, %mul3A_523 : vector<16xf32>
        %get3A_525 = arith.constant 0 : i32
        %get3A_526 = arith.index_cast %get3A_525 : i32 to index
        %get3A_527 = arith.index_cast %scan3A_297 : i32 to index
        %get3A_528 = arith.constant 240 : index
        %get3A_529 = tpu.vector_load %arg7[%get3A_526, %get3A_527, %get3A_528] {strides = array<i32>} : memref<4x16x512xf32, #tpu.memory_space<vmem>>, vector<1x1x16xf32>,
        %get3A_530 = vector.shape_cast %get3A_529 : vector<1x1x16xf32> to vector<16xf32>
        %get3A_531 = arith.constant 0 : i32
        %get3A_532 = arith.index_cast %get3A_531 : i32 to index
        %get3A_533 = arith.index_cast %scan3A_297 : i32 to index
        %get3A_534 = arith.constant 240 : index
        %get3A_535 = tpu.vector_load %arg8[%get3A_532, %get3A_533, %get3A_534] {strides = array<i32>} : memref<4x16x512xf32, #tpu.memory_space<vmem>>, vector<1x1x16xf32>,
        %get3A_536 = vector.shape_cast %get3A_535 : vector<1x1x16xf32> to vector<16xf32>
        %sub3A_537 = arith.subf %get3A_530, %get3A_536 : vector<16xf32>
        %mul3A_538 = arith.mulf %sub3A_537, %sub3A_537 : vector<16xf32>
        %add3A_539 = arith.addf %add3A_479, %mul3A_538 : vector<16xf32>
        %get3A_540 = arith.constant 0 : i32
        %get3A_541 = arith.index_cast %get3A_540 : i32 to index
        %get3A_542 = arith.index_cast %scan3A_297 : i32 to index
        %get3A_543 = arith.constant 256 : index
        %get3A_544 = tpu.vector_load %arg7[%get3A_541, %get3A_542, %get3A_543] {strides = array<i32>} : memref<4x16x512xf32, #tpu.memory_space<vmem>>, vector<1x1x16xf32>,
        %get3A_545 = vector.shape_cast %get3A_544 : vector<1x1x16xf32> to vector<16xf32>
        %get3A_546 = arith.constant 0 : i32
        %get3A_547 = arith.index_cast %get3A_546 : i32 to index
        %get3A_548 = arith.index_cast %scan3A_297 : i32 to index
        %get3A_549 = arith.constant 256 : index
        %get3A_550 = tpu.vector_load %arg8[%get3A_547, %get3A_548, %get3A_549] {strides = array<i32>} : memref<4x16x512xf32, #tpu.memory_space<vmem>>, vector<1x1x16xf32>,
        %get3A_551 = vector.shape_cast %get3A_550 : vector<1x1x16xf32> to vector<16xf32>
        %sub3A_552 = arith.subf %get3A_545, %get3A_551 : vector<16xf32>
        %mul3A_553 = arith.mulf %sub3A_552, %sub3A_552 : vector<16xf32>
        %add3A_554 = arith.addf %add3A_494, %mul3A_553 : vector<16xf32>
        %get3A_555 = arith.constant 0 : i32
        %get3A_556 = arith.index_cast %get3A_555 : i32 to index
        %get3A_557 = arith.index_cast %scan3A_297 : i32 to index
        %get3A_558 = arith.constant 272 : index
        %get3A_559 = tpu.vector_load %arg7[%get3A_556, %get3A_557, %get3A_558] {strides = array<i32>} : memref<4x16x512xf32, #tpu.memory_space<vmem>>, vector<1x1x16xf32>,
        %get3A_560 = vector.shape_cast %get3A_559 : vector<1x1x16xf32> to vector<16xf32>
        %get3A_561 = arith.constant 0 : i32
        %get3A_562 = arith.index_cast %get3A_561 : i32 to index
        %get3A_563 = arith.index_cast %scan3A_297 : i32 to index
        %get3A_564 = arith.constant 272 : index
        %get3A_565 = tpu.vector_load %arg8[%get3A_562, %get3A_563, %get3A_564] {strides = array<i32>} : memref<4x16x512xf32, #tpu.memory_space<vmem>>, vector<1x1x16xf32>,
        %get3A_566 = vector.shape_cast %get3A_565 : vector<1x1x16xf32> to vector<16xf32>
        %sub3A_567 = arith.subf %get3A_560, %get3A_566 : vector<16xf32>
        %mul3A_568 = arith.mulf %sub3A_567, %sub3A_567 : vector<16xf32>
        %add3A_569 = arith.addf %add3A_509, %mul3A_568 : vector<16xf32>
        %get3A_570 = arith.constant 0 : i32
        %get3A_571 = arith.index_cast %get3A_570 : i32 to index
        %get3A_572 = arith.index_cast %scan3A_297 : i32 to index
        %get3A_573 = arith.constant 288 : index
        %get3A_574 = tpu.vector_load %arg7[%get3A_571, %get3A_572, %get3A_573] {strides = array<i32>} : memref<4x16x512xf32, #tpu.memory_space<vmem>>, vector<1x1x16xf32>,
        %get3A_575 = vector.shape_cast %get3A_574 : vector<1x1x16xf32> to vector<16xf32>
        %get3A_576 = arith.constant 0 : i32
        %get3A_577 = arith.index_cast %get3A_576 : i32 to index
        %get3A_578 = arith.index_cast %scan3A_297 : i32 to index
        %get3A_579 = arith.constant 288 : index
        %get3A_580 = tpu.vector_load %arg8[%get3A_577, %get3A_578, %get3A_579] {strides = array<i32>} : memref<4x16x512xf32, #tpu.memory_space<vmem>>, vector<1x1x16xf32>,
        %get3A_581 = vector.shape_cast %get3A_580 : vector<1x1x16xf32> to vector<16xf32>
        %sub3A_582 = arith.subf %get3A_575, %get3A_581 : vector<16xf32>
        %mul3A_583 = arith.mulf %sub3A_582, %sub3A_582 : vector<16xf32>
        %add3A_584 = arith.addf %add3A_524, %mul3A_583 : vector<16xf32>
        %get3A_585 = arith.constant 0 : i32
        %get3A_586 = arith.index_cast %get3A_585 : i32 to index
        %get3A_587 = arith.index_cast %scan3A_297 : i32 to index
        %get3A_588 = arith.constant 304 : index
        %get3A_589 = tpu.vector_load %arg7[%get3A_586, %get3A_587, %get3A_588] {strides = array<i32>} : memref<4x16x512xf32, #tpu.memory_space<vmem>>, vector<1x1x16xf32>,
        %get3A_590 = vector.shape_cast %get3A_589 : vector<1x1x16xf32> to vector<16xf32>
        %get3A_591 = arith.constant 0 : i32
        %get3A_592 = arith.index_cast %get3A_591 : i32 to index
        %get3A_593 = arith.index_cast %scan3A_297 : i32 to index
        %get3A_594 = arith.constant 304 : index
        %get3A_595 = tpu.vector_load %arg8[%get3A_592, %get3A_593, %get3A_594] {strides = array<i32>} : memref<4x16x512xf32, #tpu.memory_space<vmem>>, vector<1x1x16xf32>,
        %get3A_596 = vector.shape_cast %get3A_595 : vector<1x1x16xf32> to vector<16xf32>
        %sub3A_597 = arith.subf %get3A_590, %get3A_596 : vector<16xf32>
        %mul3A_598 = arith.mulf %sub3A_597, %sub3A_597 : vector<16xf32>
        %add3A_599 = arith.addf %add3A_539, %mul3A_598 : vector<16xf32>
        %get3A_600 = arith.constant 0 : i32
        %get3A_601 = arith.index_cast %get3A_600 : i32 to index
        %get3A_602 = arith.index_cast %scan3A_297 : i32 to index
        %get3A_603 = arith.constant 320 : index
        %get3A_604 = tpu.vector_load %arg7[%get3A_601, %get3A_602, %get3A_603] {strides = array<i32>} : memref<4x16x512xf32, #tpu.memory_space<vmem>>, vector<1x1x16xf32>,
        %get3A_605 = vector.shape_cast %get3A_604 : vector<1x1x16xf32> to vector<16xf32>
        %get3A_606 = arith.constant 0 : i32
        %get3A_607 = arith.index_cast %get3A_606 : i32 to index
        %get3A_608 = arith.index_cast %scan3A_297 : i32 to index
        %get3A_609 = arith.constant 320 : index
        %get3A_610 = tpu.vector_load %arg8[%get3A_607, %get3A_608, %get3A_609] {strides = array<i32>} : memref<4x16x512xf32, #tpu.memory_space<vmem>>, vector<1x1x16xf32>,
        %get3A_611 = vector.shape_cast %get3A_610 : vector<1x1x16xf32> to vector<16xf32>
        %sub3A_612 = arith.subf %get3A_605, %get3A_611 : vector<16xf32>
        %mul3A_613 = arith.mulf %sub3A_612, %sub3A_612 : vector<16xf32>
        %add3A_614 = arith.addf %add3A_554, %mul3A_613 : vector<16xf32>
        %get3A_615 = arith.constant 0 : i32
        %get3A_616 = arith.index_cast %get3A_615 : i32 to index
        %get3A_617 = arith.index_cast %scan3A_297 : i32 to index
        %get3A_618 = arith.constant 336 : index
        %get3A_619 = tpu.vector_load %arg7[%get3A_616, %get3A_617, %get3A_618] {strides = array<i32>} : memref<4x16x512xf32, #tpu.memory_space<vmem>>, vector<1x1x16xf32>,
        %get3A_620 = vector.shape_cast %get3A_619 : vector<1x1x16xf32> to vector<16xf32>
        %get3A_621 = arith.constant 0 : i32
        %get3A_622 = arith.index_cast %get3A_621 : i32 to index
        %get3A_623 = arith.index_cast %scan3A_297 : i32 to index
        %get3A_624 = arith.constant 336 : index
        %get3A_625 = tpu.vector_load %arg8[%get3A_622, %get3A_623, %get3A_624] {strides = array<i32>} : memref<4x16x512xf32, #tpu.memory_space<vmem>>, vector<1x1x16xf32>,
        %get3A_626 = vector.shape_cast %get3A_625 : vector<1x1x16xf32> to vector<16xf32>
        %sub3A_627 = arith.subf %get3A_620, %get3A_626 : vector<16xf32>
        %mul3A_628 = arith.mulf %sub3A_627, %sub3A_627 : vector<16xf32>
        %add3A_629 = arith.addf %add3A_569, %mul3A_628 : vector<16xf32>
        %get3A_630 = arith.constant 0 : i32
        %get3A_631 = arith.index_cast %get3A_630 : i32 to index
        %get3A_632 = arith.index_cast %scan3A_297 : i32 to index
        %get3A_633 = arith.constant 352 : index
        %get3A_634 = tpu.vector_load %arg7[%get3A_631, %get3A_632, %get3A_633] {strides = array<i32>} : memref<4x16x512xf32, #tpu.memory_space<vmem>>, vector<1x1x16xf32>,
        %get3A_635 = vector.shape_cast %get3A_634 : vector<1x1x16xf32> to vector<16xf32>
        %get3A_636 = arith.constant 0 : i32
        %get3A_637 = arith.index_cast %get3A_636 : i32 to index
        %get3A_638 = arith.index_cast %scan3A_297 : i32 to index
        %get3A_639 = arith.constant 352 : index
        %get3A_640 = tpu.vector_load %arg8[%get3A_637, %get3A_638, %get3A_639] {strides = array<i32>} : memref<4x16x512xf32, #tpu.memory_space<vmem>>, vector<1x1x16xf32>,
        %get3A_641 = vector.shape_cast %get3A_640 : vector<1x1x16xf32> to vector<16xf32>
        %sub3A_642 = arith.subf %get3A_635, %get3A_641 : vector<16xf32>
        %mul3A_643 = arith.mulf %sub3A_642, %sub3A_642 : vector<16xf32>
        %add3A_644 = arith.addf %add3A_584, %mul3A_643 : vector<16xf32>
        %get3A_645 = arith.constant 0 : i32
        %get3A_646 = arith.index_cast %get3A_645 : i32 to index
        %get3A_647 = arith.index_cast %scan3A_297 : i32 to index
        %get3A_648 = arith.constant 368 : index
        %get3A_649 = tpu.vector_load %arg7[%get3A_646, %get3A_647, %get3A_648] {strides = array<i32>} : memref<4x16x512xf32, #tpu.memory_space<vmem>>, vector<1x1x16xf32>,
        %get3A_650 = vector.shape_cast %get3A_649 : vector<1x1x16xf32> to vector<16xf32>
        %get3A_651 = arith.constant 0 : i32
        %get3A_652 = arith.index_cast %get3A_651 : i32 to index
        %get3A_653 = arith.index_cast %scan3A_297 : i32 to index
        %get3A_654 = arith.constant 368 : index
        %get3A_655 = tpu.vector_load %arg8[%get3A_652, %get3A_653, %get3A_654] {strides = array<i32>} : memref<4x16x512xf32, #tpu.memory_space<vmem>>, vector<1x1x16xf32>,
        %get3A_656 = vector.shape_cast %get3A_655 : vector<1x1x16xf32> to vector<16xf32>
        %sub3A_657 = arith.subf %get3A_650, %get3A_656 : vector<16xf32>
        %mul3A_658 = arith.mulf %sub3A_657, %sub3A_657 : vector<16xf32>
        %add3A_659 = arith.addf %add3A_599, %mul3A_658 : vector<16xf32>
        %get3A_660 = arith.constant 0 : i32
        %get3A_661 = arith.index_cast %get3A_660 : i32 to index
        %get3A_662 = arith.index_cast %scan3A_297 : i32 to index
        %get3A_663 = arith.constant 384 : index
        %get3A_664 = tpu.vector_load %arg7[%get3A_661, %get3A_662, %get3A_663] {strides = array<i32>} : memref<4x16x512xf32, #tpu.memory_space<vmem>>, vector<1x1x16xf32>,
        %get3A_665 = vector.shape_cast %get3A_664 : vector<1x1x16xf32> to vector<16xf32>
        %get3A_666 = arith.constant 0 : i32
        %get3A_667 = arith.index_cast %get3A_666 : i32 to index
        %get3A_668 = arith.index_cast %scan3A_297 : i32 to index
        %get3A_669 = arith.constant 384 : index
        %get3A_670 = tpu.vector_load %arg8[%get3A_667, %get3A_668, %get3A_669] {strides = array<i32>} : memref<4x16x512xf32, #tpu.memory_space<vmem>>, vector<1x1x16xf32>,
        %get3A_671 = vector.shape_cast %get3A_670 : vector<1x1x16xf32> to vector<16xf32>
        %sub3A_672 = arith.subf %get3A_665, %get3A_671 : vector<16xf32>
        %mul3A_673 = arith.mulf %sub3A_672, %sub3A_672 : vector<16xf32>
        %add3A_674 = arith.addf %add3A_614, %mul3A_673 : vector<16xf32>
        %get3A_675 = arith.constant 0 : i32
        %get3A_676 = arith.index_cast %get3A_675 : i32 to index
        %get3A_677 = arith.index_cast %scan3A_297 : i32 to index
        %get3A_678 = arith.constant 400 : index
        %get3A_679 = tpu.vector_load %arg7[%get3A_676, %get3A_677, %get3A_678] {strides = array<i32>} : memref<4x16x512xf32, #tpu.memory_space<vmem>>, vector<1x1x16xf32>,
        %get3A_680 = vector.shape_cast %get3A_679 : vector<1x1x16xf32> to vector<16xf32>
        %get3A_681 = arith.constant 0 : i32
        %get3A_682 = arith.index_cast %get3A_681 : i32 to index
        %get3A_683 = arith.index_cast %scan3A_297 : i32 to index
        %get3A_684 = arith.constant 400 : index
        %get3A_685 = tpu.vector_load %arg8[%get3A_682, %get3A_683, %get3A_684] {strides = array<i32>} : memref<4x16x512xf32, #tpu.memory_space<vmem>>, vector<1x1x16xf32>,
        %get3A_686 = vector.shape_cast %get3A_685 : vector<1x1x16xf32> to vector<16xf32>
        %sub3A_687 = arith.subf %get3A_680, %get3A_686 : vector<16xf32>
        %mul3A_688 = arith.mulf %sub3A_687, %sub3A_687 : vector<16xf32>
        %add3A_689 = arith.addf %add3A_629, %mul3A_688 : vector<16xf32>
        %get3A_690 = arith.constant 0 : i32
        %get3A_691 = arith.index_cast %get3A_690 : i32 to index
        %get3A_692 = arith.index_cast %scan3A_297 : i32 to index
        %get3A_693 = arith.constant 416 : index
        %get3A_694 = tpu.vector_load %arg7[%get3A_691, %get3A_692, %get3A_693] {strides = array<i32>} : memref<4x16x512xf32, #tpu.memory_space<vmem>>, vector<1x1x16xf32>,
        %get3A_695 = vector.shape_cast %get3A_694 : vector<1x1x16xf32> to vector<16xf32>
        %get3A_696 = arith.constant 0 : i32
        %get3A_697 = arith.index_cast %get3A_696 : i32 to index
        %get3A_698 = arith.index_cast %scan3A_297 : i32 to index
        %get3A_699 = arith.constant 416 : index
        %get3A_700 = tpu.vector_load %arg8[%get3A_697, %get3A_698, %get3A_699] {strides = array<i32>} : memref<4x16x512xf32, #tpu.memory_space<vmem>>, vector<1x1x16xf32>,
        %get3A_701 = vector.shape_cast %get3A_700 : vector<1x1x16xf32> to vector<16xf32>
        %sub3A_702 = arith.subf %get3A_695, %get3A_701 : vector<16xf32>
        %mul3A_703 = arith.mulf %sub3A_702, %sub3A_702 : vector<16xf32>
        %add3A_704 = arith.addf %add3A_644, %mul3A_703 : vector<16xf32>
        %get3A_705 = arith.constant 0 : i32
        %get3A_706 = arith.index_cast %get3A_705 : i32 to index
        %get3A_707 = arith.index_cast %scan3A_297 : i32 to index
        %get3A_708 = arith.constant 432 : index
        %get3A_709 = tpu.vector_load %arg7[%get3A_706, %get3A_707, %get3A_708] {strides = array<i32>} : memref<4x16x512xf32, #tpu.memory_space<vmem>>, vector<1x1x16xf32>,
        %get3A_710 = vector.shape_cast %get3A_709 : vector<1x1x16xf32> to vector<16xf32>
        %get3A_711 = arith.constant 0 : i32
        %get3A_712 = arith.index_cast %get3A_711 : i32 to index
        %get3A_713 = arith.index_cast %scan3A_297 : i32 to index
        %get3A_714 = arith.constant 432 : index
        %get3A_715 = tpu.vector_load %arg8[%get3A_712, %get3A_713, %get3A_714] {strides = array<i32>} : memref<4x16x512xf32, #tpu.memory_space<vmem>>, vector<1x1x16xf32>,
        %get3A_716 = vector.shape_cast %get3A_715 : vector<1x1x16xf32> to vector<16xf32>
        %sub3A_717 = arith.subf %get3A_710, %get3A_716 : vector<16xf32>
        %mul3A_718 = arith.mulf %sub3A_717, %sub3A_717 : vector<16xf32>
        %add3A_719 = arith.addf %add3A_659, %mul3A_718 : vector<16xf32>
        %get3A_720 = arith.constant 0 : i32
        %get3A_721 = arith.index_cast %get3A_720 : i32 to index
        %get3A_722 = arith.index_cast %scan3A_297 : i32 to index
        %get3A_723 = arith.constant 448 : index
        %get3A_724 = tpu.vector_load %arg7[%get3A_721, %get3A_722, %get3A_723] {strides = array<i32>} : memref<4x16x512xf32, #tpu.memory_space<vmem>>, vector<1x1x16xf32>,
        %get3A_725 = vector.shape_cast %get3A_724 : vector<1x1x16xf32> to vector<16xf32>
        %get3A_726 = arith.constant 0 : i32
        %get3A_727 = arith.index_cast %get3A_726 : i32 to index
        %get3A_728 = arith.index_cast %scan3A_297 : i32 to index
        %get3A_729 = arith.constant 448 : index
        %get3A_730 = tpu.vector_load %arg8[%get3A_727, %get3A_728, %get3A_729] {strides = array<i32>} : memref<4x16x512xf32, #tpu.memory_space<vmem>>, vector<1x1x16xf32>,
        %get3A_731 = vector.shape_cast %get3A_730 : vector<1x1x16xf32> to vector<16xf32>
        %sub3A_732 = arith.subf %get3A_725, %get3A_731 : vector<16xf32>
        %mul3A_733 = arith.mulf %sub3A_732, %sub3A_732 : vector<16xf32>
        %add3A_734 = arith.addf %add3A_674, %mul3A_733 : vector<16xf32>
        %get3A_735 = arith.constant 0 : i32
        %get3A_736 = arith.index_cast %get3A_735 : i32 to index
        %get3A_737 = arith.index_cast %scan3A_297 : i32 to index
        %get3A_738 = arith.constant 464 : index
        %get3A_739 = tpu.vector_load %arg7[%get3A_736, %get3A_737, %get3A_738] {strides = array<i32>} : memref<4x16x512xf32, #tpu.memory_space<vmem>>, vector<1x1x16xf32>,
        %get3A_740 = vector.shape_cast %get3A_739 : vector<1x1x16xf32> to vector<16xf32>
        %get3A_741 = arith.constant 0 : i32
        %get3A_742 = arith.index_cast %get3A_741 : i32 to index
        %get3A_743 = arith.index_cast %scan3A_297 : i32 to index
        %get3A_744 = arith.constant 464 : index
        %get3A_745 = tpu.vector_load %arg8[%get3A_742, %get3A_743, %get3A_744] {strides = array<i32>} : memref<4x16x512xf32, #tpu.memory_space<vmem>>, vector<1x1x16xf32>,
        %get3A_746 = vector.shape_cast %get3A_745 : vector<1x1x16xf32> to vector<16xf32>
        %sub3A_747 = arith.subf %get3A_740, %get3A_746 : vector<16xf32>
        %mul3A_748 = arith.mulf %sub3A_747, %sub3A_747 : vector<16xf32>
        %add3A_749 = arith.addf %add3A_689, %mul3A_748 : vector<16xf32>
        %get3A_750 = arith.constant 0 : i32
        %get3A_751 = arith.index_cast %get3A_750 : i32 to index
        %get3A_752 = arith.index_cast %scan3A_297 : i32 to index
        %get3A_753 = arith.constant 480 : index
        %get3A_754 = tpu.vector_load %arg7[%get3A_751, %get3A_752, %get3A_753] {strides = array<i32>} : memref<4x16x512xf32, #tpu.memory_space<vmem>>, vector<1x1x16xf32>,
        %get3A_755 = vector.shape_cast %get3A_754 : vector<1x1x16xf32> to vector<16xf32>
        %get3A_756 = arith.constant 0 : i32
        %get3A_757 = arith.index_cast %get3A_756 : i32 to index
        %get3A_758 = arith.index_cast %scan3A_297 : i32 to index
        %get3A_759 = arith.constant 480 : index
        %get3A_760 = tpu.vector_load %arg8[%get3A_757, %get3A_758, %get3A_759] {strides = array<i32>} : memref<4x16x512xf32, #tpu.memory_space<vmem>>, vector<1x1x16xf32>,
        %get3A_761 = vector.shape_cast %get3A_760 : vector<1x1x16xf32> to vector<16xf32>
        %sub3A_762 = arith.subf %get3A_755, %get3A_761 : vector<16xf32>
        %mul3A_763 = arith.mulf %sub3A_762, %sub3A_762 : vector<16xf32>
        %add3A_764 = arith.addf %add3A_704, %mul3A_763 : vector<16xf32>
        %get3A_765 = arith.constant 0 : i32
        %get3A_766 = arith.index_cast %get3A_765 : i32 to index
        %get3A_767 = arith.index_cast %scan3A_297 : i32 to index
        %get3A_768 = arith.constant 496 : index
        %get3A_769 = tpu.vector_load %arg7[%get3A_766, %get3A_767, %get3A_768] {strides = array<i32>} : memref<4x16x512xf32, #tpu.memory_space<vmem>>, vector<1x1x16xf32>,
        %get3A_770 = vector.shape_cast %get3A_769 : vector<1x1x16xf32> to vector<16xf32>
        %get3A_771 = arith.constant 0 : i32
        %get3A_772 = arith.index_cast %get3A_771 : i32 to index
        %get3A_773 = arith.index_cast %scan3A_297 : i32 to index
        %get3A_774 = arith.constant 496 : index
        %get3A_775 = tpu.vector_load %arg8[%get3A_772, %get3A_773, %get3A_774] {strides = array<i32>} : memref<4x16x512xf32, #tpu.memory_space<vmem>>, vector<1x1x16xf32>,
        %get3A_776 = vector.shape_cast %get3A_775 : vector<1x1x16xf32> to vector<16xf32>
        %sub3A_777 = arith.subf %get3A_770, %get3A_776 : vector<16xf32>
        %mul3A_778 = arith.mulf %sub3A_777, %sub3A_777 : vector<16xf32>
        %add3A_779 = arith.addf %add3A_719, %mul3A_778 : vector<16xf32>
        scf.yield %add3A_734, %add3A_749, %add3A_764, %add3A_779 : vector<16xf32>, vector<16xf32>, vector<16xf32>, vector<16xf32>
      }
      %scan3A_160 = arith.constant 16 : i32
      %add3A_161 = arith.constant 4 : i32
      %add3A_162 = arith.addi %add3A_128, %add3A_161 : i32
      %lt3A = arith.constant 8 : i32
      %lt3A_163 = arith.cmpi slt, %add3A_162, %lt3A : i32
      %convert_element_type3A = arith.extui %lt3A_163 : i1 to i32
      %cond3A = arith.constant 0 : i32
      %cond3A_164 = arith.cmpi ne, %convert_element_type3A, %cond3A : i32
      scf.if %cond3A_164 {
        %add3A_297 = arith.constant 4 : i32
        %add3A_298 = arith.addi %add3A_128, %add3A_297 : i32
        %mul3A_299 = arith.constant 16 : i32
        %mul3A_300 = arith.muli %add3A_298, %mul3A_299 : i32
        %add3A_301 = arith.addi %mul3A_2, %mul3A_300 : i32
        %mul3A_302 = arith.constant 16 : i32
        %mul3A_303 = arith.muli %add3A_298, %mul3A_302 : i32
        %dma_start3A_304 = arith.constant 0 : i32
        %dma_start3A_305 = arith.constant 0 : i32
        %dma_start3A_306 = arith.constant 0 : i32
        %dma_start3A_307 = tpu.memref_slice %arg8[%dma_start3A_304, %dma_start3A_305, %dma_start3A_306] : memref<4x16x512xf32, #tpu.memory_space<vmem>> -> memref<1x16x512xf32, #tpu.memory_space<vmem>>
        %dma_start3A_308 = tpu.memref_squeeze %dma_start3A_307 : memref<1x16x512xf32, #tpu.memory_space<vmem>> -> memref<16x512xf32, #tpu.memory_space<vmem>>
        %dma_start3A_309 = tpu.memref_slice %arg6[%mul3A_303] : memref<128xi32, #tpu.memory_space<vmem>> -> memref<16xi32, #tpu.memory_space<vmem>>
        %dma_start3A_310 = arith.constant 0 : i32
        %dma_start3A_311 = arith.constant 0 : i32
        %dma_start3A_312 = tpu.memref_slice %arg4[%dma_start3A_310, %dma_start3A_311] : memref<1000x512xf32, #tpu.memory_space<hbm>> -> memref<1000x512xf32, #tpu.memory_space<hbm>>
        tpu.enqueue_indirect_dma source(%dma_start3A_312 : memref<1000x512xf32, #tpu.memory_space<hbm>>) target(%dma_start3A_308 : memref<16x512xf32, #tpu.memory_space<vmem>>) offsets(%dma_start3A_309 : memref<16xi32, #tpu.memory_space<vmem>>) semaphore(%arg14 : memref<!tpu.dma_semaphore, #tpu.memory_space<semaphore_mem>>)
        %dma_start3A_313 = arith.constant 0 : i32
        %dma_start3A_314 = arith.constant 0 : i32
        %dma_start3A_315 = arith.constant 0 : i32
        %dma_start3A_316 = tpu.memref_slice %arg7[%dma_start3A_313, %dma_start3A_314, %dma_start3A_315] : memref<4x16x512xf32, #tpu.memory_space<vmem>> -> memref<1x16x512xf32, #tpu.memory_space<vmem>>
        %dma_start3A_317 = tpu.memref_squeeze %dma_start3A_316 : memref<1x16x512xf32, #tpu.memory_space<vmem>> -> memref<16x512xf32, #tpu.memory_space<vmem>>
        %dma_start3A_318 = arith.constant 0 : i32
        %dma_start3A_319 = tpu.memref_slice %arg2[%add3A_301, %dma_start3A_318] : memref<4096x512xf32, #tpu.memory_space<hbm>> -> memref<16x512xf32, #tpu.memory_space<hbm>>
        %dma_start3A_320 = arith.constant 0 : i32
        %dma_start3A_321 = arith.constant 0 : i32
        %dma_start3A_322 = tpu.memref_slice %arg7[%dma_start3A_313, %dma_start3A_320, %dma_start3A_321] : memref<4x16x512xf32, #tpu.memory_space<vmem>> -> memref<1x16x512xf32, #tpu.memory_space<vmem>>
        %dma_start3A_323 = tpu.memref_squeeze %dma_start3A_322 : memref<1x16x512xf32, #tpu.memory_space<vmem>> -> memref<16x512xf32, #tpu.memory_space<vmem>>
        %dma_start3A_324 = arith.constant 0 : i32
        %dma_start3A_325 = tpu.memref_slice %arg2[%add3A_301, %dma_start3A_324] : memref<4096x512xf32, #tpu.memory_space<hbm>> -> memref<16x512xf32, #tpu.memory_space<hbm>>
        tpu.enqueue_dma source(%dma_start3A_325 : memref<16x512xf32, #tpu.memory_space<hbm>>) target(%dma_start3A_323 : memref<16x512xf32, #tpu.memory_space<vmem>>) target_semaphore(%arg10 : memref<!tpu.dma_semaphore, #tpu.memory_space<semaphore_mem>>)
      } else {
      }
      %mul3A_165 = arith.constant 4 : i32
      %mul3A_166 = arith.muli %scan3A_120, %mul3A_165 : i32
      %add3A_167 = arith.constant 1 : i32
      %add3A_168 = arith.addi %mul3A_166, %add3A_167 : i32
      %mul3A_169 = arith.constant 16 : i32
      %mul3A_170 = arith.muli %add3A_168, %mul3A_169 : i32
      %add3A_171 = arith.addi %mul3A_2, %mul3A_170 : i32
      %dma_wait3A_172 = arith.constant 1 : i32
      %dma_wait3A_173 = arith.constant 0 : i32
      %dma_wait3A_174 = arith.constant 0 : i32
      %dma_wait3A_175 = tpu.memref_slice %arg7[%dma_wait3A_172, %dma_wait3A_173, %dma_wait3A_174] : memref<4x16x512xf32, #tpu.memory_space<vmem>> -> memref<1x16x512xf32, #tpu.memory_space<vmem>>
      %dma_wait3A_176 = tpu.memref_squeeze %dma_wait3A_175 : memref<1x16x512xf32, #tpu.memory_space<vmem>> -> memref<16x512xf32, #tpu.memory_space<vmem>>
      %dma_wait3A_177 = arith.constant 0 : i32
      %dma_wait3A_178 = tpu.memref_slice %arg2[%add3A_171, %dma_wait3A_177] : memref<4096x512xf32, #tpu.memory_space<hbm>> -> memref<16x512xf32, #tpu.memory_space<hbm>>
      %dma_wait3A_179 = arith.constant 0 : i32
      %dma_wait3A_180 = arith.constant 0 : i32
      %dma_wait3A_181 = tpu.memref_slice %arg7[%dma_wait3A_172, %dma_wait3A_179, %dma_wait3A_180] : memref<4x16x512xf32, #tpu.memory_space<vmem>> -> memref<1x16x512xf32, #tpu.memory_space<vmem>>
      %dma_wait3A_182 = tpu.memref_squeeze %dma_wait3A_181 : memref<1x16x512xf32, #tpu.memory_space<vmem>> -> memref<16x512xf32, #tpu.memory_space<vmem>>
      %dma_wait3A_183 = arith.constant 0 : i32
      %dma_wait3A_184 = tpu.memref_slice %arg2[%add3A_171, %dma_wait3A_183] : memref<4096x512xf32, #tpu.memory_space<hbm>> -> memref<16x512xf32, #tpu.memory_space<hbm>>
      tpu.wait_dma2 semaphore(%arg11 : memref<!tpu.dma_semaphore, #tpu.memory_space<semaphore_mem>>) src(%dma_wait3A_184 : memref<16x512xf32, #tpu.memory_space<hbm>>) dst(%dma_wait3A_182 : memref<16x512xf32, #tpu.memory_space<vmem>>)
      %mul3A_185 = arith.constant 16 : i32
      %mul3A_186 = arith.muli %add3A_168, %mul3A_185 : i32
      %dma_wait3A_187 = arith.constant 1 : i32
      %dma_wait3A_188 = arith.constant 0 : i32
      %dma_wait3A_189 = arith.constant 0 : i32
      %dma_wait3A_190 = tpu.memref_slice %arg8[%dma_wait3A_187, %dma_wait3A_188, %dma_wait3A_189] : memref<4x16x512xf32, #tpu.memory_space<vmem>> -> memref<1x16x512xf32, #tpu.memory_space<vmem>>
      %dma_wait3A_191 = tpu.memref_squeeze %dma_wait3A_190 : memref<1x16x512xf32, #tpu.memory_space<vmem>> -> memref<16x512xf32, #tpu.memory_space<vmem>>
      %dma_wait3A_192 = tpu.memref_slice %arg6[%mul3A_186] : memref<128xi32, #tpu.memory_space<vmem>> -> memref<16xi32, #tpu.memory_space<vmem>>
      %dma_wait3A_193 = arith.constant 0 : i32
      %dma_wait3A_194 = arith.constant 0 : i32
      %dma_wait3A_195 = tpu.memref_slice %arg4[%dma_wait3A_193, %dma_wait3A_194] : memref<1000x512xf32, #tpu.memory_space<hbm>> -> memref<1000x512xf32, #tpu.memory_space<hbm>>
      tpu.wait_indirect_dma semaphore(%arg15 : memref<!tpu.dma_semaphore, #tpu.memory_space<semaphore_mem>>) src(%dma_wait3A_195 : memref<1000x512xf32, #tpu.memory_space<hbm>>) dst(%dma_wait3A_191 : memref<16x512xf32, #tpu.memory_space<vmem>>)
      %scan3A_196 = arith.constant 0 : i32
      %scan3A_197 = arith.constant 16 : i32
      %scan3A_198 = arith.addi %scan3A_196, %scan3A_197 : i32
      %scan3A_199 = arith.constant 1 : i32
      %scan3A_200:4 = scf.for %scan3A_297 = %scan3A_196 to %scan3A_198 step %scan3A_199 iter_args(%scan3A_298 = %scan3A_159#0, %scan3A_299 = %scan3A_159#1, %scan3A_300 = %scan3A_159#2, %scan3A_301 = %scan3A_159#3) -> (vector<16xf32>, vector<16xf32>, vector<16xf32>, vector<16xf32>)  : i32 {
        %get3A = arith.constant 1 : i32
        %get3A_302 = arith.index_cast %get3A : i32 to index
        %get3A_303 = arith.index_cast %scan3A_297 : i32 to index
        %get3A_304 = arith.constant 0 : index
        %get3A_305 = tpu.vector_load %arg7[%get3A_302, %get3A_303, %get3A_304] {strides = array<i32>} : memref<4x16x512xf32, #tpu.memory_space<vmem>>, vector<1x1x16xf32>,
        %get3A_306 = vector.shape_cast %get3A_305 : vector<1x1x16xf32> to vector<16xf32>
        %get3A_307 = arith.constant 1 : i32
        %get3A_308 = arith.index_cast %get3A_307 : i32 to index
        %get3A_309 = arith.index_cast %scan3A_297 : i32 to index
        %get3A_310 = arith.constant 0 : index
        %get3A_311 = tpu.vector_load %arg8[%get3A_308, %get3A_309, %get3A_310] {strides = array<i32>} : memref<4x16x512xf32, #tpu.memory_space<vmem>>, vector<1x1x16xf32>,
        %get3A_312 = vector.shape_cast %get3A_311 : vector<1x1x16xf32> to vector<16xf32>
        %sub3A = arith.subf %get3A_306, %get3A_312 : vector<16xf32>
        %mul3A_313 = arith.mulf %sub3A, %sub3A : vector<16xf32>
        %add3A_314 = arith.addf %scan3A_298, %mul3A_313 : vector<16xf32>
        %get3A_315 = arith.constant 1 : i32
        %get3A_316 = arith.index_cast %get3A_315 : i32 to index
        %get3A_317 = arith.index_cast %scan3A_297 : i32 to index
        %get3A_318 = arith.constant 16 : index
        %get3A_319 = tpu.vector_load %arg7[%get3A_316, %get3A_317, %get3A_318] {strides = array<i32>} : memref<4x16x512xf32, #tpu.memory_space<vmem>>, vector<1x1x16xf32>,
        %get3A_320 = vector.shape_cast %get3A_319 : vector<1x1x16xf32> to vector<16xf32>
        %get3A_321 = arith.constant 1 : i32
        %get3A_322 = arith.index_cast %get3A_321 : i32 to index
        %get3A_323 = arith.index_cast %scan3A_297 : i32 to index
        %get3A_324 = arith.constant 16 : index
        %get3A_325 = tpu.vector_load %arg8[%get3A_322, %get3A_323, %get3A_324] {strides = array<i32>} : memref<4x16x512xf32, #tpu.memory_space<vmem>>, vector<1x1x16xf32>,
        %get3A_326 = vector.shape_cast %get3A_325 : vector<1x1x16xf32> to vector<16xf32>
        %sub3A_327 = arith.subf %get3A_320, %get3A_326 : vector<16xf32>
        %mul3A_328 = arith.mulf %sub3A_327, %sub3A_327 : vector<16xf32>
        %add3A_329 = arith.addf %scan3A_299, %mul3A_328 : vector<16xf32>
        %get3A_330 = arith.constant 1 : i32
        %get3A_331 = arith.index_cast %get3A_330 : i32 to index
        %get3A_332 = arith.index_cast %scan3A_297 : i32 to index
        %get3A_333 = arith.constant 32 : index
        %get3A_334 = tpu.vector_load %arg7[%get3A_331, %get3A_332, %get3A_333] {strides = array<i32>} : memref<4x16x512xf32, #tpu.memory_space<vmem>>, vector<1x1x16xf32>,
        %get3A_335 = vector.shape_cast %get3A_334 : vector<1x1x16xf32> to vector<16xf32>
        %get3A_336 = arith.constant 1 : i32
        %get3A_337 = arith.index_cast %get3A_336 : i32 to index
        %get3A_338 = arith.index_cast %scan3A_297 : i32 to index
        %get3A_339 = arith.constant 32 : index
        %get3A_340 = tpu.vector_load %arg8[%get3A_337, %get3A_338, %get3A_339] {strides = array<i32>} : memref<4x16x512xf32, #tpu.memory_space<vmem>>, vector<1x1x16xf32>,
        %get3A_341 = vector.shape_cast %get3A_340 : vector<1x1x16xf32> to vector<16xf32>
        %sub3A_342 = arith.subf %get3A_335, %get3A_341 : vector<16xf32>
        %mul3A_343 = arith.mulf %sub3A_342, %sub3A_342 : vector<16xf32>
        %add3A_344 = arith.addf %scan3A_300, %mul3A_343 : vector<16xf32>
        %get3A_345 = arith.constant 1 : i32
        %get3A_346 = arith.index_cast %get3A_345 : i32 to index
        %get3A_347 = arith.index_cast %scan3A_297 : i32 to index
        %get3A_348 = arith.constant 48 : index
        %get3A_349 = tpu.vector_load %arg7[%get3A_346, %get3A_347, %get3A_348] {strides = array<i32>} : memref<4x16x512xf32, #tpu.memory_space<vmem>>, vector<1x1x16xf32>,
        %get3A_350 = vector.shape_cast %get3A_349 : vector<1x1x16xf32> to vector<16xf32>
        %get3A_351 = arith.constant 1 : i32
        %get3A_352 = arith.index_cast %get3A_351 : i32 to index
        %get3A_353 = arith.index_cast %scan3A_297 : i32 to index
        %get3A_354 = arith.constant 48 : index
        %get3A_355 = tpu.vector_load %arg8[%get3A_352, %get3A_353, %get3A_354] {strides = array<i32>} : memref<4x16x512xf32, #tpu.memory_space<vmem>>, vector<1x1x16xf32>,
        %get3A_356 = vector.shape_cast %get3A_355 : vector<1x1x16xf32> to vector<16xf32>
        %sub3A_357 = arith.subf %get3A_350, %get3A_356 : vector<16xf32>
        %mul3A_358 = arith.mulf %sub3A_357, %sub3A_357 : vector<16xf32>
        %add3A_359 = arith.addf %scan3A_301, %mul3A_358 : vector<16xf32>
        %get3A_360 = arith.constant 1 : i32
        %get3A_361 = arith.index_cast %get3A_360 : i32 to index
        %get3A_362 = arith.index_cast %scan3A_297 : i32 to index
        %get3A_363 = arith.constant 64 : index
        %get3A_364 = tpu.vector_load %arg7[%get3A_361, %get3A_362, %get3A_363] {strides = array<i32>} : memref<4x16x512xf32, #tpu.memory_space<vmem>>, vector<1x1x16xf32>,
        %get3A_365 = vector.shape_cast %get3A_364 : vector<1x1x16xf32> to vector<16xf32>
        %get3A_366 = arith.constant 1 : i32
        %get3A_367 = arith.index_cast %get3A_366 : i32 to index
        %get3A_368 = arith.index_cast %scan3A_297 : i32 to index
        %get3A_369 = arith.constant 64 : index
        %get3A_370 = tpu.vector_load %arg8[%get3A_367, %get3A_368, %get3A_369] {strides = array<i32>} : memref<4x16x512xf32, #tpu.memory_space<vmem>>, vector<1x1x16xf32>,
        %get3A_371 = vector.shape_cast %get3A_370 : vector<1x1x16xf32> to vector<16xf32>
        %sub3A_372 = arith.subf %get3A_365, %get3A_371 : vector<16xf32>
        %mul3A_373 = arith.mulf %sub3A_372, %sub3A_372 : vector<16xf32>
        %add3A_374 = arith.addf %add3A_314, %mul3A_373 : vector<16xf32>
        %get3A_375 = arith.constant 1 : i32
        %get3A_376 = arith.index_cast %get3A_375 : i32 to index
        %get3A_377 = arith.index_cast %scan3A_297 : i32 to index
        %get3A_378 = arith.constant 80 : index
        %get3A_379 = tpu.vector_load %arg7[%get3A_376, %get3A_377, %get3A_378] {strides = array<i32>} : memref<4x16x512xf32, #tpu.memory_space<vmem>>, vector<1x1x16xf32>,
        %get3A_380 = vector.shape_cast %get3A_379 : vector<1x1x16xf32> to vector<16xf32>
        %get3A_381 = arith.constant 1 : i32
        %get3A_382 = arith.index_cast %get3A_381 : i32 to index
        %get3A_383 = arith.index_cast %scan3A_297 : i32 to index
        %get3A_384 = arith.constant 80 : index
        %get3A_385 = tpu.vector_load %arg8[%get3A_382, %get3A_383, %get3A_384] {strides = array<i32>} : memref<4x16x512xf32, #tpu.memory_space<vmem>>, vector<1x1x16xf32>,
        %get3A_386 = vector.shape_cast %get3A_385 : vector<1x1x16xf32> to vector<16xf32>
        %sub3A_387 = arith.subf %get3A_380, %get3A_386 : vector<16xf32>
        %mul3A_388 = arith.mulf %sub3A_387, %sub3A_387 : vector<16xf32>
        %add3A_389 = arith.addf %add3A_329, %mul3A_388 : vector<16xf32>
        %get3A_390 = arith.constant 1 : i32
        %get3A_391 = arith.index_cast %get3A_390 : i32 to index
        %get3A_392 = arith.index_cast %scan3A_297 : i32 to index
        %get3A_393 = arith.constant 96 : index
        %get3A_394 = tpu.vector_load %arg7[%get3A_391, %get3A_392, %get3A_393] {strides = array<i32>} : memref<4x16x512xf32, #tpu.memory_space<vmem>>, vector<1x1x16xf32>,
        %get3A_395 = vector.shape_cast %get3A_394 : vector<1x1x16xf32> to vector<16xf32>
        %get3A_396 = arith.constant 1 : i32
        %get3A_397 = arith.index_cast %get3A_396 : i32 to index
        %get3A_398 = arith.index_cast %scan3A_297 : i32 to index
        %get3A_399 = arith.constant 96 : index
        %get3A_400 = tpu.vector_load %arg8[%get3A_397, %get3A_398, %get3A_399] {strides = array<i32>} : memref<4x16x512xf32, #tpu.memory_space<vmem>>, vector<1x1x16xf32>,
        %get3A_401 = vector.shape_cast %get3A_400 : vector<1x1x16xf32> to vector<16xf32>
        %sub3A_402 = arith.subf %get3A_395, %get3A_401 : vector<16xf32>
        %mul3A_403 = arith.mulf %sub3A_402, %sub3A_402 : vector<16xf32>
        %add3A_404 = arith.addf %add3A_344, %mul3A_403 : vector<16xf32>
        %get3A_405 = arith.constant 1 : i32
        %get3A_406 = arith.index_cast %get3A_405 : i32 to index
        %get3A_407 = arith.index_cast %scan3A_297 : i32 to index
        %get3A_408 = arith.constant 112 : index
        %get3A_409 = tpu.vector_load %arg7[%get3A_406, %get3A_407, %get3A_408] {strides = array<i32>} : memref<4x16x512xf32, #tpu.memory_space<vmem>>, vector<1x1x16xf32>,
        %get3A_410 = vector.shape_cast %get3A_409 : vector<1x1x16xf32> to vector<16xf32>
        %get3A_411 = arith.constant 1 : i32
        %get3A_412 = arith.index_cast %get3A_411 : i32 to index
        %get3A_413 = arith.index_cast %scan3A_297 : i32 to index
        %get3A_414 = arith.constant 112 : index
        %get3A_415 = tpu.vector_load %arg8[%get3A_412, %get3A_413, %get3A_414] {strides = array<i32>} : memref<4x16x512xf32, #tpu.memory_space<vmem>>, vector<1x1x16xf32>,
        %get3A_416 = vector.shape_cast %get3A_415 : vector<1x1x16xf32> to vector<16xf32>
        %sub3A_417 = arith.subf %get3A_410, %get3A_416 : vector<16xf32>
        %mul3A_418 = arith.mulf %sub3A_417, %sub3A_417 : vector<16xf32>
        %add3A_419 = arith.addf %add3A_359, %mul3A_418 : vector<16xf32>
        %get3A_420 = arith.constant 1 : i32
        %get3A_421 = arith.index_cast %get3A_420 : i32 to index
        %get3A_422 = arith.index_cast %scan3A_297 : i32 to index
        %get3A_423 = arith.constant 128 : index
        %get3A_424 = tpu.vector_load %arg7[%get3A_421, %get3A_422, %get3A_423] {strides = array<i32>} : memref<4x16x512xf32, #tpu.memory_space<vmem>>, vector<1x1x16xf32>,
        %get3A_425 = vector.shape_cast %get3A_424 : vector<1x1x16xf32> to vector<16xf32>
        %get3A_426 = arith.constant 1 : i32
        %get3A_427 = arith.index_cast %get3A_426 : i32 to index
        %get3A_428 = arith.index_cast %scan3A_297 : i32 to index
        %get3A_429 = arith.constant 128 : index
        %get3A_430 = tpu.vector_load %arg8[%get3A_427, %get3A_428, %get3A_429] {strides = array<i32>} : memref<4x16x512xf32, #tpu.memory_space<vmem>>, vector<1x1x16xf32>,
        %get3A_431 = vector.shape_cast %get3A_430 : vector<1x1x16xf32> to vector<16xf32>
        %sub3A_432 = arith.subf %get3A_425, %get3A_431 : vector<16xf32>
        %mul3A_433 = arith.mulf %sub3A_432, %sub3A_432 : vector<16xf32>
        %add3A_434 = arith.addf %add3A_374, %mul3A_433 : vector<16xf32>
        %get3A_435 = arith.constant 1 : i32
        %get3A_436 = arith.index_cast %get3A_435 : i32 to index
        %get3A_437 = arith.index_cast %scan3A_297 : i32 to index
        %get3A_438 = arith.constant 144 : index
        %get3A_439 = tpu.vector_load %arg7[%get3A_436, %get3A_437, %get3A_438] {strides = array<i32>} : memref<4x16x512xf32, #tpu.memory_space<vmem>>, vector<1x1x16xf32>,
        %get3A_440 = vector.shape_cast %get3A_439 : vector<1x1x16xf32> to vector<16xf32>
        %get3A_441 = arith.constant 1 : i32
        %get3A_442 = arith.index_cast %get3A_441 : i32 to index
        %get3A_443 = arith.index_cast %scan3A_297 : i32 to index
        %get3A_444 = arith.constant 144 : index
        %get3A_445 = tpu.vector_load %arg8[%get3A_442, %get3A_443, %get3A_444] {strides = array<i32>} : memref<4x16x512xf32, #tpu.memory_space<vmem>>, vector<1x1x16xf32>,
        %get3A_446 = vector.shape_cast %get3A_445 : vector<1x1x16xf32> to vector<16xf32>
        %sub3A_447 = arith.subf %get3A_440, %get3A_446 : vector<16xf32>
        %mul3A_448 = arith.mulf %sub3A_447, %sub3A_447 : vector<16xf32>
        %add3A_449 = arith.addf %add3A_389, %mul3A_448 : vector<16xf32>
        %get3A_450 = arith.constant 1 : i32
        %get3A_451 = arith.index_cast %get3A_450 : i32 to index
        %get3A_452 = arith.index_cast %scan3A_297 : i32 to index
        %get3A_453 = arith.constant 160 : index
        %get3A_454 = tpu.vector_load %arg7[%get3A_451, %get3A_452, %get3A_453] {strides = array<i32>} : memref<4x16x512xf32, #tpu.memory_space<vmem>>, vector<1x1x16xf32>,
        %get3A_455 = vector.shape_cast %get3A_454 : vector<1x1x16xf32> to vector<16xf32>
        %get3A_456 = arith.constant 1 : i32
        %get3A_457 = arith.index_cast %get3A_456 : i32 to index
        %get3A_458 = arith.index_cast %scan3A_297 : i32 to index
        %get3A_459 = arith.constant 160 : index
        %get3A_460 = tpu.vector_load %arg8[%get3A_457, %get3A_458, %get3A_459] {strides = array<i32>} : memref<4x16x512xf32, #tpu.memory_space<vmem>>, vector<1x1x16xf32>,
        %get3A_461 = vector.shape_cast %get3A_460 : vector<1x1x16xf32> to vector<16xf32>
        %sub3A_462 = arith.subf %get3A_455, %get3A_461 : vector<16xf32>
        %mul3A_463 = arith.mulf %sub3A_462, %sub3A_462 : vector<16xf32>
        %add3A_464 = arith.addf %add3A_404, %mul3A_463 : vector<16xf32>
        %get3A_465 = arith.constant 1 : i32
        %get3A_466 = arith.index_cast %get3A_465 : i32 to index
        %get3A_467 = arith.index_cast %scan3A_297 : i32 to index
        %get3A_468 = arith.constant 176 : index
        %get3A_469 = tpu.vector_load %arg7[%get3A_466, %get3A_467, %get3A_468] {strides = array<i32>} : memref<4x16x512xf32, #tpu.memory_space<vmem>>, vector<1x1x16xf32>,
        %get3A_470 = vector.shape_cast %get3A_469 : vector<1x1x16xf32> to vector<16xf32>
        %get3A_471 = arith.constant 1 : i32
        %get3A_472 = arith.index_cast %get3A_471 : i32 to index
        %get3A_473 = arith.index_cast %scan3A_297 : i32 to index
        %get3A_474 = arith.constant 176 : index
        %get3A_475 = tpu.vector_load %arg8[%get3A_472, %get3A_473, %get3A_474] {strides = array<i32>} : memref<4x16x512xf32, #tpu.memory_space<vmem>>, vector<1x1x16xf32>,
        %get3A_476 = vector.shape_cast %get3A_475 : vector<1x1x16xf32> to vector<16xf32>
        %sub3A_477 = arith.subf %get3A_470, %get3A_476 : vector<16xf32>
        %mul3A_478 = arith.mulf %sub3A_477, %sub3A_477 : vector<16xf32>
        %add3A_479 = arith.addf %add3A_419, %mul3A_478 : vector<16xf32>
        %get3A_480 = arith.constant 1 : i32
        %get3A_481 = arith.index_cast %get3A_480 : i32 to index
        %get3A_482 = arith.index_cast %scan3A_297 : i32 to index
        %get3A_483 = arith.constant 192 : index
        %get3A_484 = tpu.vector_load %arg7[%get3A_481, %get3A_482, %get3A_483] {strides = array<i32>} : memref<4x16x512xf32, #tpu.memory_space<vmem>>, vector<1x1x16xf32>,
        %get3A_485 = vector.shape_cast %get3A_484 : vector<1x1x16xf32> to vector<16xf32>
        %get3A_486 = arith.constant 1 : i32
        %get3A_487 = arith.index_cast %get3A_486 : i32 to index
        %get3A_488 = arith.index_cast %scan3A_297 : i32 to index
        %get3A_489 = arith.constant 192 : index
        %get3A_490 = tpu.vector_load %arg8[%get3A_487, %get3A_488, %get3A_489] {strides = array<i32>} : memref<4x16x512xf32, #tpu.memory_space<vmem>>, vector<1x1x16xf32>,
        %get3A_491 = vector.shape_cast %get3A_490 : vector<1x1x16xf32> to vector<16xf32>
        %sub3A_492 = arith.subf %get3A_485, %get3A_491 : vector<16xf32>
        %mul3A_493 = arith.mulf %sub3A_492, %sub3A_492 : vector<16xf32>
        %add3A_494 = arith.addf %add3A_434, %mul3A_493 : vector<16xf32>
        %get3A_495 = arith.constant 1 : i32
        %get3A_496 = arith.index_cast %get3A_495 : i32 to index
        %get3A_497 = arith.index_cast %scan3A_297 : i32 to index
        %get3A_498 = arith.constant 208 : index
        %get3A_499 = tpu.vector_load %arg7[%get3A_496, %get3A_497, %get3A_498] {strides = array<i32>} : memref<4x16x512xf32, #tpu.memory_space<vmem>>, vector<1x1x16xf32>,
        %get3A_500 = vector.shape_cast %get3A_499 : vector<1x1x16xf32> to vector<16xf32>
        %get3A_501 = arith.constant 1 : i32
        %get3A_502 = arith.index_cast %get3A_501 : i32 to index
        %get3A_503 = arith.index_cast %scan3A_297 : i32 to index
        %get3A_504 = arith.constant 208 : index
        %get3A_505 = tpu.vector_load %arg8[%get3A_502, %get3A_503, %get3A_504] {strides = array<i32>} : memref<4x16x512xf32, #tpu.memory_space<vmem>>, vector<1x1x16xf32>,
        %get3A_506 = vector.shape_cast %get3A_505 : vector<1x1x16xf32> to vector<16xf32>
        %sub3A_507 = arith.subf %get3A_500, %get3A_506 : vector<16xf32>
        %mul3A_508 = arith.mulf %sub3A_507, %sub3A_507 : vector<16xf32>
        %add3A_509 = arith.addf %add3A_449, %mul3A_508 : vector<16xf32>
        %get3A_510 = arith.constant 1 : i32
        %get3A_511 = arith.index_cast %get3A_510 : i32 to index
        %get3A_512 = arith.index_cast %scan3A_297 : i32 to index
        %get3A_513 = arith.constant 224 : index
        %get3A_514 = tpu.vector_load %arg7[%get3A_511, %get3A_512, %get3A_513] {strides = array<i32>} : memref<4x16x512xf32, #tpu.memory_space<vmem>>, vector<1x1x16xf32>,
        %get3A_515 = vector.shape_cast %get3A_514 : vector<1x1x16xf32> to vector<16xf32>
        %get3A_516 = arith.constant 1 : i32
        %get3A_517 = arith.index_cast %get3A_516 : i32 to index
        %get3A_518 = arith.index_cast %scan3A_297 : i32 to index
        %get3A_519 = arith.constant 224 : index
        %get3A_520 = tpu.vector_load %arg8[%get3A_517, %get3A_518, %get3A_519] {strides = array<i32>} : memref<4x16x512xf32, #tpu.memory_space<vmem>>, vector<1x1x16xf32>,
        %get3A_521 = vector.shape_cast %get3A_520 : vector<1x1x16xf32> to vector<16xf32>
        %sub3A_522 = arith.subf %get3A_515, %get3A_521 : vector<16xf32>
        %mul3A_523 = arith.mulf %sub3A_522, %sub3A_522 : vector<16xf32>
        %add3A_524 = arith.addf %add3A_464, %mul3A_523 : vector<16xf32>
        %get3A_525 = arith.constant 1 : i32
        %get3A_526 = arith.index_cast %get3A_525 : i32 to index
        %get3A_527 = arith.index_cast %scan3A_297 : i32 to index
        %get3A_528 = arith.constant 240 : index
        %get3A_529 = tpu.vector_load %arg7[%get3A_526, %get3A_527, %get3A_528] {strides = array<i32>} : memref<4x16x512xf32, #tpu.memory_space<vmem>>, vector<1x1x16xf32>,
        %get3A_530 = vector.shape_cast %get3A_529 : vector<1x1x16xf32> to vector<16xf32>
        %get3A_531 = arith.constant 1 : i32
        %get3A_532 = arith.index_cast %get3A_531 : i32 to index
        %get3A_533 = arith.index_cast %scan3A_297 : i32 to index
        %get3A_534 = arith.constant 240 : index
        %get3A_535 = tpu.vector_load %arg8[%get3A_532, %get3A_533, %get3A_534] {strides = array<i32>} : memref<4x16x512xf32, #tpu.memory_space<vmem>>, vector<1x1x16xf32>,
        %get3A_536 = vector.shape_cast %get3A_535 : vector<1x1x16xf32> to vector<16xf32>
        %sub3A_537 = arith.subf %get3A_530, %get3A_536 : vector<16xf32>
        %mul3A_538 = arith.mulf %sub3A_537, %sub3A_537 : vector<16xf32>
        %add3A_539 = arith.addf %add3A_479, %mul3A_538 : vector<16xf32>
        %get3A_540 = arith.constant 1 : i32
        %get3A_541 = arith.index_cast %get3A_540 : i32 to index
        %get3A_542 = arith.index_cast %scan3A_297 : i32 to index
        %get3A_543 = arith.constant 256 : index
        %get3A_544 = tpu.vector_load %arg7[%get3A_541, %get3A_542, %get3A_543] {strides = array<i32>} : memref<4x16x512xf32, #tpu.memory_space<vmem>>, vector<1x1x16xf32>,
        %get3A_545 = vector.shape_cast %get3A_544 : vector<1x1x16xf32> to vector<16xf32>
        %get3A_546 = arith.constant 1 : i32
        %get3A_547 = arith.index_cast %get3A_546 : i32 to index
        %get3A_548 = arith.index_cast %scan3A_297 : i32 to index
        %get3A_549 = arith.constant 256 : index
        %get3A_550 = tpu.vector_load %arg8[%get3A_547, %get3A_548, %get3A_549] {strides = array<i32>} : memref<4x16x512xf32, #tpu.memory_space<vmem>>, vector<1x1x16xf32>,
        %get3A_551 = vector.shape_cast %get3A_550 : vector<1x1x16xf32> to vector<16xf32>
        %sub3A_552 = arith.subf %get3A_545, %get3A_551 : vector<16xf32>
        %mul3A_553 = arith.mulf %sub3A_552, %sub3A_552 : vector<16xf32>
        %add3A_554 = arith.addf %add3A_494, %mul3A_553 : vector<16xf32>
        %get3A_555 = arith.constant 1 : i32
        %get3A_556 = arith.index_cast %get3A_555 : i32 to index
        %get3A_557 = arith.index_cast %scan3A_297 : i32 to index
        %get3A_558 = arith.constant 272 : index
        %get3A_559 = tpu.vector_load %arg7[%get3A_556, %get3A_557, %get3A_558] {strides = array<i32>} : memref<4x16x512xf32, #tpu.memory_space<vmem>>, vector<1x1x16xf32>,
        %get3A_560 = vector.shape_cast %get3A_559 : vector<1x1x16xf32> to vector<16xf32>
        %get3A_561 = arith.constant 1 : i32
        %get3A_562 = arith.index_cast %get3A_561 : i32 to index
        %get3A_563 = arith.index_cast %scan3A_297 : i32 to index
        %get3A_564 = arith.constant 272 : index
        %get3A_565 = tpu.vector_load %arg8[%get3A_562, %get3A_563, %get3A_564] {strides = array<i32>} : memref<4x16x512xf32, #tpu.memory_space<vmem>>, vector<1x1x16xf32>,
        %get3A_566 = vector.shape_cast %get3A_565 : vector<1x1x16xf32> to vector<16xf32>
        %sub3A_567 = arith.subf %get3A_560, %get3A_566 : vector<16xf32>
        %mul3A_568 = arith.mulf %sub3A_567, %sub3A_567 : vector<16xf32>
        %add3A_569 = arith.addf %add3A_509, %mul3A_568 : vector<16xf32>
        %get3A_570 = arith.constant 1 : i32
        %get3A_571 = arith.index_cast %get3A_570 : i32 to index
        %get3A_572 = arith.index_cast %scan3A_297 : i32 to index
        %get3A_573 = arith.constant 288 : index
        %get3A_574 = tpu.vector_load %arg7[%get3A_571, %get3A_572, %get3A_573] {strides = array<i32>} : memref<4x16x512xf32, #tpu.memory_space<vmem>>, vector<1x1x16xf32>,
        %get3A_575 = vector.shape_cast %get3A_574 : vector<1x1x16xf32> to vector<16xf32>
        %get3A_576 = arith.constant 1 : i32
        %get3A_577 = arith.index_cast %get3A_576 : i32 to index
        %get3A_578 = arith.index_cast %scan3A_297 : i32 to index
        %get3A_579 = arith.constant 288 : index
        %get3A_580 = tpu.vector_load %arg8[%get3A_577, %get3A_578, %get3A_579] {strides = array<i32>} : memref<4x16x512xf32, #tpu.memory_space<vmem>>, vector<1x1x16xf32>,
        %get3A_581 = vector.shape_cast %get3A_580 : vector<1x1x16xf32> to vector<16xf32>
        %sub3A_582 = arith.subf %get3A_575, %get3A_581 : vector<16xf32>
        %mul3A_583 = arith.mulf %sub3A_582, %sub3A_582 : vector<16xf32>
        %add3A_584 = arith.addf %add3A_524, %mul3A_583 : vector<16xf32>
        %get3A_585 = arith.constant 1 : i32
        %get3A_586 = arith.index_cast %get3A_585 : i32 to index
        %get3A_587 = arith.index_cast %scan3A_297 : i32 to index
        %get3A_588 = arith.constant 304 : index
        %get3A_589 = tpu.vector_load %arg7[%get3A_586, %get3A_587, %get3A_588] {strides = array<i32>} : memref<4x16x512xf32, #tpu.memory_space<vmem>>, vector<1x1x16xf32>,
        %get3A_590 = vector.shape_cast %get3A_589 : vector<1x1x16xf32> to vector<16xf32>
        %get3A_591 = arith.constant 1 : i32
        %get3A_592 = arith.index_cast %get3A_591 : i32 to index
        %get3A_593 = arith.index_cast %scan3A_297 : i32 to index
        %get3A_594 = arith.constant 304 : index
        %get3A_595 = tpu.vector_load %arg8[%get3A_592, %get3A_593, %get3A_594] {strides = array<i32>} : memref<4x16x512xf32, #tpu.memory_space<vmem>>, vector<1x1x16xf32>,
        %get3A_596 = vector.shape_cast %get3A_595 : vector<1x1x16xf32> to vector<16xf32>
        %sub3A_597 = arith.subf %get3A_590, %get3A_596 : vector<16xf32>
        %mul3A_598 = arith.mulf %sub3A_597, %sub3A_597 : vector<16xf32>
        %add3A_599 = arith.addf %add3A_539, %mul3A_598 : vector<16xf32>
        %get3A_600 = arith.constant 1 : i32
        %get3A_601 = arith.index_cast %get3A_600 : i32 to index
        %get3A_602 = arith.index_cast %scan3A_297 : i32 to index
        %get3A_603 = arith.constant 320 : index
        %get3A_604 = tpu.vector_load %arg7[%get3A_601, %get3A_602, %get3A_603] {strides = array<i32>} : memref<4x16x512xf32, #tpu.memory_space<vmem>>, vector<1x1x16xf32>,
        %get3A_605 = vector.shape_cast %get3A_604 : vector<1x1x16xf32> to vector<16xf32>
        %get3A_606 = arith.constant 1 : i32
        %get3A_607 = arith.index_cast %get3A_606 : i32 to index
        %get3A_608 = arith.index_cast %scan3A_297 : i32 to index
        %get3A_609 = arith.constant 320 : index
        %get3A_610 = tpu.vector_load %arg8[%get3A_607, %get3A_608, %get3A_609] {strides = array<i32>} : memref<4x16x512xf32, #tpu.memory_space<vmem>>, vector<1x1x16xf32>,
        %get3A_611 = vector.shape_cast %get3A_610 : vector<1x1x16xf32> to vector<16xf32>
        %sub3A_612 = arith.subf %get3A_605, %get3A_611 : vector<16xf32>
        %mul3A_613 = arith.mulf %sub3A_612, %sub3A_612 : vector<16xf32>
        %add3A_614 = arith.addf %add3A_554, %mul3A_613 : vector<16xf32>
        %get3A_615 = arith.constant 1 : i32
        %get3A_616 = arith.index_cast %get3A_615 : i32 to index
        %get3A_617 = arith.index_cast %scan3A_297 : i32 to index
        %get3A_618 = arith.constant 336 : index
        %get3A_619 = tpu.vector_load %arg7[%get3A_616, %get3A_617, %get3A_618] {strides = array<i32>} : memref<4x16x512xf32, #tpu.memory_space<vmem>>, vector<1x1x16xf32>,
        %get3A_620 = vector.shape_cast %get3A_619 : vector<1x1x16xf32> to vector<16xf32>
        %get3A_621 = arith.constant 1 : i32
        %get3A_622 = arith.index_cast %get3A_621 : i32 to index
        %get3A_623 = arith.index_cast %scan3A_297 : i32 to index
        %get3A_624 = arith.constant 336 : index
        %get3A_625 = tpu.vector_load %arg8[%get3A_622, %get3A_623, %get3A_624] {strides = array<i32>} : memref<4x16x512xf32, #tpu.memory_space<vmem>>, vector<1x1x16xf32>,
        %get3A_626 = vector.shape_cast %get3A_625 : vector<1x1x16xf32> to vector<16xf32>
        %sub3A_627 = arith.subf %get3A_620, %get3A_626 : vector<16xf32>
        %mul3A_628 = arith.mulf %sub3A_627, %sub3A_627 : vector<16xf32>
        %add3A_629 = arith.addf %add3A_569, %mul3A_628 : vector<16xf32>
        %get3A_630 = arith.constant 1 : i32
        %get3A_631 = arith.index_cast %get3A_630 : i32 to index
        %get3A_632 = arith.index_cast %scan3A_297 : i32 to index
        %get3A_633 = arith.constant 352 : index
        %get3A_634 = tpu.vector_load %arg7[%get3A_631, %get3A_632, %get3A_633] {strides = array<i32>} : memref<4x16x512xf32, #tpu.memory_space<vmem>>, vector<1x1x16xf32>,
        %get3A_635 = vector.shape_cast %get3A_634 : vector<1x1x16xf32> to vector<16xf32>
        %get3A_636 = arith.constant 1 : i32
        %get3A_637 = arith.index_cast %get3A_636 : i32 to index
        %get3A_638 = arith.index_cast %scan3A_297 : i32 to index
        %get3A_639 = arith.constant 352 : index
        %get3A_640 = tpu.vector_load %arg8[%get3A_637, %get3A_638, %get3A_639] {strides = array<i32>} : memref<4x16x512xf32, #tpu.memory_space<vmem>>, vector<1x1x16xf32>,
        %get3A_641 = vector.shape_cast %get3A_640 : vector<1x1x16xf32> to vector<16xf32>
        %sub3A_642 = arith.subf %get3A_635, %get3A_641 : vector<16xf32>
        %mul3A_643 = arith.mulf %sub3A_642, %sub3A_642 : vector<16xf32>
        %add3A_644 = arith.addf %add3A_584, %mul3A_643 : vector<16xf32>
        %get3A_645 = arith.constant 1 : i32
        %get3A_646 = arith.index_cast %get3A_645 : i32 to index
        %get3A_647 = arith.index_cast %scan3A_297 : i32 to index
        %get3A_648 = arith.constant 368 : index
        %get3A_649 = tpu.vector_load %arg7[%get3A_646, %get3A_647, %get3A_648] {strides = array<i32>} : memref<4x16x512xf32, #tpu.memory_space<vmem>>, vector<1x1x16xf32>,
        %get3A_650 = vector.shape_cast %get3A_649 : vector<1x1x16xf32> to vector<16xf32>
        %get3A_651 = arith.constant 1 : i32
        %get3A_652 = arith.index_cast %get3A_651 : i32 to index
        %get3A_653 = arith.index_cast %scan3A_297 : i32 to index
        %get3A_654 = arith.constant 368 : index
        %get3A_655 = tpu.vector_load %arg8[%get3A_652, %get3A_653, %get3A_654] {strides = array<i32>} : memref<4x16x512xf32, #tpu.memory_space<vmem>>, vector<1x1x16xf32>,
        %get3A_656 = vector.shape_cast %get3A_655 : vector<1x1x16xf32> to vector<16xf32>
        %sub3A_657 = arith.subf %get3A_650, %get3A_656 : vector<16xf32>
        %mul3A_658 = arith.mulf %sub3A_657, %sub3A_657 : vector<16xf32>
        %add3A_659 = arith.addf %add3A_599, %mul3A_658 : vector<16xf32>
        %get3A_660 = arith.constant 1 : i32
        %get3A_661 = arith.index_cast %get3A_660 : i32 to index
        %get3A_662 = arith.index_cast %scan3A_297 : i32 to index
        %get3A_663 = arith.constant 384 : index
        %get3A_664 = tpu.vector_load %arg7[%get3A_661, %get3A_662, %get3A_663] {strides = array<i32>} : memref<4x16x512xf32, #tpu.memory_space<vmem>>, vector<1x1x16xf32>,
        %get3A_665 = vector.shape_cast %get3A_664 : vector<1x1x16xf32> to vector<16xf32>
        %get3A_666 = arith.constant 1 : i32
        %get3A_667 = arith.index_cast %get3A_666 : i32 to index
        %get3A_668 = arith.index_cast %scan3A_297 : i32 to index
        %get3A_669 = arith.constant 384 : index
        %get3A_670 = tpu.vector_load %arg8[%get3A_667, %get3A_668, %get3A_669] {strides = array<i32>} : memref<4x16x512xf32, #tpu.memory_space<vmem>>, vector<1x1x16xf32>,
        %get3A_671 = vector.shape_cast %get3A_670 : vector<1x1x16xf32> to vector<16xf32>
        %sub3A_672 = arith.subf %get3A_665, %get3A_671 : vector<16xf32>
        %mul3A_673 = arith.mulf %sub3A_672, %sub3A_672 : vector<16xf32>
        %add3A_674 = arith.addf %add3A_614, %mul3A_673 : vector<16xf32>
        %get3A_675 = arith.constant 1 : i32
        %get3A_676 = arith.index_cast %get3A_675 : i32 to index
        %get3A_677 = arith.index_cast %scan3A_297 : i32 to index
        %get3A_678 = arith.constant 400 : index
        %get3A_679 = tpu.vector_load %arg7[%get3A_676, %get3A_677, %get3A_678] {strides = array<i32>} : memref<4x16x512xf32, #tpu.memory_space<vmem>>, vector<1x1x16xf32>,
        %get3A_680 = vector.shape_cast %get3A_679 : vector<1x1x16xf32> to vector<16xf32>
        %get3A_681 = arith.constant 1 : i32
        %get3A_682 = arith.index_cast %get3A_681 : i32 to index
        %get3A_683 = arith.index_cast %scan3A_297 : i32 to index
        %get3A_684 = arith.constant 400 : index
        %get3A_685 = tpu.vector_load %arg8[%get3A_682, %get3A_683, %get3A_684] {strides = array<i32>} : memref<4x16x512xf32, #tpu.memory_space<vmem>>, vector<1x1x16xf32>,
        %get3A_686 = vector.shape_cast %get3A_685 : vector<1x1x16xf32> to vector<16xf32>
        %sub3A_687 = arith.subf %get3A_680, %get3A_686 : vector<16xf32>
        %mul3A_688 = arith.mulf %sub3A_687, %sub3A_687 : vector<16xf32>
        %add3A_689 = arith.addf %add3A_629, %mul3A_688 : vector<16xf32>
        %get3A_690 = arith.constant 1 : i32
        %get3A_691 = arith.index_cast %get3A_690 : i32 to index
        %get3A_692 = arith.index_cast %scan3A_297 : i32 to index
        %get3A_693 = arith.constant 416 : index
        %get3A_694 = tpu.vector_load %arg7[%get3A_691, %get3A_692, %get3A_693] {strides = array<i32>} : memref<4x16x512xf32, #tpu.memory_space<vmem>>, vector<1x1x16xf32>,
        %get3A_695 = vector.shape_cast %get3A_694 : vector<1x1x16xf32> to vector<16xf32>
        %get3A_696 = arith.constant 1 : i32
        %get3A_697 = arith.index_cast %get3A_696 : i32 to index
        %get3A_698 = arith.index_cast %scan3A_297 : i32 to index
        %get3A_699 = arith.constant 416 : index
        %get3A_700 = tpu.vector_load %arg8[%get3A_697, %get3A_698, %get3A_699] {strides = array<i32>} : memref<4x16x512xf32, #tpu.memory_space<vmem>>, vector<1x1x16xf32>,
        %get3A_701 = vector.shape_cast %get3A_700 : vector<1x1x16xf32> to vector<16xf32>
        %sub3A_702 = arith.subf %get3A_695, %get3A_701 : vector<16xf32>
        %mul3A_703 = arith.mulf %sub3A_702, %sub3A_702 : vector<16xf32>
        %add3A_704 = arith.addf %add3A_644, %mul3A_703 : vector<16xf32>
        %get3A_705 = arith.constant 1 : i32
        %get3A_706 = arith.index_cast %get3A_705 : i32 to index
        %get3A_707 = arith.index_cast %scan3A_297 : i32 to index
        %get3A_708 = arith.constant 432 : index
        %get3A_709 = tpu.vector_load %arg7[%get3A_706, %get3A_707, %get3A_708] {strides = array<i32>} : memref<4x16x512xf32, #tpu.memory_space<vmem>>, vector<1x1x16xf32>,
        %get3A_710 = vector.shape_cast %get3A_709 : vector<1x1x16xf32> to vector<16xf32>
        %get3A_711 = arith.constant 1 : i32
        %get3A_712 = arith.index_cast %get3A_711 : i32 to index
        %get3A_713 = arith.index_cast %scan3A_297 : i32 to index
        %get3A_714 = arith.constant 432 : index
        %get3A_715 = tpu.vector_load %arg8[%get3A_712, %get3A_713, %get3A_714] {strides = array<i32>} : memref<4x16x512xf32, #tpu.memory_space<vmem>>, vector<1x1x16xf32>,
        %get3A_716 = vector.shape_cast %get3A_715 : vector<1x1x16xf32> to vector<16xf32>
        %sub3A_717 = arith.subf %get3A_710, %get3A_716 : vector<16xf32>
        %mul3A_718 = arith.mulf %sub3A_717, %sub3A_717 : vector<16xf32>
        %add3A_719 = arith.addf %add3A_659, %mul3A_718 : vector<16xf32>
        %get3A_720 = arith.constant 1 : i32
        %get3A_721 = arith.index_cast %get3A_720 : i32 to index
        %get3A_722 = arith.index_cast %scan3A_297 : i32 to index
        %get3A_723 = arith.constant 448 : index
        %get3A_724 = tpu.vector_load %arg7[%get3A_721, %get3A_722, %get3A_723] {strides = array<i32>} : memref<4x16x512xf32, #tpu.memory_space<vmem>>, vector<1x1x16xf32>,
        %get3A_725 = vector.shape_cast %get3A_724 : vector<1x1x16xf32> to vector<16xf32>
        %get3A_726 = arith.constant 1 : i32
        %get3A_727 = arith.index_cast %get3A_726 : i32 to index
        %get3A_728 = arith.index_cast %scan3A_297 : i32 to index
        %get3A_729 = arith.constant 448 : index
        %get3A_730 = tpu.vector_load %arg8[%get3A_727, %get3A_728, %get3A_729] {strides = array<i32>} : memref<4x16x512xf32, #tpu.memory_space<vmem>>, vector<1x1x16xf32>,
        %get3A_731 = vector.shape_cast %get3A_730 : vector<1x1x16xf32> to vector<16xf32>
        %sub3A_732 = arith.subf %get3A_725, %get3A_731 : vector<16xf32>
        %mul3A_733 = arith.mulf %sub3A_732, %sub3A_732 : vector<16xf32>
        %add3A_734 = arith.addf %add3A_674, %mul3A_733 : vector<16xf32>
        %get3A_735 = arith.constant 1 : i32
        %get3A_736 = arith.index_cast %get3A_735 : i32 to index
        %get3A_737 = arith.index_cast %scan3A_297 : i32 to index
        %get3A_738 = arith.constant 464 : index
        %get3A_739 = tpu.vector_load %arg7[%get3A_736, %get3A_737, %get3A_738] {strides = array<i32>} : memref<4x16x512xf32, #tpu.memory_space<vmem>>, vector<1x1x16xf32>,
        %get3A_740 = vector.shape_cast %get3A_739 : vector<1x1x16xf32> to vector<16xf32>
        %get3A_741 = arith.constant 1 : i32
        %get3A_742 = arith.index_cast %get3A_741 : i32 to index
        %get3A_743 = arith.index_cast %scan3A_297 : i32 to index
        %get3A_744 = arith.constant 464 : index
        %get3A_745 = tpu.vector_load %arg8[%get3A_742, %get3A_743, %get3A_744] {strides = array<i32>} : memref<4x16x512xf32, #tpu.memory_space<vmem>>, vector<1x1x16xf32>,
        %get3A_746 = vector.shape_cast %get3A_745 : vector<1x1x16xf32> to vector<16xf32>
        %sub3A_747 = arith.subf %get3A_740, %get3A_746 : vector<16xf32>
        %mul3A_748 = arith.mulf %sub3A_747, %sub3A_747 : vector<16xf32>
        %add3A_749 = arith.addf %add3A_689, %mul3A_748 : vector<16xf32>
        %get3A_750 = arith.constant 1 : i32
        %get3A_751 = arith.index_cast %get3A_750 : i32 to index
        %get3A_752 = arith.index_cast %scan3A_297 : i32 to index
        %get3A_753 = arith.constant 480 : index
        %get3A_754 = tpu.vector_load %arg7[%get3A_751, %get3A_752, %get3A_753] {strides = array<i32>} : memref<4x16x512xf32, #tpu.memory_space<vmem>>, vector<1x1x16xf32>,
        %get3A_755 = vector.shape_cast %get3A_754 : vector<1x1x16xf32> to vector<16xf32>
        %get3A_756 = arith.constant 1 : i32
        %get3A_757 = arith.index_cast %get3A_756 : i32 to index
        %get3A_758 = arith.index_cast %scan3A_297 : i32 to index
        %get3A_759 = arith.constant 480 : index
        %get3A_760 = tpu.vector_load %arg8[%get3A_757, %get3A_758, %get3A_759] {strides = array<i32>} : memref<4x16x512xf32, #tpu.memory_space<vmem>>, vector<1x1x16xf32>,
        %get3A_761 = vector.shape_cast %get3A_760 : vector<1x1x16xf32> to vector<16xf32>
        %sub3A_762 = arith.subf %get3A_755, %get3A_761 : vector<16xf32>
        %mul3A_763 = arith.mulf %sub3A_762, %sub3A_762 : vector<16xf32>
        %add3A_764 = arith.addf %add3A_704, %mul3A_763 : vector<16xf32>
        %get3A_765 = arith.constant 1 : i32
        %get3A_766 = arith.index_cast %get3A_765 : i32 to index
        %get3A_767 = arith.index_cast %scan3A_297 : i32 to index
        %get3A_768 = arith.constant 496 : index
        %get3A_769 = tpu.vector_load %arg7[%get3A_766, %get3A_767, %get3A_768] {strides = array<i32>} : memref<4x16x512xf32, #tpu.memory_space<vmem>>, vector<1x1x16xf32>,
        %get3A_770 = vector.shape_cast %get3A_769 : vector<1x1x16xf32> to vector<16xf32>
        %get3A_771 = arith.constant 1 : i32
        %get3A_772 = arith.index_cast %get3A_771 : i32 to index
        %get3A_773 = arith.index_cast %scan3A_297 : i32 to index
        %get3A_774 = arith.constant 496 : index
        %get3A_775 = tpu.vector_load %arg8[%get3A_772, %get3A_773, %get3A_774] {strides = array<i32>} : memref<4x16x512xf32, #tpu.memory_space<vmem>>, vector<1x1x16xf32>,
        %get3A_776 = vector.shape_cast %get3A_775 : vector<1x1x16xf32> to vector<16xf32>
        %sub3A_777 = arith.subf %get3A_770, %get3A_776 : vector<16xf32>
        %mul3A_778 = arith.mulf %sub3A_777, %sub3A_777 : vector<16xf32>
        %add3A_779 = arith.addf %add3A_719, %mul3A_778 : vector<16xf32>
        scf.yield %add3A_734, %add3A_749, %add3A_764, %add3A_779 : vector<16xf32>, vector<16xf32>, vector<16xf32>, vector<16xf32>
      }
      %scan3A_201 = arith.constant 16 : i32
      %add3A_202 = arith.constant 4 : i32
      %add3A_203 = arith.addi %add3A_168, %add3A_202 : i32
      %lt3A_204 = arith.constant 8 : i32
      %lt3A_205 = arith.cmpi slt, %add3A_203, %lt3A_204 : i32
      %convert_element_type3A_206 = arith.extui %lt3A_205 : i1 to i32
      %cond3A_207 = arith.constant 0 : i32
      %cond3A_208 = arith.cmpi ne, %convert_element_type3A_206, %cond3A_207 : i32
      scf.if %cond3A_208 {
        %add3A_297 = arith.constant 4 : i32
        %add3A_298 = arith.addi %add3A_168, %add3A_297 : i32
        %mul3A_299 = arith.constant 16 : i32
        %mul3A_300 = arith.muli %add3A_298, %mul3A_299 : i32
        %add3A_301 = arith.addi %mul3A_2, %mul3A_300 : i32
        %mul3A_302 = arith.constant 16 : i32
        %mul3A_303 = arith.muli %add3A_298, %mul3A_302 : i32
        %dma_start3A_304 = arith.constant 1 : i32
        %dma_start3A_305 = arith.constant 0 : i32
        %dma_start3A_306 = arith.constant 0 : i32
        %dma_start3A_307 = tpu.memref_slice %arg8[%dma_start3A_304, %dma_start3A_305, %dma_start3A_306] : memref<4x16x512xf32, #tpu.memory_space<vmem>> -> memref<1x16x512xf32, #tpu.memory_space<vmem>>
        %dma_start3A_308 = tpu.memref_squeeze %dma_start3A_307 : memref<1x16x512xf32, #tpu.memory_space<vmem>> -> memref<16x512xf32, #tpu.memory_space<vmem>>
        %dma_start3A_309 = tpu.memref_slice %arg6[%mul3A_303] : memref<128xi32, #tpu.memory_space<vmem>> -> memref<16xi32, #tpu.memory_space<vmem>>
        %dma_start3A_310 = arith.constant 0 : i32
        %dma_start3A_311 = arith.constant 0 : i32
        %dma_start3A_312 = tpu.memref_slice %arg4[%dma_start3A_310, %dma_start3A_311] : memref<1000x512xf32, #tpu.memory_space<hbm>> -> memref<1000x512xf32, #tpu.memory_space<hbm>>
        tpu.enqueue_indirect_dma source(%dma_start3A_312 : memref<1000x512xf32, #tpu.memory_space<hbm>>) target(%dma_start3A_308 : memref<16x512xf32, #tpu.memory_space<vmem>>) offsets(%dma_start3A_309 : memref<16xi32, #tpu.memory_space<vmem>>) semaphore(%arg15 : memref<!tpu.dma_semaphore, #tpu.memory_space<semaphore_mem>>)
        %dma_start3A_313 = arith.constant 1 : i32
        %dma_start3A_314 = arith.constant 0 : i32
        %dma_start3A_315 = arith.constant 0 : i32
        %dma_start3A_316 = tpu.memref_slice %arg7[%dma_start3A_313, %dma_start3A_314, %dma_start3A_315] : memref<4x16x512xf32, #tpu.memory_space<vmem>> -> memref<1x16x512xf32, #tpu.memory_space<vmem>>
        %dma_start3A_317 = tpu.memref_squeeze %dma_start3A_316 : memref<1x16x512xf32, #tpu.memory_space<vmem>> -> memref<16x512xf32, #tpu.memory_space<vmem>>
        %dma_start3A_318 = arith.constant 0 : i32
        %dma_start3A_319 = tpu.memref_slice %arg2[%add3A_301, %dma_start3A_318] : memref<4096x512xf32, #tpu.memory_space<hbm>> -> memref<16x512xf32, #tpu.memory_space<hbm>>
        %dma_start3A_320 = arith.constant 0 : i32
        %dma_start3A_321 = arith.constant 0 : i32
        %dma_start3A_322 = tpu.memref_slice %arg7[%dma_start3A_313, %dma_start3A_320, %dma_start3A_321] : memref<4x16x512xf32, #tpu.memory_space<vmem>> -> memref<1x16x512xf32, #tpu.memory_space<vmem>>
        %dma_start3A_323 = tpu.memref_squeeze %dma_start3A_322 : memref<1x16x512xf32, #tpu.memory_space<vmem>> -> memref<16x512xf32, #tpu.memory_space<vmem>>
        %dma_start3A_324 = arith.constant 0 : i32
        %dma_start3A_325 = tpu.memref_slice %arg2[%add3A_301, %dma_start3A_324] : memref<4096x512xf32, #tpu.memory_space<hbm>> -> memref<16x512xf32, #tpu.memory_space<hbm>>
        tpu.enqueue_dma source(%dma_start3A_325 : memref<16x512xf32, #tpu.memory_space<hbm>>) target(%dma_start3A_323 : memref<16x512xf32, #tpu.memory_space<vmem>>) target_semaphore(%arg11 : memref<!tpu.dma_semaphore, #tpu.memory_space<semaphore_mem>>)
      } else {
      }
      %mul3A_209 = arith.constant 4 : i32
      %mul3A_210 = arith.muli %scan3A_120, %mul3A_209 : i32
      %add3A_211 = arith.constant 2 : i32
      %add3A_212 = arith.addi %mul3A_210, %add3A_211 : i32
      %mul3A_213 = arith.constant 16 : i32
      %mul3A_214 = arith.muli %add3A_212, %mul3A_213 : i32
      %add3A_215 = arith.addi %mul3A_2, %mul3A_214 : i32
      %dma_wait3A_216 = arith.constant 2 : i32
      %dma_wait3A_217 = arith.constant 0 : i32
      %dma_wait3A_218 = arith.constant 0 : i32
      %dma_wait3A_219 = tpu.memref_slice %arg7[%dma_wait3A_216, %dma_wait3A_217, %dma_wait3A_218] : memref<4x16x512xf32, #tpu.memory_space<vmem>> -> memref<1x16x512xf32, #tpu.memory_space<vmem>>
      %dma_wait3A_220 = tpu.memref_squeeze %dma_wait3A_219 : memref<1x16x512xf32, #tpu.memory_space<vmem>> -> memref<16x512xf32, #tpu.memory_space<vmem>>
      %dma_wait3A_221 = arith.constant 0 : i32
      %dma_wait3A_222 = tpu.memref_slice %arg2[%add3A_215, %dma_wait3A_221] : memref<4096x512xf32, #tpu.memory_space<hbm>> -> memref<16x512xf32, #tpu.memory_space<hbm>>
      %dma_wait3A_223 = arith.constant 0 : i32
      %dma_wait3A_224 = arith.constant 0 : i32
      %dma_wait3A_225 = tpu.memref_slice %arg7[%dma_wait3A_216, %dma_wait3A_223, %dma_wait3A_224] : memref<4x16x512xf32, #tpu.memory_space<vmem>> -> memref<1x16x512xf32, #tpu.memory_space<vmem>>
      %dma_wait3A_226 = tpu.memref_squeeze %dma_wait3A_225 : memref<1x16x512xf32, #tpu.memory_space<vmem>> -> memref<16x512xf32, #tpu.memory_space<vmem>>
      %dma_wait3A_227 = arith.constant 0 : i32
      %dma_wait3A_228 = tpu.memref_slice %arg2[%add3A_215, %dma_wait3A_227] : memref<4096x512xf32, #tpu.memory_space<hbm>> -> memref<16x512xf32, #tpu.memory_space<hbm>>
      tpu.wait_dma2 semaphore(%arg12 : memref<!tpu.dma_semaphore, #tpu.memory_space<semaphore_mem>>) src(%dma_wait3A_228 : memref<16x512xf32, #tpu.memory_space<hbm>>) dst(%dma_wait3A_226 : memref<16x512xf32, #tpu.memory_space<vmem>>)
      %mul3A_229 = arith.constant 16 : i32
      %mul3A_230 = arith.muli %add3A_212, %mul3A_229 : i32
      %dma_wait3A_231 = arith.constant 2 : i32
      %dma_wait3A_232 = arith.constant 0 : i32
      %dma_wait3A_233 = arith.constant 0 : i32
      %dma_wait3A_234 = tpu.memref_slice %arg8[%dma_wait3A_231, %dma_wait3A_232, %dma_wait3A_233] : memref<4x16x512xf32, #tpu.memory_space<vmem>> -> memref<1x16x512xf32, #tpu.memory_space<vmem>>
      %dma_wait3A_235 = tpu.memref_squeeze %dma_wait3A_234 : memref<1x16x512xf32, #tpu.memory_space<vmem>> -> memref<16x512xf32, #tpu.memory_space<vmem>>
      %dma_wait3A_236 = tpu.memref_slice %arg6[%mul3A_230] : memref<128xi32, #tpu.memory_space<vmem>> -> memref<16xi32, #tpu.memory_space<vmem>>
      %dma_wait3A_237 = arith.constant 0 : i32
      %dma_wait3A_238 = arith.constant 0 : i32
      %dma_wait3A_239 = tpu.memref_slice %arg4[%dma_wait3A_237, %dma_wait3A_238] : memref<1000x512xf32, #tpu.memory_space<hbm>> -> memref<1000x512xf32, #tpu.memory_space<hbm>>
      tpu.wait_indirect_dma semaphore(%arg16 : memref<!tpu.dma_semaphore, #tpu.memory_space<semaphore_mem>>) src(%dma_wait3A_239 : memref<1000x512xf32, #tpu.memory_space<hbm>>) dst(%dma_wait3A_235 : memref<16x512xf32, #tpu.memory_space<vmem>>)
      %scan3A_240 = arith.constant 0 : i32
      %scan3A_241 = arith.constant 16 : i32
      %scan3A_242 = arith.addi %scan3A_240, %scan3A_241 : i32
      %scan3A_243 = arith.constant 1 : i32
      %scan3A_244:4 = scf.for %scan3A_297 = %scan3A_240 to %scan3A_242 step %scan3A_243 iter_args(%scan3A_298 = %scan3A_200#0, %scan3A_299 = %scan3A_200#1, %scan3A_300 = %scan3A_200#2, %scan3A_301 = %scan3A_200#3) -> (vector<16xf32>, vector<16xf32>, vector<16xf32>, vector<16xf32>)  : i32 {
        %get3A = arith.constant 2 : i32
        %get3A_302 = arith.index_cast %get3A : i32 to index
        %get3A_303 = arith.index_cast %scan3A_297 : i32 to index
        %get3A_304 = arith.constant 0 : index
        %get3A_305 = tpu.vector_load %arg7[%get3A_302, %get3A_303, %get3A_304] {strides = array<i32>} : memref<4x16x512xf32, #tpu.memory_space<vmem>>, vector<1x1x16xf32>,
        %get3A_306 = vector.shape_cast %get3A_305 : vector<1x1x16xf32> to vector<16xf32>
        %get3A_307 = arith.constant 2 : i32
        %get3A_308 = arith.index_cast %get3A_307 : i32 to index
        %get3A_309 = arith.index_cast %scan3A_297 : i32 to index
        %get3A_310 = arith.constant 0 : index
        %get3A_311 = tpu.vector_load %arg8[%get3A_308, %get3A_309, %get3A_310] {strides = array<i32>} : memref<4x16x512xf32, #tpu.memory_space<vmem>>, vector<1x1x16xf32>,
        %get3A_312 = vector.shape_cast %get3A_311 : vector<1x1x16xf32> to vector<16xf32>
        %sub3A = arith.subf %get3A_306, %get3A_312 : vector<16xf32>
        %mul3A_313 = arith.mulf %sub3A, %sub3A : vector<16xf32>
        %add3A_314 = arith.addf %scan3A_298, %mul3A_313 : vector<16xf32>
        %get3A_315 = arith.constant 2 : i32
        %get3A_316 = arith.index_cast %get3A_315 : i32 to index
        %get3A_317 = arith.index_cast %scan3A_297 : i32 to index
        %get3A_318 = arith.constant 16 : index
        %get3A_319 = tpu.vector_load %arg7[%get3A_316, %get3A_317, %get3A_318] {strides = array<i32>} : memref<4x16x512xf32, #tpu.memory_space<vmem>>, vector<1x1x16xf32>,
        %get3A_320 = vector.shape_cast %get3A_319 : vector<1x1x16xf32> to vector<16xf32>
        %get3A_321 = arith.constant 2 : i32
        %get3A_322 = arith.index_cast %get3A_321 : i32 to index
        %get3A_323 = arith.index_cast %scan3A_297 : i32 to index
        %get3A_324 = arith.constant 16 : index
        %get3A_325 = tpu.vector_load %arg8[%get3A_322, %get3A_323, %get3A_324] {strides = array<i32>} : memref<4x16x512xf32, #tpu.memory_space<vmem>>, vector<1x1x16xf32>,
        %get3A_326 = vector.shape_cast %get3A_325 : vector<1x1x16xf32> to vector<16xf32>
        %sub3A_327 = arith.subf %get3A_320, %get3A_326 : vector<16xf32>
        %mul3A_328 = arith.mulf %sub3A_327, %sub3A_327 : vector<16xf32>
        %add3A_329 = arith.addf %scan3A_299, %mul3A_328 : vector<16xf32>
        %get3A_330 = arith.constant 2 : i32
        %get3A_331 = arith.index_cast %get3A_330 : i32 to index
        %get3A_332 = arith.index_cast %scan3A_297 : i32 to index
        %get3A_333 = arith.constant 32 : index
        %get3A_334 = tpu.vector_load %arg7[%get3A_331, %get3A_332, %get3A_333] {strides = array<i32>} : memref<4x16x512xf32, #tpu.memory_space<vmem>>, vector<1x1x16xf32>,
        %get3A_335 = vector.shape_cast %get3A_334 : vector<1x1x16xf32> to vector<16xf32>
        %get3A_336 = arith.constant 2 : i32
        %get3A_337 = arith.index_cast %get3A_336 : i32 to index
        %get3A_338 = arith.index_cast %scan3A_297 : i32 to index
        %get3A_339 = arith.constant 32 : index
        %get3A_340 = tpu.vector_load %arg8[%get3A_337, %get3A_338, %get3A_339] {strides = array<i32>} : memref<4x16x512xf32, #tpu.memory_space<vmem>>, vector<1x1x16xf32>,
        %get3A_341 = vector.shape_cast %get3A_340 : vector<1x1x16xf32> to vector<16xf32>
        %sub3A_342 = arith.subf %get3A_335, %get3A_341 : vector<16xf32>
        %mul3A_343 = arith.mulf %sub3A_342, %sub3A_342 : vector<16xf32>
        %add3A_344 = arith.addf %scan3A_300, %mul3A_343 : vector<16xf32>
        %get3A_345 = arith.constant 2 : i32
        %get3A_346 = arith.index_cast %get3A_345 : i32 to index
        %get3A_347 = arith.index_cast %scan3A_297 : i32 to index
        %get3A_348 = arith.constant 48 : index
        %get3A_349 = tpu.vector_load %arg7[%get3A_346, %get3A_347, %get3A_348] {strides = array<i32>} : memref<4x16x512xf32, #tpu.memory_space<vmem>>, vector<1x1x16xf32>,
        %get3A_350 = vector.shape_cast %get3A_349 : vector<1x1x16xf32> to vector<16xf32>
        %get3A_351 = arith.constant 2 : i32
        %get3A_352 = arith.index_cast %get3A_351 : i32 to index
        %get3A_353 = arith.index_cast %scan3A_297 : i32 to index
        %get3A_354 = arith.constant 48 : index
        %get3A_355 = tpu.vector_load %arg8[%get3A_352, %get3A_353, %get3A_354] {strides = array<i32>} : memref<4x16x512xf32, #tpu.memory_space<vmem>>, vector<1x1x16xf32>,
        %get3A_356 = vector.shape_cast %get3A_355 : vector<1x1x16xf32> to vector<16xf32>
        %sub3A_357 = arith.subf %get3A_350, %get3A_356 : vector<16xf32>
        %mul3A_358 = arith.mulf %sub3A_357, %sub3A_357 : vector<16xf32>
        %add3A_359 = arith.addf %scan3A_301, %mul3A_358 : vector<16xf32>
        %get3A_360 = arith.constant 2 : i32
        %get3A_361 = arith.index_cast %get3A_360 : i32 to index
        %get3A_362 = arith.index_cast %scan3A_297 : i32 to index
        %get3A_363 = arith.constant 64 : index
        %get3A_364 = tpu.vector_load %arg7[%get3A_361, %get3A_362, %get3A_363] {strides = array<i32>} : memref<4x16x512xf32, #tpu.memory_space<vmem>>, vector<1x1x16xf32>,
        %get3A_365 = vector.shape_cast %get3A_364 : vector<1x1x16xf32> to vector<16xf32>
        %get3A_366 = arith.constant 2 : i32
        %get3A_367 = arith.index_cast %get3A_366 : i32 to index
        %get3A_368 = arith.index_cast %scan3A_297 : i32 to index
        %get3A_369 = arith.constant 64 : index
        %get3A_370 = tpu.vector_load %arg8[%get3A_367, %get3A_368, %get3A_369] {strides = array<i32>} : memref<4x16x512xf32, #tpu.memory_space<vmem>>, vector<1x1x16xf32>,
        %get3A_371 = vector.shape_cast %get3A_370 : vector<1x1x16xf32> to vector<16xf32>
        %sub3A_372 = arith.subf %get3A_365, %get3A_371 : vector<16xf32>
        %mul3A_373 = arith.mulf %sub3A_372, %sub3A_372 : vector<16xf32>
        %add3A_374 = arith.addf %add3A_314, %mul3A_373 : vector<16xf32>
        %get3A_375 = arith.constant 2 : i32
        %get3A_376 = arith.index_cast %get3A_375 : i32 to index
        %get3A_377 = arith.index_cast %scan3A_297 : i32 to index
        %get3A_378 = arith.constant 80 : index
        %get3A_379 = tpu.vector_load %arg7[%get3A_376, %get3A_377, %get3A_378] {strides = array<i32>} : memref<4x16x512xf32, #tpu.memory_space<vmem>>, vector<1x1x16xf32>,
        %get3A_380 = vector.shape_cast %get3A_379 : vector<1x1x16xf32> to vector<16xf32>
        %get3A_381 = arith.constant 2 : i32
        %get3A_382 = arith.index_cast %get3A_381 : i32 to index
        %get3A_383 = arith.index_cast %scan3A_297 : i32 to index
        %get3A_384 = arith.constant 80 : index
        %get3A_385 = tpu.vector_load %arg8[%get3A_382, %get3A_383, %get3A_384] {strides = array<i32>} : memref<4x16x512xf32, #tpu.memory_space<vmem>>, vector<1x1x16xf32>,
        %get3A_386 = vector.shape_cast %get3A_385 : vector<1x1x16xf32> to vector<16xf32>
        %sub3A_387 = arith.subf %get3A_380, %get3A_386 : vector<16xf32>
        %mul3A_388 = arith.mulf %sub3A_387, %sub3A_387 : vector<16xf32>
        %add3A_389 = arith.addf %add3A_329, %mul3A_388 : vector<16xf32>
        %get3A_390 = arith.constant 2 : i32
        %get3A_391 = arith.index_cast %get3A_390 : i32 to index
        %get3A_392 = arith.index_cast %scan3A_297 : i32 to index
        %get3A_393 = arith.constant 96 : index
        %get3A_394 = tpu.vector_load %arg7[%get3A_391, %get3A_392, %get3A_393] {strides = array<i32>} : memref<4x16x512xf32, #tpu.memory_space<vmem>>, vector<1x1x16xf32>,
        %get3A_395 = vector.shape_cast %get3A_394 : vector<1x1x16xf32> to vector<16xf32>
        %get3A_396 = arith.constant 2 : i32
        %get3A_397 = arith.index_cast %get3A_396 : i32 to index
        %get3A_398 = arith.index_cast %scan3A_297 : i32 to index
        %get3A_399 = arith.constant 96 : index
        %get3A_400 = tpu.vector_load %arg8[%get3A_397, %get3A_398, %get3A_399] {strides = array<i32>} : memref<4x16x512xf32, #tpu.memory_space<vmem>>, vector<1x1x16xf32>,
        %get3A_401 = vector.shape_cast %get3A_400 : vector<1x1x16xf32> to vector<16xf32>
        %sub3A_402 = arith.subf %get3A_395, %get3A_401 : vector<16xf32>
        %mul3A_403 = arith.mulf %sub3A_402, %sub3A_402 : vector<16xf32>
        %add3A_404 = arith.addf %add3A_344, %mul3A_403 : vector<16xf32>
        %get3A_405 = arith.constant 2 : i32
        %get3A_406 = arith.index_cast %get3A_405 : i32 to index
        %get3A_407 = arith.index_cast %scan3A_297 : i32 to index
        %get3A_408 = arith.constant 112 : index
        %get3A_409 = tpu.vector_load %arg7[%get3A_406, %get3A_407, %get3A_408] {strides = array<i32>} : memref<4x16x512xf32, #tpu.memory_space<vmem>>, vector<1x1x16xf32>,
        %get3A_410 = vector.shape_cast %get3A_409 : vector<1x1x16xf32> to vector<16xf32>
        %get3A_411 = arith.constant 2 : i32
        %get3A_412 = arith.index_cast %get3A_411 : i32 to index
        %get3A_413 = arith.index_cast %scan3A_297 : i32 to index
        %get3A_414 = arith.constant 112 : index
        %get3A_415 = tpu.vector_load %arg8[%get3A_412, %get3A_413, %get3A_414] {strides = array<i32>} : memref<4x16x512xf32, #tpu.memory_space<vmem>>, vector<1x1x16xf32>,
        %get3A_416 = vector.shape_cast %get3A_415 : vector<1x1x16xf32> to vector<16xf32>
        %sub3A_417 = arith.subf %get3A_410, %get3A_416 : vector<16xf32>
        %mul3A_418 = arith.mulf %sub3A_417, %sub3A_417 : vector<16xf32>
        %add3A_419 = arith.addf %add3A_359, %mul3A_418 : vector<16xf32>
        %get3A_420 = arith.constant 2 : i32
        %get3A_421 = arith.index_cast %get3A_420 : i32 to index
        %get3A_422 = arith.index_cast %scan3A_297 : i32 to index
        %get3A_423 = arith.constant 128 : index
        %get3A_424 = tpu.vector_load %arg7[%get3A_421, %get3A_422, %get3A_423] {strides = array<i32>} : memref<4x16x512xf32, #tpu.memory_space<vmem>>, vector<1x1x16xf32>,
        %get3A_425 = vector.shape_cast %get3A_424 : vector<1x1x16xf32> to vector<16xf32>
        %get3A_426 = arith.constant 2 : i32
        %get3A_427 = arith.index_cast %get3A_426 : i32 to index
        %get3A_428 = arith.index_cast %scan3A_297 : i32 to index
        %get3A_429 = arith.constant 128 : index
        %get3A_430 = tpu.vector_load %arg8[%get3A_427, %get3A_428, %get3A_429] {strides = array<i32>} : memref<4x16x512xf32, #tpu.memory_space<vmem>>, vector<1x1x16xf32>,
        %get3A_431 = vector.shape_cast %get3A_430 : vector<1x1x16xf32> to vector<16xf32>
        %sub3A_432 = arith.subf %get3A_425, %get3A_431 : vector<16xf32>
        %mul3A_433 = arith.mulf %sub3A_432, %sub3A_432 : vector<16xf32>
        %add3A_434 = arith.addf %add3A_374, %mul3A_433 : vector<16xf32>
        %get3A_435 = arith.constant 2 : i32
        %get3A_436 = arith.index_cast %get3A_435 : i32 to index
        %get3A_437 = arith.index_cast %scan3A_297 : i32 to index
        %get3A_438 = arith.constant 144 : index
        %get3A_439 = tpu.vector_load %arg7[%get3A_436, %get3A_437, %get3A_438] {strides = array<i32>} : memref<4x16x512xf32, #tpu.memory_space<vmem>>, vector<1x1x16xf32>,
        %get3A_440 = vector.shape_cast %get3A_439 : vector<1x1x16xf32> to vector<16xf32>
        %get3A_441 = arith.constant 2 : i32
        %get3A_442 = arith.index_cast %get3A_441 : i32 to index
        %get3A_443 = arith.index_cast %scan3A_297 : i32 to index
        %get3A_444 = arith.constant 144 : index
        %get3A_445 = tpu.vector_load %arg8[%get3A_442, %get3A_443, %get3A_444] {strides = array<i32>} : memref<4x16x512xf32, #tpu.memory_space<vmem>>, vector<1x1x16xf32>,
        %get3A_446 = vector.shape_cast %get3A_445 : vector<1x1x16xf32> to vector<16xf32>
        %sub3A_447 = arith.subf %get3A_440, %get3A_446 : vector<16xf32>
        %mul3A_448 = arith.mulf %sub3A_447, %sub3A_447 : vector<16xf32>
        %add3A_449 = arith.addf %add3A_389, %mul3A_448 : vector<16xf32>
        %get3A_450 = arith.constant 2 : i32
        %get3A_451 = arith.index_cast %get3A_450 : i32 to index
        %get3A_452 = arith.index_cast %scan3A_297 : i32 to index
        %get3A_453 = arith.constant 160 : index
        %get3A_454 = tpu.vector_load %arg7[%get3A_451, %get3A_452, %get3A_453] {strides = array<i32>} : memref<4x16x512xf32, #tpu.memory_space<vmem>>, vector<1x1x16xf32>,
        %get3A_455 = vector.shape_cast %get3A_454 : vector<1x1x16xf32> to vector<16xf32>
        %get3A_456 = arith.constant 2 : i32
        %get3A_457 = arith.index_cast %get3A_456 : i32 to index
        %get3A_458 = arith.index_cast %scan3A_297 : i32 to index
        %get3A_459 = arith.constant 160 : index
        %get3A_460 = tpu.vector_load %arg8[%get3A_457, %get3A_458, %get3A_459] {strides = array<i32>} : memref<4x16x512xf32, #tpu.memory_space<vmem>>, vector<1x1x16xf32>,
        %get3A_461 = vector.shape_cast %get3A_460 : vector<1x1x16xf32> to vector<16xf32>
        %sub3A_462 = arith.subf %get3A_455, %get3A_461 : vector<16xf32>
        %mul3A_463 = arith.mulf %sub3A_462, %sub3A_462 : vector<16xf32>
        %add3A_464 = arith.addf %add3A_404, %mul3A_463 : vector<16xf32>
        %get3A_465 = arith.constant 2 : i32
        %get3A_466 = arith.index_cast %get3A_465 : i32 to index
        %get3A_467 = arith.index_cast %scan3A_297 : i32 to index
        %get3A_468 = arith.constant 176 : index
        %get3A_469 = tpu.vector_load %arg7[%get3A_466, %get3A_467, %get3A_468] {strides = array<i32>} : memref<4x16x512xf32, #tpu.memory_space<vmem>>, vector<1x1x16xf32>,
        %get3A_470 = vector.shape_cast %get3A_469 : vector<1x1x16xf32> to vector<16xf32>
        %get3A_471 = arith.constant 2 : i32
        %get3A_472 = arith.index_cast %get3A_471 : i32 to index
        %get3A_473 = arith.index_cast %scan3A_297 : i32 to index
        %get3A_474 = arith.constant 176 : index
        %get3A_475 = tpu.vector_load %arg8[%get3A_472, %get3A_473, %get3A_474] {strides = array<i32>} : memref<4x16x512xf32, #tpu.memory_space<vmem>>, vector<1x1x16xf32>,
        %get3A_476 = vector.shape_cast %get3A_475 : vector<1x1x16xf32> to vector<16xf32>
        %sub3A_477 = arith.subf %get3A_470, %get3A_476 : vector<16xf32>
        %mul3A_478 = arith.mulf %sub3A_477, %sub3A_477 : vector<16xf32>
        %add3A_479 = arith.addf %add3A_419, %mul3A_478 : vector<16xf32>
        %get3A_480 = arith.constant 2 : i32
        %get3A_481 = arith.index_cast %get3A_480 : i32 to index
        %get3A_482 = arith.index_cast %scan3A_297 : i32 to index
        %get3A_483 = arith.constant 192 : index
        %get3A_484 = tpu.vector_load %arg7[%get3A_481, %get3A_482, %get3A_483] {strides = array<i32>} : memref<4x16x512xf32, #tpu.memory_space<vmem>>, vector<1x1x16xf32>,
        %get3A_485 = vector.shape_cast %get3A_484 : vector<1x1x16xf32> to vector<16xf32>
        %get3A_486 = arith.constant 2 : i32
        %get3A_487 = arith.index_cast %get3A_486 : i32 to index
        %get3A_488 = arith.index_cast %scan3A_297 : i32 to index
        %get3A_489 = arith.constant 192 : index
        %get3A_490 = tpu.vector_load %arg8[%get3A_487, %get3A_488, %get3A_489] {strides = array<i32>} : memref<4x16x512xf32, #tpu.memory_space<vmem>>, vector<1x1x16xf32>,
        %get3A_491 = vector.shape_cast %get3A_490 : vector<1x1x16xf32> to vector<16xf32>
        %sub3A_492 = arith.subf %get3A_485, %get3A_491 : vector<16xf32>
        %mul3A_493 = arith.mulf %sub3A_492, %sub3A_492 : vector<16xf32>
        %add3A_494 = arith.addf %add3A_434, %mul3A_493 : vector<16xf32>
        %get3A_495 = arith.constant 2 : i32
        %get3A_496 = arith.index_cast %get3A_495 : i32 to index
        %get3A_497 = arith.index_cast %scan3A_297 : i32 to index
        %get3A_498 = arith.constant 208 : index
        %get3A_499 = tpu.vector_load %arg7[%get3A_496, %get3A_497, %get3A_498] {strides = array<i32>} : memref<4x16x512xf32, #tpu.memory_space<vmem>>, vector<1x1x16xf32>,
        %get3A_500 = vector.shape_cast %get3A_499 : vector<1x1x16xf32> to vector<16xf32>
        %get3A_501 = arith.constant 2 : i32
        %get3A_502 = arith.index_cast %get3A_501 : i32 to index
        %get3A_503 = arith.index_cast %scan3A_297 : i32 to index
        %get3A_504 = arith.constant 208 : index
        %get3A_505 = tpu.vector_load %arg8[%get3A_502, %get3A_503, %get3A_504] {strides = array<i32>} : memref<4x16x512xf32, #tpu.memory_space<vmem>>, vector<1x1x16xf32>,
        %get3A_506 = vector.shape_cast %get3A_505 : vector<1x1x16xf32> to vector<16xf32>
        %sub3A_507 = arith.subf %get3A_500, %get3A_506 : vector<16xf32>
        %mul3A_508 = arith.mulf %sub3A_507, %sub3A_507 : vector<16xf32>
        %add3A_509 = arith.addf %add3A_449, %mul3A_508 : vector<16xf32>
        %get3A_510 = arith.constant 2 : i32
        %get3A_511 = arith.index_cast %get3A_510 : i32 to index
        %get3A_512 = arith.index_cast %scan3A_297 : i32 to index
        %get3A_513 = arith.constant 224 : index
        %get3A_514 = tpu.vector_load %arg7[%get3A_511, %get3A_512, %get3A_513] {strides = array<i32>} : memref<4x16x512xf32, #tpu.memory_space<vmem>>, vector<1x1x16xf32>,
        %get3A_515 = vector.shape_cast %get3A_514 : vector<1x1x16xf32> to vector<16xf32>
        %get3A_516 = arith.constant 2 : i32
        %get3A_517 = arith.index_cast %get3A_516 : i32 to index
        %get3A_518 = arith.index_cast %scan3A_297 : i32 to index
        %get3A_519 = arith.constant 224 : index
        %get3A_520 = tpu.vector_load %arg8[%get3A_517, %get3A_518, %get3A_519] {strides = array<i32>} : memref<4x16x512xf32, #tpu.memory_space<vmem>>, vector<1x1x16xf32>,
        %get3A_521 = vector.shape_cast %get3A_520 : vector<1x1x16xf32> to vector<16xf32>
        %sub3A_522 = arith.subf %get3A_515, %get3A_521 : vector<16xf32>
        %mul3A_523 = arith.mulf %sub3A_522, %sub3A_522 : vector<16xf32>
        %add3A_524 = arith.addf %add3A_464, %mul3A_523 : vector<16xf32>
        %get3A_525 = arith.constant 2 : i32
        %get3A_526 = arith.index_cast %get3A_525 : i32 to index
        %get3A_527 = arith.index_cast %scan3A_297 : i32 to index
        %get3A_528 = arith.constant 240 : index
        %get3A_529 = tpu.vector_load %arg7[%get3A_526, %get3A_527, %get3A_528] {strides = array<i32>} : memref<4x16x512xf32, #tpu.memory_space<vmem>>, vector<1x1x16xf32>,
        %get3A_530 = vector.shape_cast %get3A_529 : vector<1x1x16xf32> to vector<16xf32>
        %get3A_531 = arith.constant 2 : i32
        %get3A_532 = arith.index_cast %get3A_531 : i32 to index
        %get3A_533 = arith.index_cast %scan3A_297 : i32 to index
        %get3A_534 = arith.constant 240 : index
        %get3A_535 = tpu.vector_load %arg8[%get3A_532, %get3A_533, %get3A_534] {strides = array<i32>} : memref<4x16x512xf32, #tpu.memory_space<vmem>>, vector<1x1x16xf32>,
        %get3A_536 = vector.shape_cast %get3A_535 : vector<1x1x16xf32> to vector<16xf32>
        %sub3A_537 = arith.subf %get3A_530, %get3A_536 : vector<16xf32>
        %mul3A_538 = arith.mulf %sub3A_537, %sub3A_537 : vector<16xf32>
        %add3A_539 = arith.addf %add3A_479, %mul3A_538 : vector<16xf32>
        %get3A_540 = arith.constant 2 : i32
        %get3A_541 = arith.index_cast %get3A_540 : i32 to index
        %get3A_542 = arith.index_cast %scan3A_297 : i32 to index
        %get3A_543 = arith.constant 256 : index
        %get3A_544 = tpu.vector_load %arg7[%get3A_541, %get3A_542, %get3A_543] {strides = array<i32>} : memref<4x16x512xf32, #tpu.memory_space<vmem>>, vector<1x1x16xf32>,
        %get3A_545 = vector.shape_cast %get3A_544 : vector<1x1x16xf32> to vector<16xf32>
        %get3A_546 = arith.constant 2 : i32
        %get3A_547 = arith.index_cast %get3A_546 : i32 to index
        %get3A_548 = arith.index_cast %scan3A_297 : i32 to index
        %get3A_549 = arith.constant 256 : index
        %get3A_550 = tpu.vector_load %arg8[%get3A_547, %get3A_548, %get3A_549] {strides = array<i32>} : memref<4x16x512xf32, #tpu.memory_space<vmem>>, vector<1x1x16xf32>,
        %get3A_551 = vector.shape_cast %get3A_550 : vector<1x1x16xf32> to vector<16xf32>
        %sub3A_552 = arith.subf %get3A_545, %get3A_551 : vector<16xf32>
        %mul3A_553 = arith.mulf %sub3A_552, %sub3A_552 : vector<16xf32>
        %add3A_554 = arith.addf %add3A_494, %mul3A_553 : vector<16xf32>
        %get3A_555 = arith.constant 2 : i32
        %get3A_556 = arith.index_cast %get3A_555 : i32 to index
        %get3A_557 = arith.index_cast %scan3A_297 : i32 to index
        %get3A_558 = arith.constant 272 : index
        %get3A_559 = tpu.vector_load %arg7[%get3A_556, %get3A_557, %get3A_558] {strides = array<i32>} : memref<4x16x512xf32, #tpu.memory_space<vmem>>, vector<1x1x16xf32>,
        %get3A_560 = vector.shape_cast %get3A_559 : vector<1x1x16xf32> to vector<16xf32>
        %get3A_561 = arith.constant 2 : i32
        %get3A_562 = arith.index_cast %get3A_561 : i32 to index
        %get3A_563 = arith.index_cast %scan3A_297 : i32 to index
        %get3A_564 = arith.constant 272 : index
        %get3A_565 = tpu.vector_load %arg8[%get3A_562, %get3A_563, %get3A_564] {strides = array<i32>} : memref<4x16x512xf32, #tpu.memory_space<vmem>>, vector<1x1x16xf32>,
        %get3A_566 = vector.shape_cast %get3A_565 : vector<1x1x16xf32> to vector<16xf32>
        %sub3A_567 = arith.subf %get3A_560, %get3A_566 : vector<16xf32>
        %mul3A_568 = arith.mulf %sub3A_567, %sub3A_567 : vector<16xf32>
        %add3A_569 = arith.addf %add3A_509, %mul3A_568 : vector<16xf32>
        %get3A_570 = arith.constant 2 : i32
        %get3A_571 = arith.index_cast %get3A_570 : i32 to index
        %get3A_572 = arith.index_cast %scan3A_297 : i32 to index
        %get3A_573 = arith.constant 288 : index
        %get3A_574 = tpu.vector_load %arg7[%get3A_571, %get3A_572, %get3A_573] {strides = array<i32>} : memref<4x16x512xf32, #tpu.memory_space<vmem>>, vector<1x1x16xf32>,
        %get3A_575 = vector.shape_cast %get3A_574 : vector<1x1x16xf32> to vector<16xf32>
        %get3A_576 = arith.constant 2 : i32
        %get3A_577 = arith.index_cast %get3A_576 : i32 to index
        %get3A_578 = arith.index_cast %scan3A_297 : i32 to index
        %get3A_579 = arith.constant 288 : index
        %get3A_580 = tpu.vector_load %arg8[%get3A_577, %get3A_578, %get3A_579] {strides = array<i32>} : memref<4x16x512xf32, #tpu.memory_space<vmem>>, vector<1x1x16xf32>,
        %get3A_581 = vector.shape_cast %get3A_580 : vector<1x1x16xf32> to vector<16xf32>
        %sub3A_582 = arith.subf %get3A_575, %get3A_581 : vector<16xf32>
        %mul3A_583 = arith.mulf %sub3A_582, %sub3A_582 : vector<16xf32>
        %add3A_584 = arith.addf %add3A_524, %mul3A_583 : vector<16xf32>
        %get3A_585 = arith.constant 2 : i32
        %get3A_586 = arith.index_cast %get3A_585 : i32 to index
        %get3A_587 = arith.index_cast %scan3A_297 : i32 to index
        %get3A_588 = arith.constant 304 : index
        %get3A_589 = tpu.vector_load %arg7[%get3A_586, %get3A_587, %get3A_588] {strides = array<i32>} : memref<4x16x512xf32, #tpu.memory_space<vmem>>, vector<1x1x16xf32>,
        %get3A_590 = vector.shape_cast %get3A_589 : vector<1x1x16xf32> to vector<16xf32>
        %get3A_591 = arith.constant 2 : i32
        %get3A_592 = arith.index_cast %get3A_591 : i32 to index
        %get3A_593 = arith.index_cast %scan3A_297 : i32 to index
        %get3A_594 = arith.constant 304 : index
        %get3A_595 = tpu.vector_load %arg8[%get3A_592, %get3A_593, %get3A_594] {strides = array<i32>} : memref<4x16x512xf32, #tpu.memory_space<vmem>>, vector<1x1x16xf32>,
        %get3A_596 = vector.shape_cast %get3A_595 : vector<1x1x16xf32> to vector<16xf32>
        %sub3A_597 = arith.subf %get3A_590, %get3A_596 : vector<16xf32>
        %mul3A_598 = arith.mulf %sub3A_597, %sub3A_597 : vector<16xf32>
        %add3A_599 = arith.addf %add3A_539, %mul3A_598 : vector<16xf32>
        %get3A_600 = arith.constant 2 : i32
        %get3A_601 = arith.index_cast %get3A_600 : i32 to index
        %get3A_602 = arith.index_cast %scan3A_297 : i32 to index
        %get3A_603 = arith.constant 320 : index
        %get3A_604 = tpu.vector_load %arg7[%get3A_601, %get3A_602, %get3A_603] {strides = array<i32>} : memref<4x16x512xf32, #tpu.memory_space<vmem>>, vector<1x1x16xf32>,
        %get3A_605 = vector.shape_cast %get3A_604 : vector<1x1x16xf32> to vector<16xf32>
        %get3A_606 = arith.constant 2 : i32
        %get3A_607 = arith.index_cast %get3A_606 : i32 to index
        %get3A_608 = arith.index_cast %scan3A_297 : i32 to index
        %get3A_609 = arith.constant 320 : index
        %get3A_610 = tpu.vector_load %arg8[%get3A_607, %get3A_608, %get3A_609] {strides = array<i32>} : memref<4x16x512xf32, #tpu.memory_space<vmem>>, vector<1x1x16xf32>,
        %get3A_611 = vector.shape_cast %get3A_610 : vector<1x1x16xf32> to vector<16xf32>
        %sub3A_612 = arith.subf %get3A_605, %get3A_611 : vector<16xf32>
        %mul3A_613 = arith.mulf %sub3A_612, %sub3A_612 : vector<16xf32>
        %add3A_614 = arith.addf %add3A_554, %mul3A_613 : vector<16xf32>
        %get3A_615 = arith.constant 2 : i32
        %get3A_616 = arith.index_cast %get3A_615 : i32 to index
        %get3A_617 = arith.index_cast %scan3A_297 : i32 to index
        %get3A_618 = arith.constant 336 : index
        %get3A_619 = tpu.vector_load %arg7[%get3A_616, %get3A_617, %get3A_618] {strides = array<i32>} : memref<4x16x512xf32, #tpu.memory_space<vmem>>, vector<1x1x16xf32>,
        %get3A_620 = vector.shape_cast %get3A_619 : vector<1x1x16xf32> to vector<16xf32>
        %get3A_621 = arith.constant 2 : i32
        %get3A_622 = arith.index_cast %get3A_621 : i32 to index
        %get3A_623 = arith.index_cast %scan3A_297 : i32 to index
        %get3A_624 = arith.constant 336 : index
        %get3A_625 = tpu.vector_load %arg8[%get3A_622, %get3A_623, %get3A_624] {strides = array<i32>} : memref<4x16x512xf32, #tpu.memory_space<vmem>>, vector<1x1x16xf32>,
        %get3A_626 = vector.shape_cast %get3A_625 : vector<1x1x16xf32> to vector<16xf32>
        %sub3A_627 = arith.subf %get3A_620, %get3A_626 : vector<16xf32>
        %mul3A_628 = arith.mulf %sub3A_627, %sub3A_627 : vector<16xf32>
        %add3A_629 = arith.addf %add3A_569, %mul3A_628 : vector<16xf32>
        %get3A_630 = arith.constant 2 : i32
        %get3A_631 = arith.index_cast %get3A_630 : i32 to index
        %get3A_632 = arith.index_cast %scan3A_297 : i32 to index
        %get3A_633 = arith.constant 352 : index
        %get3A_634 = tpu.vector_load %arg7[%get3A_631, %get3A_632, %get3A_633] {strides = array<i32>} : memref<4x16x512xf32, #tpu.memory_space<vmem>>, vector<1x1x16xf32>,
        %get3A_635 = vector.shape_cast %get3A_634 : vector<1x1x16xf32> to vector<16xf32>
        %get3A_636 = arith.constant 2 : i32
        %get3A_637 = arith.index_cast %get3A_636 : i32 to index
        %get3A_638 = arith.index_cast %scan3A_297 : i32 to index
        %get3A_639 = arith.constant 352 : index
        %get3A_640 = tpu.vector_load %arg8[%get3A_637, %get3A_638, %get3A_639] {strides = array<i32>} : memref<4x16x512xf32, #tpu.memory_space<vmem>>, vector<1x1x16xf32>,
        %get3A_641 = vector.shape_cast %get3A_640 : vector<1x1x16xf32> to vector<16xf32>
        %sub3A_642 = arith.subf %get3A_635, %get3A_641 : vector<16xf32>
        %mul3A_643 = arith.mulf %sub3A_642, %sub3A_642 : vector<16xf32>
        %add3A_644 = arith.addf %add3A_584, %mul3A_643 : vector<16xf32>
        %get3A_645 = arith.constant 2 : i32
        %get3A_646 = arith.index_cast %get3A_645 : i32 to index
        %get3A_647 = arith.index_cast %scan3A_297 : i32 to index
        %get3A_648 = arith.constant 368 : index
        %get3A_649 = tpu.vector_load %arg7[%get3A_646, %get3A_647, %get3A_648] {strides = array<i32>} : memref<4x16x512xf32, #tpu.memory_space<vmem>>, vector<1x1x16xf32>,
        %get3A_650 = vector.shape_cast %get3A_649 : vector<1x1x16xf32> to vector<16xf32>
        %get3A_651 = arith.constant 2 : i32
        %get3A_652 = arith.index_cast %get3A_651 : i32 to index
        %get3A_653 = arith.index_cast %scan3A_297 : i32 to index
        %get3A_654 = arith.constant 368 : index
        %get3A_655 = tpu.vector_load %arg8[%get3A_652, %get3A_653, %get3A_654] {strides = array<i32>} : memref<4x16x512xf32, #tpu.memory_space<vmem>>, vector<1x1x16xf32>,
        %get3A_656 = vector.shape_cast %get3A_655 : vector<1x1x16xf32> to vector<16xf32>
        %sub3A_657 = arith.subf %get3A_650, %get3A_656 : vector<16xf32>
        %mul3A_658 = arith.mulf %sub3A_657, %sub3A_657 : vector<16xf32>
        %add3A_659 = arith.addf %add3A_599, %mul3A_658 : vector<16xf32>
        %get3A_660 = arith.constant 2 : i32
        %get3A_661 = arith.index_cast %get3A_660 : i32 to index
        %get3A_662 = arith.index_cast %scan3A_297 : i32 to index
        %get3A_663 = arith.constant 384 : index
        %get3A_664 = tpu.vector_load %arg7[%get3A_661, %get3A_662, %get3A_663] {strides = array<i32>} : memref<4x16x512xf32, #tpu.memory_space<vmem>>, vector<1x1x16xf32>,
        %get3A_665 = vector.shape_cast %get3A_664 : vector<1x1x16xf32> to vector<16xf32>
        %get3A_666 = arith.constant 2 : i32
        %get3A_667 = arith.index_cast %get3A_666 : i32 to index
        %get3A_668 = arith.index_cast %scan3A_297 : i32 to index
        %get3A_669 = arith.constant 384 : index
        %get3A_670 = tpu.vector_load %arg8[%get3A_667, %get3A_668, %get3A_669] {strides = array<i32>} : memref<4x16x512xf32, #tpu.memory_space<vmem>>, vector<1x1x16xf32>,
        %get3A_671 = vector.shape_cast %get3A_670 : vector<1x1x16xf32> to vector<16xf32>
        %sub3A_672 = arith.subf %get3A_665, %get3A_671 : vector<16xf32>
        %mul3A_673 = arith.mulf %sub3A_672, %sub3A_672 : vector<16xf32>
        %add3A_674 = arith.addf %add3A_614, %mul3A_673 : vector<16xf32>
        %get3A_675 = arith.constant 2 : i32
        %get3A_676 = arith.index_cast %get3A_675 : i32 to index
        %get3A_677 = arith.index_cast %scan3A_297 : i32 to index
        %get3A_678 = arith.constant 400 : index
        %get3A_679 = tpu.vector_load %arg7[%get3A_676, %get3A_677, %get3A_678] {strides = array<i32>} : memref<4x16x512xf32, #tpu.memory_space<vmem>>, vector<1x1x16xf32>,
        %get3A_680 = vector.shape_cast %get3A_679 : vector<1x1x16xf32> to vector<16xf32>
        %get3A_681 = arith.constant 2 : i32
        %get3A_682 = arith.index_cast %get3A_681 : i32 to index
        %get3A_683 = arith.index_cast %scan3A_297 : i32 to index
        %get3A_684 = arith.constant 400 : index
        %get3A_685 = tpu.vector_load %arg8[%get3A_682, %get3A_683, %get3A_684] {strides = array<i32>} : memref<4x16x512xf32, #tpu.memory_space<vmem>>, vector<1x1x16xf32>,
        %get3A_686 = vector.shape_cast %get3A_685 : vector<1x1x16xf32> to vector<16xf32>
        %sub3A_687 = arith.subf %get3A_680, %get3A_686 : vector<16xf32>
        %mul3A_688 = arith.mulf %sub3A_687, %sub3A_687 : vector<16xf32>
        %add3A_689 = arith.addf %add3A_629, %mul3A_688 : vector<16xf32>
        %get3A_690 = arith.constant 2 : i32
        %get3A_691 = arith.index_cast %get3A_690 : i32 to index
        %get3A_692 = arith.index_cast %scan3A_297 : i32 to index
        %get3A_693 = arith.constant 416 : index
        %get3A_694 = tpu.vector_load %arg7[%get3A_691, %get3A_692, %get3A_693] {strides = array<i32>} : memref<4x16x512xf32, #tpu.memory_space<vmem>>, vector<1x1x16xf32>,
        %get3A_695 = vector.shape_cast %get3A_694 : vector<1x1x16xf32> to vector<16xf32>
        %get3A_696 = arith.constant 2 : i32
        %get3A_697 = arith.index_cast %get3A_696 : i32 to index
        %get3A_698 = arith.index_cast %scan3A_297 : i32 to index
        %get3A_699 = arith.constant 416 : index
        %get3A_700 = tpu.vector_load %arg8[%get3A_697, %get3A_698, %get3A_699] {strides = array<i32>} : memref<4x16x512xf32, #tpu.memory_space<vmem>>, vector<1x1x16xf32>,
        %get3A_701 = vector.shape_cast %get3A_700 : vector<1x1x16xf32> to vector<16xf32>
        %sub3A_702 = arith.subf %get3A_695, %get3A_701 : vector<16xf32>
        %mul3A_703 = arith.mulf %sub3A_702, %sub3A_702 : vector<16xf32>
        %add3A_704 = arith.addf %add3A_644, %mul3A_703 : vector<16xf32>
        %get3A_705 = arith.constant 2 : i32
        %get3A_706 = arith.index_cast %get3A_705 : i32 to index
        %get3A_707 = arith.index_cast %scan3A_297 : i32 to index
        %get3A_708 = arith.constant 432 : index
        %get3A_709 = tpu.vector_load %arg7[%get3A_706, %get3A_707, %get3A_708] {strides = array<i32>} : memref<4x16x512xf32, #tpu.memory_space<vmem>>, vector<1x1x16xf32>,
        %get3A_710 = vector.shape_cast %get3A_709 : vector<1x1x16xf32> to vector<16xf32>
        %get3A_711 = arith.constant 2 : i32
        %get3A_712 = arith.index_cast %get3A_711 : i32 to index
        %get3A_713 = arith.index_cast %scan3A_297 : i32 to index
        %get3A_714 = arith.constant 432 : index
        %get3A_715 = tpu.vector_load %arg8[%get3A_712, %get3A_713, %get3A_714] {strides = array<i32>} : memref<4x16x512xf32, #tpu.memory_space<vmem>>, vector<1x1x16xf32>,
        %get3A_716 = vector.shape_cast %get3A_715 : vector<1x1x16xf32> to vector<16xf32>
        %sub3A_717 = arith.subf %get3A_710, %get3A_716 : vector<16xf32>
        %mul3A_718 = arith.mulf %sub3A_717, %sub3A_717 : vector<16xf32>
        %add3A_719 = arith.addf %add3A_659, %mul3A_718 : vector<16xf32>
        %get3A_720 = arith.constant 2 : i32
        %get3A_721 = arith.index_cast %get3A_720 : i32 to index
        %get3A_722 = arith.index_cast %scan3A_297 : i32 to index
        %get3A_723 = arith.constant 448 : index
        %get3A_724 = tpu.vector_load %arg7[%get3A_721, %get3A_722, %get3A_723] {strides = array<i32>} : memref<4x16x512xf32, #tpu.memory_space<vmem>>, vector<1x1x16xf32>,
        %get3A_725 = vector.shape_cast %get3A_724 : vector<1x1x16xf32> to vector<16xf32>
        %get3A_726 = arith.constant 2 : i32
        %get3A_727 = arith.index_cast %get3A_726 : i32 to index
        %get3A_728 = arith.index_cast %scan3A_297 : i32 to index
        %get3A_729 = arith.constant 448 : index
        %get3A_730 = tpu.vector_load %arg8[%get3A_727, %get3A_728, %get3A_729] {strides = array<i32>} : memref<4x16x512xf32, #tpu.memory_space<vmem>>, vector<1x1x16xf32>,
        %get3A_731 = vector.shape_cast %get3A_730 : vector<1x1x16xf32> to vector<16xf32>
        %sub3A_732 = arith.subf %get3A_725, %get3A_731 : vector<16xf32>
        %mul3A_733 = arith.mulf %sub3A_732, %sub3A_732 : vector<16xf32>
        %add3A_734 = arith.addf %add3A_674, %mul3A_733 : vector<16xf32>
        %get3A_735 = arith.constant 2 : i32
        %get3A_736 = arith.index_cast %get3A_735 : i32 to index
        %get3A_737 = arith.index_cast %scan3A_297 : i32 to index
        %get3A_738 = arith.constant 464 : index
        %get3A_739 = tpu.vector_load %arg7[%get3A_736, %get3A_737, %get3A_738] {strides = array<i32>} : memref<4x16x512xf32, #tpu.memory_space<vmem>>, vector<1x1x16xf32>,
        %get3A_740 = vector.shape_cast %get3A_739 : vector<1x1x16xf32> to vector<16xf32>
        %get3A_741 = arith.constant 2 : i32
        %get3A_742 = arith.index_cast %get3A_741 : i32 to index
        %get3A_743 = arith.index_cast %scan3A_297 : i32 to index
        %get3A_744 = arith.constant 464 : index
        %get3A_745 = tpu.vector_load %arg8[%get3A_742, %get3A_743, %get3A_744] {strides = array<i32>} : memref<4x16x512xf32, #tpu.memory_space<vmem>>, vector<1x1x16xf32>,
        %get3A_746 = vector.shape_cast %get3A_745 : vector<1x1x16xf32> to vector<16xf32>
        %sub3A_747 = arith.subf %get3A_740, %get3A_746 : vector<16xf32>
        %mul3A_748 = arith.mulf %sub3A_747, %sub3A_747 : vector<16xf32>
        %add3A_749 = arith.addf %add3A_689, %mul3A_748 : vector<16xf32>
        %get3A_750 = arith.constant 2 : i32
        %get3A_751 = arith.index_cast %get3A_750 : i32 to index
        %get3A_752 = arith.index_cast %scan3A_297 : i32 to index
        %get3A_753 = arith.constant 480 : index
        %get3A_754 = tpu.vector_load %arg7[%get3A_751, %get3A_752, %get3A_753] {strides = array<i32>} : memref<4x16x512xf32, #tpu.memory_space<vmem>>, vector<1x1x16xf32>,
        %get3A_755 = vector.shape_cast %get3A_754 : vector<1x1x16xf32> to vector<16xf32>
        %get3A_756 = arith.constant 2 : i32
        %get3A_757 = arith.index_cast %get3A_756 : i32 to index
        %get3A_758 = arith.index_cast %scan3A_297 : i32 to index
        %get3A_759 = arith.constant 480 : index
        %get3A_760 = tpu.vector_load %arg8[%get3A_757, %get3A_758, %get3A_759] {strides = array<i32>} : memref<4x16x512xf32, #tpu.memory_space<vmem>>, vector<1x1x16xf32>,
        %get3A_761 = vector.shape_cast %get3A_760 : vector<1x1x16xf32> to vector<16xf32>
        %sub3A_762 = arith.subf %get3A_755, %get3A_761 : vector<16xf32>
        %mul3A_763 = arith.mulf %sub3A_762, %sub3A_762 : vector<16xf32>
        %add3A_764 = arith.addf %add3A_704, %mul3A_763 : vector<16xf32>
        %get3A_765 = arith.constant 2 : i32
        %get3A_766 = arith.index_cast %get3A_765 : i32 to index
        %get3A_767 = arith.index_cast %scan3A_297 : i32 to index
        %get3A_768 = arith.constant 496 : index
        %get3A_769 = tpu.vector_load %arg7[%get3A_766, %get3A_767, %get3A_768] {strides = array<i32>} : memref<4x16x512xf32, #tpu.memory_space<vmem>>, vector<1x1x16xf32>,
        %get3A_770 = vector.shape_cast %get3A_769 : vector<1x1x16xf32> to vector<16xf32>
        %get3A_771 = arith.constant 2 : i32
        %get3A_772 = arith.index_cast %get3A_771 : i32 to index
        %get3A_773 = arith.index_cast %scan3A_297 : i32 to index
        %get3A_774 = arith.constant 496 : index
        %get3A_775 = tpu.vector_load %arg8[%get3A_772, %get3A_773, %get3A_774] {strides = array<i32>} : memref<4x16x512xf32, #tpu.memory_space<vmem>>, vector<1x1x16xf32>,
        %get3A_776 = vector.shape_cast %get3A_775 : vector<1x1x16xf32> to vector<16xf32>
        %sub3A_777 = arith.subf %get3A_770, %get3A_776 : vector<16xf32>
        %mul3A_778 = arith.mulf %sub3A_777, %sub3A_777 : vector<16xf32>
        %add3A_779 = arith.addf %add3A_719, %mul3A_778 : vector<16xf32>
        scf.yield %add3A_734, %add3A_749, %add3A_764, %add3A_779 : vector<16xf32>, vector<16xf32>, vector<16xf32>, vector<16xf32>
      }
      %scan3A_245 = arith.constant 16 : i32
      %add3A_246 = arith.constant 4 : i32
      %add3A_247 = arith.addi %add3A_212, %add3A_246 : i32
      %lt3A_248 = arith.constant 8 : i32
      %lt3A_249 = arith.cmpi slt, %add3A_247, %lt3A_248 : i32
      %convert_element_type3A_250 = arith.extui %lt3A_249 : i1 to i32
      %cond3A_251 = arith.constant 0 : i32
      %cond3A_252 = arith.cmpi ne, %convert_element_type3A_250, %cond3A_251 : i32
      scf.if %cond3A_252 {
        %add3A_297 = arith.constant 4 : i32
        %add3A_298 = arith.addi %add3A_212, %add3A_297 : i32
        %mul3A_299 = arith.constant 16 : i32
        %mul3A_300 = arith.muli %add3A_298, %mul3A_299 : i32
        %add3A_301 = arith.addi %mul3A_2, %mul3A_300 : i32
        %mul3A_302 = arith.constant 16 : i32
        %mul3A_303 = arith.muli %add3A_298, %mul3A_302 : i32
        %dma_start3A_304 = arith.constant 2 : i32
        %dma_start3A_305 = arith.constant 0 : i32
        %dma_start3A_306 = arith.constant 0 : i32
        %dma_start3A_307 = tpu.memref_slice %arg8[%dma_start3A_304, %dma_start3A_305, %dma_start3A_306] : memref<4x16x512xf32, #tpu.memory_space<vmem>> -> memref<1x16x512xf32, #tpu.memory_space<vmem>>
        %dma_start3A_308 = tpu.memref_squeeze %dma_start3A_307 : memref<1x16x512xf32, #tpu.memory_space<vmem>> -> memref<16x512xf32, #tpu.memory_space<vmem>>
        %dma_start3A_309 = tpu.memref_slice %arg6[%mul3A_303] : memref<128xi32, #tpu.memory_space<vmem>> -> memref<16xi32, #tpu.memory_space<vmem>>
        %dma_start3A_310 = arith.constant 0 : i32
        %dma_start3A_311 = arith.constant 0 : i32
        %dma_start3A_312 = tpu.memref_slice %arg4[%dma_start3A_310, %dma_start3A_311] : memref<1000x512xf32, #tpu.memory_space<hbm>> -> memref<1000x512xf32, #tpu.memory_space<hbm>>
        tpu.enqueue_indirect_dma source(%dma_start3A_312 : memref<1000x512xf32, #tpu.memory_space<hbm>>) target(%dma_start3A_308 : memref<16x512xf32, #tpu.memory_space<vmem>>) offsets(%dma_start3A_309 : memref<16xi32, #tpu.memory_space<vmem>>) semaphore(%arg16 : memref<!tpu.dma_semaphore, #tpu.memory_space<semaphore_mem>>)
        %dma_start3A_313 = arith.constant 2 : i32
        %dma_start3A_314 = arith.constant 0 : i32
        %dma_start3A_315 = arith.constant 0 : i32
        %dma_start3A_316 = tpu.memref_slice %arg7[%dma_start3A_313, %dma_start3A_314, %dma_start3A_315] : memref<4x16x512xf32, #tpu.memory_space<vmem>> -> memref<1x16x512xf32, #tpu.memory_space<vmem>>
        %dma_start3A_317 = tpu.memref_squeeze %dma_start3A_316 : memref<1x16x512xf32, #tpu.memory_space<vmem>> -> memref<16x512xf32, #tpu.memory_space<vmem>>
        %dma_start3A_318 = arith.constant 0 : i32
        %dma_start3A_319 = tpu.memref_slice %arg2[%add3A_301, %dma_start3A_318] : memref<4096x512xf32, #tpu.memory_space<hbm>> -> memref<16x512xf32, #tpu.memory_space<hbm>>
        %dma_start3A_320 = arith.constant 0 : i32
        %dma_start3A_321 = arith.constant 0 : i32
        %dma_start3A_322 = tpu.memref_slice %arg7[%dma_start3A_313, %dma_start3A_320, %dma_start3A_321] : memref<4x16x512xf32, #tpu.memory_space<vmem>> -> memref<1x16x512xf32, #tpu.memory_space<vmem>>
        %dma_start3A_323 = tpu.memref_squeeze %dma_start3A_322 : memref<1x16x512xf32, #tpu.memory_space<vmem>> -> memref<16x512xf32, #tpu.memory_space<vmem>>
        %dma_start3A_324 = arith.constant 0 : i32
        %dma_start3A_325 = tpu.memref_slice %arg2[%add3A_301, %dma_start3A_324] : memref<4096x512xf32, #tpu.memory_space<hbm>> -> memref<16x512xf32, #tpu.memory_space<hbm>>
        tpu.enqueue_dma source(%dma_start3A_325 : memref<16x512xf32, #tpu.memory_space<hbm>>) target(%dma_start3A_323 : memref<16x512xf32, #tpu.memory_space<vmem>>) target_semaphore(%arg12 : memref<!tpu.dma_semaphore, #tpu.memory_space<semaphore_mem>>)
      } else {
      }
      %mul3A_253 = arith.constant 4 : i32
      %mul3A_254 = arith.muli %scan3A_120, %mul3A_253 : i32
      %add3A_255 = arith.constant 3 : i32
      %add3A_256 = arith.addi %mul3A_254, %add3A_255 : i32
      %mul3A_257 = arith.constant 16 : i32
      %mul3A_258 = arith.muli %add3A_256, %mul3A_257 : i32
      %add3A_259 = arith.addi %mul3A_2, %mul3A_258 : i32
      %dma_wait3A_260 = arith.constant 3 : i32
      %dma_wait3A_261 = arith.constant 0 : i32
      %dma_wait3A_262 = arith.constant 0 : i32
      %dma_wait3A_263 = tpu.memref_slice %arg7[%dma_wait3A_260, %dma_wait3A_261, %dma_wait3A_262] : memref<4x16x512xf32, #tpu.memory_space<vmem>> -> memref<1x16x512xf32, #tpu.memory_space<vmem>>
      %dma_wait3A_264 = tpu.memref_squeeze %dma_wait3A_263 : memref<1x16x512xf32, #tpu.memory_space<vmem>> -> memref<16x512xf32, #tpu.memory_space<vmem>>
      %dma_wait3A_265 = arith.constant 0 : i32
      %dma_wait3A_266 = tpu.memref_slice %arg2[%add3A_259, %dma_wait3A_265] : memref<4096x512xf32, #tpu.memory_space<hbm>> -> memref<16x512xf32, #tpu.memory_space<hbm>>
      %dma_wait3A_267 = arith.constant 0 : i32
      %dma_wait3A_268 = arith.constant 0 : i32
      %dma_wait3A_269 = tpu.memref_slice %arg7[%dma_wait3A_260, %dma_wait3A_267, %dma_wait3A_268] : memref<4x16x512xf32, #tpu.memory_space<vmem>> -> memref<1x16x512xf32, #tpu.memory_space<vmem>>
      %dma_wait3A_270 = tpu.memref_squeeze %dma_wait3A_269 : memref<1x16x512xf32, #tpu.memory_space<vmem>> -> memref<16x512xf32, #tpu.memory_space<vmem>>
      %dma_wait3A_271 = arith.constant 0 : i32
      %dma_wait3A_272 = tpu.memref_slice %arg2[%add3A_259, %dma_wait3A_271] : memref<4096x512xf32, #tpu.memory_space<hbm>> -> memref<16x512xf32, #tpu.memory_space<hbm>>
      tpu.wait_dma2 semaphore(%arg13 : memref<!tpu.dma_semaphore, #tpu.memory_space<semaphore_mem>>) src(%dma_wait3A_272 : memref<16x512xf32, #tpu.memory_space<hbm>>) dst(%dma_wait3A_270 : memref<16x512xf32, #tpu.memory_space<vmem>>)
      %mul3A_273 = arith.constant 16 : i32
      %mul3A_274 = arith.muli %add3A_256, %mul3A_273 : i32
      %dma_wait3A_275 = arith.constant 3 : i32
      %dma_wait3A_276 = arith.constant 0 : i32
      %dma_wait3A_277 = arith.constant 0 : i32
      %dma_wait3A_278 = tpu.memref_slice %arg8[%dma_wait3A_275, %dma_wait3A_276, %dma_wait3A_277] : memref<4x16x512xf32, #tpu.memory_space<vmem>> -> memref<1x16x512xf32, #tpu.memory_space<vmem>>
      %dma_wait3A_279 = tpu.memref_squeeze %dma_wait3A_278 : memref<1x16x512xf32, #tpu.memory_space<vmem>> -> memref<16x512xf32, #tpu.memory_space<vmem>>
      %dma_wait3A_280 = tpu.memref_slice %arg6[%mul3A_274] : memref<128xi32, #tpu.memory_space<vmem>> -> memref<16xi32, #tpu.memory_space<vmem>>
      %dma_wait3A_281 = arith.constant 0 : i32
      %dma_wait3A_282 = arith.constant 0 : i32
      %dma_wait3A_283 = tpu.memref_slice %arg4[%dma_wait3A_281, %dma_wait3A_282] : memref<1000x512xf32, #tpu.memory_space<hbm>> -> memref<1000x512xf32, #tpu.memory_space<hbm>>
      tpu.wait_indirect_dma semaphore(%arg17 : memref<!tpu.dma_semaphore, #tpu.memory_space<semaphore_mem>>) src(%dma_wait3A_283 : memref<1000x512xf32, #tpu.memory_space<hbm>>) dst(%dma_wait3A_279 : memref<16x512xf32, #tpu.memory_space<vmem>>)
      %scan3A_284 = arith.constant 0 : i32
      %scan3A_285 = arith.constant 16 : i32
      %scan3A_286 = arith.addi %scan3A_284, %scan3A_285 : i32
      %scan3A_287 = arith.constant 1 : i32
      %scan3A_288:4 = scf.for %scan3A_297 = %scan3A_284 to %scan3A_286 step %scan3A_287 iter_args(%scan3A_298 = %scan3A_244#0, %scan3A_299 = %scan3A_244#1, %scan3A_300 = %scan3A_244#2, %scan3A_301 = %scan3A_244#3) -> (vector<16xf32>, vector<16xf32>, vector<16xf32>, vector<16xf32>)  : i32 {
        %get3A = arith.constant 3 : i32
        %get3A_302 = arith.index_cast %get3A : i32 to index
        %get3A_303 = arith.index_cast %scan3A_297 : i32 to index
        %get3A_304 = arith.constant 0 : index
        %get3A_305 = tpu.vector_load %arg7[%get3A_302, %get3A_303, %get3A_304] {strides = array<i32>} : memref<4x16x512xf32, #tpu.memory_space<vmem>>, vector<1x1x16xf32>,
        %get3A_306 = vector.shape_cast %get3A_305 : vector<1x1x16xf32> to vector<16xf32>
        %get3A_307 = arith.constant 3 : i32
        %get3A_308 = arith.index_cast %get3A_307 : i32 to index
        %get3A_309 = arith.index_cast %scan3A_297 : i32 to index
        %get3A_310 = arith.constant 0 : index
        %get3A_311 = tpu.vector_load %arg8[%get3A_308, %get3A_309, %get3A_310] {strides = array<i32>} : memref<4x16x512xf32, #tpu.memory_space<vmem>>, vector<1x1x16xf32>,
        %get3A_312 = vector.shape_cast %get3A_311 : vector<1x1x16xf32> to vector<16xf32>
        %sub3A = arith.subf %get3A_306, %get3A_312 : vector<16xf32>
        %mul3A_313 = arith.mulf %sub3A, %sub3A : vector<16xf32>
        %add3A_314 = arith.addf %scan3A_298, %mul3A_313 : vector<16xf32>
        %get3A_315 = arith.constant 3 : i32
        %get3A_316 = arith.index_cast %get3A_315 : i32 to index
        %get3A_317 = arith.index_cast %scan3A_297 : i32 to index
        %get3A_318 = arith.constant 16 : index
        %get3A_319 = tpu.vector_load %arg7[%get3A_316, %get3A_317, %get3A_318] {strides = array<i32>} : memref<4x16x512xf32, #tpu.memory_space<vmem>>, vector<1x1x16xf32>,
        %get3A_320 = vector.shape_cast %get3A_319 : vector<1x1x16xf32> to vector<16xf32>
        %get3A_321 = arith.constant 3 : i32
        %get3A_322 = arith.index_cast %get3A_321 : i32 to index
        %get3A_323 = arith.index_cast %scan3A_297 : i32 to index
        %get3A_324 = arith.constant 16 : index
        %get3A_325 = tpu.vector_load %arg8[%get3A_322, %get3A_323, %get3A_324] {strides = array<i32>} : memref<4x16x512xf32, #tpu.memory_space<vmem>>, vector<1x1x16xf32>,
        %get3A_326 = vector.shape_cast %get3A_325 : vector<1x1x16xf32> to vector<16xf32>
        %sub3A_327 = arith.subf %get3A_320, %get3A_326 : vector<16xf32>
        %mul3A_328 = arith.mulf %sub3A_327, %sub3A_327 : vector<16xf32>
        %add3A_329 = arith.addf %scan3A_299, %mul3A_328 : vector<16xf32>
        %get3A_330 = arith.constant 3 : i32
        %get3A_331 = arith.index_cast %get3A_330 : i32 to index
        %get3A_332 = arith.index_cast %scan3A_297 : i32 to index
        %get3A_333 = arith.constant 32 : index
        %get3A_334 = tpu.vector_load %arg7[%get3A_331, %get3A_332, %get3A_333] {strides = array<i32>} : memref<4x16x512xf32, #tpu.memory_space<vmem>>, vector<1x1x16xf32>,
        %get3A_335 = vector.shape_cast %get3A_334 : vector<1x1x16xf32> to vector<16xf32>
        %get3A_336 = arith.constant 3 : i32
        %get3A_337 = arith.index_cast %get3A_336 : i32 to index
        %get3A_338 = arith.index_cast %scan3A_297 : i32 to index
        %get3A_339 = arith.constant 32 : index
        %get3A_340 = tpu.vector_load %arg8[%get3A_337, %get3A_338, %get3A_339] {strides = array<i32>} : memref<4x16x512xf32, #tpu.memory_space<vmem>>, vector<1x1x16xf32>,
        %get3A_341 = vector.shape_cast %get3A_340 : vector<1x1x16xf32> to vector<16xf32>
        %sub3A_342 = arith.subf %get3A_335, %get3A_341 : vector<16xf32>
        %mul3A_343 = arith.mulf %sub3A_342, %sub3A_342 : vector<16xf32>
        %add3A_344 = arith.addf %scan3A_300, %mul3A_343 : vector<16xf32>
        %get3A_345 = arith.constant 3 : i32
        %get3A_346 = arith.index_cast %get3A_345 : i32 to index
        %get3A_347 = arith.index_cast %scan3A_297 : i32 to index
        %get3A_348 = arith.constant 48 : index
        %get3A_349 = tpu.vector_load %arg7[%get3A_346, %get3A_347, %get3A_348] {strides = array<i32>} : memref<4x16x512xf32, #tpu.memory_space<vmem>>, vector<1x1x16xf32>,
        %get3A_350 = vector.shape_cast %get3A_349 : vector<1x1x16xf32> to vector<16xf32>
        %get3A_351 = arith.constant 3 : i32
        %get3A_352 = arith.index_cast %get3A_351 : i32 to index
        %get3A_353 = arith.index_cast %scan3A_297 : i32 to index
        %get3A_354 = arith.constant 48 : index
        %get3A_355 = tpu.vector_load %arg8[%get3A_352, %get3A_353, %get3A_354] {strides = array<i32>} : memref<4x16x512xf32, #tpu.memory_space<vmem>>, vector<1x1x16xf32>,
        %get3A_356 = vector.shape_cast %get3A_355 : vector<1x1x16xf32> to vector<16xf32>
        %sub3A_357 = arith.subf %get3A_350, %get3A_356 : vector<16xf32>
        %mul3A_358 = arith.mulf %sub3A_357, %sub3A_357 : vector<16xf32>
        %add3A_359 = arith.addf %scan3A_301, %mul3A_358 : vector<16xf32>
        %get3A_360 = arith.constant 3 : i32
        %get3A_361 = arith.index_cast %get3A_360 : i32 to index
        %get3A_362 = arith.index_cast %scan3A_297 : i32 to index
        %get3A_363 = arith.constant 64 : index
        %get3A_364 = tpu.vector_load %arg7[%get3A_361, %get3A_362, %get3A_363] {strides = array<i32>} : memref<4x16x512xf32, #tpu.memory_space<vmem>>, vector<1x1x16xf32>,
        %get3A_365 = vector.shape_cast %get3A_364 : vector<1x1x16xf32> to vector<16xf32>
        %get3A_366 = arith.constant 3 : i32
        %get3A_367 = arith.index_cast %get3A_366 : i32 to index
        %get3A_368 = arith.index_cast %scan3A_297 : i32 to index
        %get3A_369 = arith.constant 64 : index
        %get3A_370 = tpu.vector_load %arg8[%get3A_367, %get3A_368, %get3A_369] {strides = array<i32>} : memref<4x16x512xf32, #tpu.memory_space<vmem>>, vector<1x1x16xf32>,
        %get3A_371 = vector.shape_cast %get3A_370 : vector<1x1x16xf32> to vector<16xf32>
        %sub3A_372 = arith.subf %get3A_365, %get3A_371 : vector<16xf32>
        %mul3A_373 = arith.mulf %sub3A_372, %sub3A_372 : vector<16xf32>
        %add3A_374 = arith.addf %add3A_314, %mul3A_373 : vector<16xf32>
        %get3A_375 = arith.constant 3 : i32
        %get3A_376 = arith.index_cast %get3A_375 : i32 to index
        %get3A_377 = arith.index_cast %scan3A_297 : i32 to index
        %get3A_378 = arith.constant 80 : index
        %get3A_379 = tpu.vector_load %arg7[%get3A_376, %get3A_377, %get3A_378] {strides = array<i32>} : memref<4x16x512xf32, #tpu.memory_space<vmem>>, vector<1x1x16xf32>,
        %get3A_380 = vector.shape_cast %get3A_379 : vector<1x1x16xf32> to vector<16xf32>
        %get3A_381 = arith.constant 3 : i32
        %get3A_382 = arith.index_cast %get3A_381 : i32 to index
        %get3A_383 = arith.index_cast %scan3A_297 : i32 to index
        %get3A_384 = arith.constant 80 : index
        %get3A_385 = tpu.vector_load %arg8[%get3A_382, %get3A_383, %get3A_384] {strides = array<i32>} : memref<4x16x512xf32, #tpu.memory_space<vmem>>, vector<1x1x16xf32>,
        %get3A_386 = vector.shape_cast %get3A_385 : vector<1x1x16xf32> to vector<16xf32>
        %sub3A_387 = arith.subf %get3A_380, %get3A_386 : vector<16xf32>
        %mul3A_388 = arith.mulf %sub3A_387, %sub3A_387 : vector<16xf32>
        %add3A_389 = arith.addf %add3A_329, %mul3A_388 : vector<16xf32>
        %get3A_390 = arith.constant 3 : i32
        %get3A_391 = arith.index_cast %get3A_390 : i32 to index
        %get3A_392 = arith.index_cast %scan3A_297 : i32 to index
        %get3A_393 = arith.constant 96 : index
        %get3A_394 = tpu.vector_load %arg7[%get3A_391, %get3A_392, %get3A_393] {strides = array<i32>} : memref<4x16x512xf32, #tpu.memory_space<vmem>>, vector<1x1x16xf32>,
        %get3A_395 = vector.shape_cast %get3A_394 : vector<1x1x16xf32> to vector<16xf32>
        %get3A_396 = arith.constant 3 : i32
        %get3A_397 = arith.index_cast %get3A_396 : i32 to index
        %get3A_398 = arith.index_cast %scan3A_297 : i32 to index
        %get3A_399 = arith.constant 96 : index
        %get3A_400 = tpu.vector_load %arg8[%get3A_397, %get3A_398, %get3A_399] {strides = array<i32>} : memref<4x16x512xf32, #tpu.memory_space<vmem>>, vector<1x1x16xf32>,
        %get3A_401 = vector.shape_cast %get3A_400 : vector<1x1x16xf32> to vector<16xf32>
        %sub3A_402 = arith.subf %get3A_395, %get3A_401 : vector<16xf32>
        %mul3A_403 = arith.mulf %sub3A_402, %sub3A_402 : vector<16xf32>
        %add3A_404 = arith.addf %add3A_344, %mul3A_403 : vector<16xf32>
        %get3A_405 = arith.constant 3 : i32
        %get3A_406 = arith.index_cast %get3A_405 : i32 to index
        %get3A_407 = arith.index_cast %scan3A_297 : i32 to index
        %get3A_408 = arith.constant 112 : index
        %get3A_409 = tpu.vector_load %arg7[%get3A_406, %get3A_407, %get3A_408] {strides = array<i32>} : memref<4x16x512xf32, #tpu.memory_space<vmem>>, vector<1x1x16xf32>,
        %get3A_410 = vector.shape_cast %get3A_409 : vector<1x1x16xf32> to vector<16xf32>
        %get3A_411 = arith.constant 3 : i32
        %get3A_412 = arith.index_cast %get3A_411 : i32 to index
        %get3A_413 = arith.index_cast %scan3A_297 : i32 to index
        %get3A_414 = arith.constant 112 : index
        %get3A_415 = tpu.vector_load %arg8[%get3A_412, %get3A_413, %get3A_414] {strides = array<i32>} : memref<4x16x512xf32, #tpu.memory_space<vmem>>, vector<1x1x16xf32>,
        %get3A_416 = vector.shape_cast %get3A_415 : vector<1x1x16xf32> to vector<16xf32>
        %sub3A_417 = arith.subf %get3A_410, %get3A_416 : vector<16xf32>
        %mul3A_418 = arith.mulf %sub3A_417, %sub3A_417 : vector<16xf32>
        %add3A_419 = arith.addf %add3A_359, %mul3A_418 : vector<16xf32>
        %get3A_420 = arith.constant 3 : i32
        %get3A_421 = arith.index_cast %get3A_420 : i32 to index
        %get3A_422 = arith.index_cast %scan3A_297 : i32 to index
        %get3A_423 = arith.constant 128 : index
        %get3A_424 = tpu.vector_load %arg7[%get3A_421, %get3A_422, %get3A_423] {strides = array<i32>} : memref<4x16x512xf32, #tpu.memory_space<vmem>>, vector<1x1x16xf32>,
        %get3A_425 = vector.shape_cast %get3A_424 : vector<1x1x16xf32> to vector<16xf32>
        %get3A_426 = arith.constant 3 : i32
        %get3A_427 = arith.index_cast %get3A_426 : i32 to index
        %get3A_428 = arith.index_cast %scan3A_297 : i32 to index
        %get3A_429 = arith.constant 128 : index
        %get3A_430 = tpu.vector_load %arg8[%get3A_427, %get3A_428, %get3A_429] {strides = array<i32>} : memref<4x16x512xf32, #tpu.memory_space<vmem>>, vector<1x1x16xf32>,
        %get3A_431 = vector.shape_cast %get3A_430 : vector<1x1x16xf32> to vector<16xf32>
        %sub3A_432 = arith.subf %get3A_425, %get3A_431 : vector<16xf32>
        %mul3A_433 = arith.mulf %sub3A_432, %sub3A_432 : vector<16xf32>
        %add3A_434 = arith.addf %add3A_374, %mul3A_433 : vector<16xf32>
        %get3A_435 = arith.constant 3 : i32
        %get3A_436 = arith.index_cast %get3A_435 : i32 to index
        %get3A_437 = arith.index_cast %scan3A_297 : i32 to index
        %get3A_438 = arith.constant 144 : index
        %get3A_439 = tpu.vector_load %arg7[%get3A_436, %get3A_437, %get3A_438] {strides = array<i32>} : memref<4x16x512xf32, #tpu.memory_space<vmem>>, vector<1x1x16xf32>,
        %get3A_440 = vector.shape_cast %get3A_439 : vector<1x1x16xf32> to vector<16xf32>
        %get3A_441 = arith.constant 3 : i32
        %get3A_442 = arith.index_cast %get3A_441 : i32 to index
        %get3A_443 = arith.index_cast %scan3A_297 : i32 to index
        %get3A_444 = arith.constant 144 : index
        %get3A_445 = tpu.vector_load %arg8[%get3A_442, %get3A_443, %get3A_444] {strides = array<i32>} : memref<4x16x512xf32, #tpu.memory_space<vmem>>, vector<1x1x16xf32>,
        %get3A_446 = vector.shape_cast %get3A_445 : vector<1x1x16xf32> to vector<16xf32>
        %sub3A_447 = arith.subf %get3A_440, %get3A_446 : vector<16xf32>
        %mul3A_448 = arith.mulf %sub3A_447, %sub3A_447 : vector<16xf32>
        %add3A_449 = arith.addf %add3A_389, %mul3A_448 : vector<16xf32>
        %get3A_450 = arith.constant 3 : i32
        %get3A_451 = arith.index_cast %get3A_450 : i32 to index
        %get3A_452 = arith.index_cast %scan3A_297 : i32 to index
        %get3A_453 = arith.constant 160 : index
        %get3A_454 = tpu.vector_load %arg7[%get3A_451, %get3A_452, %get3A_453] {strides = array<i32>} : memref<4x16x512xf32, #tpu.memory_space<vmem>>, vector<1x1x16xf32>,
        %get3A_455 = vector.shape_cast %get3A_454 : vector<1x1x16xf32> to vector<16xf32>
        %get3A_456 = arith.constant 3 : i32
        %get3A_457 = arith.index_cast %get3A_456 : i32 to index
        %get3A_458 = arith.index_cast %scan3A_297 : i32 to index
        %get3A_459 = arith.constant 160 : index
        %get3A_460 = tpu.vector_load %arg8[%get3A_457, %get3A_458, %get3A_459] {strides = array<i32>} : memref<4x16x512xf32, #tpu.memory_space<vmem>>, vector<1x1x16xf32>,
        %get3A_461 = vector.shape_cast %get3A_460 : vector<1x1x16xf32> to vector<16xf32>
        %sub3A_462 = arith.subf %get3A_455, %get3A_461 : vector<16xf32>
        %mul3A_463 = arith.mulf %sub3A_462, %sub3A_462 : vector<16xf32>
        %add3A_464 = arith.addf %add3A_404, %mul3A_463 : vector<16xf32>
        %get3A_465 = arith.constant 3 : i32
        %get3A_466 = arith.index_cast %get3A_465 : i32 to index
        %get3A_467 = arith.index_cast %scan3A_297 : i32 to index
        %get3A_468 = arith.constant 176 : index
        %get3A_469 = tpu.vector_load %arg7[%get3A_466, %get3A_467, %get3A_468] {strides = array<i32>} : memref<4x16x512xf32, #tpu.memory_space<vmem>>, vector<1x1x16xf32>,
        %get3A_470 = vector.shape_cast %get3A_469 : vector<1x1x16xf32> to vector<16xf32>
        %get3A_471 = arith.constant 3 : i32
        %get3A_472 = arith.index_cast %get3A_471 : i32 to index
        %get3A_473 = arith.index_cast %scan3A_297 : i32 to index
        %get3A_474 = arith.constant 176 : index
        %get3A_475 = tpu.vector_load %arg8[%get3A_472, %get3A_473, %get3A_474] {strides = array<i32>} : memref<4x16x512xf32, #tpu.memory_space<vmem>>, vector<1x1x16xf32>,
        %get3A_476 = vector.shape_cast %get3A_475 : vector<1x1x16xf32> to vector<16xf32>
        %sub3A_477 = arith.subf %get3A_470, %get3A_476 : vector<16xf32>
        %mul3A_478 = arith.mulf %sub3A_477, %sub3A_477 : vector<16xf32>
        %add3A_479 = arith.addf %add3A_419, %mul3A_478 : vector<16xf32>
        %get3A_480 = arith.constant 3 : i32
        %get3A_481 = arith.index_cast %get3A_480 : i32 to index
        %get3A_482 = arith.index_cast %scan3A_297 : i32 to index
        %get3A_483 = arith.constant 192 : index
        %get3A_484 = tpu.vector_load %arg7[%get3A_481, %get3A_482, %get3A_483] {strides = array<i32>} : memref<4x16x512xf32, #tpu.memory_space<vmem>>, vector<1x1x16xf32>,
        %get3A_485 = vector.shape_cast %get3A_484 : vector<1x1x16xf32> to vector<16xf32>
        %get3A_486 = arith.constant 3 : i32
        %get3A_487 = arith.index_cast %get3A_486 : i32 to index
        %get3A_488 = arith.index_cast %scan3A_297 : i32 to index
        %get3A_489 = arith.constant 192 : index
        %get3A_490 = tpu.vector_load %arg8[%get3A_487, %get3A_488, %get3A_489] {strides = array<i32>} : memref<4x16x512xf32, #tpu.memory_space<vmem>>, vector<1x1x16xf32>,
        %get3A_491 = vector.shape_cast %get3A_490 : vector<1x1x16xf32> to vector<16xf32>
        %sub3A_492 = arith.subf %get3A_485, %get3A_491 : vector<16xf32>
        %mul3A_493 = arith.mulf %sub3A_492, %sub3A_492 : vector<16xf32>
        %add3A_494 = arith.addf %add3A_434, %mul3A_493 : vector<16xf32>
        %get3A_495 = arith.constant 3 : i32
        %get3A_496 = arith.index_cast %get3A_495 : i32 to index
        %get3A_497 = arith.index_cast %scan3A_297 : i32 to index
        %get3A_498 = arith.constant 208 : index
        %get3A_499 = tpu.vector_load %arg7[%get3A_496, %get3A_497, %get3A_498] {strides = array<i32>} : memref<4x16x512xf32, #tpu.memory_space<vmem>>, vector<1x1x16xf32>,
        %get3A_500 = vector.shape_cast %get3A_499 : vector<1x1x16xf32> to vector<16xf32>
        %get3A_501 = arith.constant 3 : i32
        %get3A_502 = arith.index_cast %get3A_501 : i32 to index
        %get3A_503 = arith.index_cast %scan3A_297 : i32 to index
        %get3A_504 = arith.constant 208 : index
        %get3A_505 = tpu.vector_load %arg8[%get3A_502, %get3A_503, %get3A_504] {strides = array<i32>} : memref<4x16x512xf32, #tpu.memory_space<vmem>>, vector<1x1x16xf32>,
        %get3A_506 = vector.shape_cast %get3A_505 : vector<1x1x16xf32> to vector<16xf32>
        %sub3A_507 = arith.subf %get3A_500, %get3A_506 : vector<16xf32>
        %mul3A_508 = arith.mulf %sub3A_507, %sub3A_507 : vector<16xf32>
        %add3A_509 = arith.addf %add3A_449, %mul3A_508 : vector<16xf32>
        %get3A_510 = arith.constant 3 : i32
        %get3A_511 = arith.index_cast %get3A_510 : i32 to index
        %get3A_512 = arith.index_cast %scan3A_297 : i32 to index
        %get3A_513 = arith.constant 224 : index
        %get3A_514 = tpu.vector_load %arg7[%get3A_511, %get3A_512, %get3A_513] {strides = array<i32>} : memref<4x16x512xf32, #tpu.memory_space<vmem>>, vector<1x1x16xf32>,
        %get3A_515 = vector.shape_cast %get3A_514 : vector<1x1x16xf32> to vector<16xf32>
        %get3A_516 = arith.constant 3 : i32
        %get3A_517 = arith.index_cast %get3A_516 : i32 to index
        %get3A_518 = arith.index_cast %scan3A_297 : i32 to index
        %get3A_519 = arith.constant 224 : index
        %get3A_520 = tpu.vector_load %arg8[%get3A_517, %get3A_518, %get3A_519] {strides = array<i32>} : memref<4x16x512xf32, #tpu.memory_space<vmem>>, vector<1x1x16xf32>,
        %get3A_521 = vector.shape_cast %get3A_520 : vector<1x1x16xf32> to vector<16xf32>
        %sub3A_522 = arith.subf %get3A_515, %get3A_521 : vector<16xf32>
        %mul3A_523 = arith.mulf %sub3A_522, %sub3A_522 : vector<16xf32>
        %add3A_524 = arith.addf %add3A_464, %mul3A_523 : vector<16xf32>
        %get3A_525 = arith.constant 3 : i32
        %get3A_526 = arith.index_cast %get3A_525 : i32 to index
        %get3A_527 = arith.index_cast %scan3A_297 : i32 to index
        %get3A_528 = arith.constant 240 : index
        %get3A_529 = tpu.vector_load %arg7[%get3A_526, %get3A_527, %get3A_528] {strides = array<i32>} : memref<4x16x512xf32, #tpu.memory_space<vmem>>, vector<1x1x16xf32>,
        %get3A_530 = vector.shape_cast %get3A_529 : vector<1x1x16xf32> to vector<16xf32>
        %get3A_531 = arith.constant 3 : i32
        %get3A_532 = arith.index_cast %get3A_531 : i32 to index
        %get3A_533 = arith.index_cast %scan3A_297 : i32 to index
        %get3A_534 = arith.constant 240 : index
        %get3A_535 = tpu.vector_load %arg8[%get3A_532, %get3A_533, %get3A_534] {strides = array<i32>} : memref<4x16x512xf32, #tpu.memory_space<vmem>>, vector<1x1x16xf32>,
        %get3A_536 = vector.shape_cast %get3A_535 : vector<1x1x16xf32> to vector<16xf32>
        %sub3A_537 = arith.subf %get3A_530, %get3A_536 : vector<16xf32>
        %mul3A_538 = arith.mulf %sub3A_537, %sub3A_537 : vector<16xf32>
        %add3A_539 = arith.addf %add3A_479, %mul3A_538 : vector<16xf32>
        %get3A_540 = arith.constant 3 : i32
        %get3A_541 = arith.index_cast %get3A_540 : i32 to index
        %get3A_542 = arith.index_cast %scan3A_297 : i32 to index
        %get3A_543 = arith.constant 256 : index
        %get3A_544 = tpu.vector_load %arg7[%get3A_541, %get3A_542, %get3A_543] {strides = array<i32>} : memref<4x16x512xf32, #tpu.memory_space<vmem>>, vector<1x1x16xf32>,
        %get3A_545 = vector.shape_cast %get3A_544 : vector<1x1x16xf32> to vector<16xf32>
        %get3A_546 = arith.constant 3 : i32
        %get3A_547 = arith.index_cast %get3A_546 : i32 to index
        %get3A_548 = arith.index_cast %scan3A_297 : i32 to index
        %get3A_549 = arith.constant 256 : index
        %get3A_550 = tpu.vector_load %arg8[%get3A_547, %get3A_548, %get3A_549] {strides = array<i32>} : memref<4x16x512xf32, #tpu.memory_space<vmem>>, vector<1x1x16xf32>,
        %get3A_551 = vector.shape_cast %get3A_550 : vector<1x1x16xf32> to vector<16xf32>
        %sub3A_552 = arith.subf %get3A_545, %get3A_551 : vector<16xf32>
        %mul3A_553 = arith.mulf %sub3A_552, %sub3A_552 : vector<16xf32>
        %add3A_554 = arith.addf %add3A_494, %mul3A_553 : vector<16xf32>
        %get3A_555 = arith.constant 3 : i32
        %get3A_556 = arith.index_cast %get3A_555 : i32 to index
        %get3A_557 = arith.index_cast %scan3A_297 : i32 to index
        %get3A_558 = arith.constant 272 : index
        %get3A_559 = tpu.vector_load %arg7[%get3A_556, %get3A_557, %get3A_558] {strides = array<i32>} : memref<4x16x512xf32, #tpu.memory_space<vmem>>, vector<1x1x16xf32>,
        %get3A_560 = vector.shape_cast %get3A_559 : vector<1x1x16xf32> to vector<16xf32>
        %get3A_561 = arith.constant 3 : i32
        %get3A_562 = arith.index_cast %get3A_561 : i32 to index
        %get3A_563 = arith.index_cast %scan3A_297 : i32 to index
        %get3A_564 = arith.constant 272 : index
        %get3A_565 = tpu.vector_load %arg8[%get3A_562, %get3A_563, %get3A_564] {strides = array<i32>} : memref<4x16x512xf32, #tpu.memory_space<vmem>>, vector<1x1x16xf32>,
        %get3A_566 = vector.shape_cast %get3A_565 : vector<1x1x16xf32> to vector<16xf32>
        %sub3A_567 = arith.subf %get3A_560, %get3A_566 : vector<16xf32>
        %mul3A_568 = arith.mulf %sub3A_567, %sub3A_567 : vector<16xf32>
        %add3A_569 = arith.addf %add3A_509, %mul3A_568 : vector<16xf32>
        %get3A_570 = arith.constant 3 : i32
        %get3A_571 = arith.index_cast %get3A_570 : i32 to index
        %get3A_572 = arith.index_cast %scan3A_297 : i32 to index
        %get3A_573 = arith.constant 288 : index
        %get3A_574 = tpu.vector_load %arg7[%get3A_571, %get3A_572, %get3A_573] {strides = array<i32>} : memref<4x16x512xf32, #tpu.memory_space<vmem>>, vector<1x1x16xf32>,
        %get3A_575 = vector.shape_cast %get3A_574 : vector<1x1x16xf32> to vector<16xf32>
        %get3A_576 = arith.constant 3 : i32
        %get3A_577 = arith.index_cast %get3A_576 : i32 to index
        %get3A_578 = arith.index_cast %scan3A_297 : i32 to index
        %get3A_579 = arith.constant 288 : index
        %get3A_580 = tpu.vector_load %arg8[%get3A_577, %get3A_578, %get3A_579] {strides = array<i32>} : memref<4x16x512xf32, #tpu.memory_space<vmem>>, vector<1x1x16xf32>,
        %get3A_581 = vector.shape_cast %get3A_580 : vector<1x1x16xf32> to vector<16xf32>
        %sub3A_582 = arith.subf %get3A_575, %get3A_581 : vector<16xf32>
        %mul3A_583 = arith.mulf %sub3A_582, %sub3A_582 : vector<16xf32>
        %add3A_584 = arith.addf %add3A_524, %mul3A_583 : vector<16xf32>
        %get3A_585 = arith.constant 3 : i32
        %get3A_586 = arith.index_cast %get3A_585 : i32 to index
        %get3A_587 = arith.index_cast %scan3A_297 : i32 to index
        %get3A_588 = arith.constant 304 : index
        %get3A_589 = tpu.vector_load %arg7[%get3A_586, %get3A_587, %get3A_588] {strides = array<i32>} : memref<4x16x512xf32, #tpu.memory_space<vmem>>, vector<1x1x16xf32>,
        %get3A_590 = vector.shape_cast %get3A_589 : vector<1x1x16xf32> to vector<16xf32>
        %get3A_591 = arith.constant 3 : i32
        %get3A_592 = arith.index_cast %get3A_591 : i32 to index
        %get3A_593 = arith.index_cast %scan3A_297 : i32 to index
        %get3A_594 = arith.constant 304 : index
        %get3A_595 = tpu.vector_load %arg8[%get3A_592, %get3A_593, %get3A_594] {strides = array<i32>} : memref<4x16x512xf32, #tpu.memory_space<vmem>>, vector<1x1x16xf32>,
        %get3A_596 = vector.shape_cast %get3A_595 : vector<1x1x16xf32> to vector<16xf32>
        %sub3A_597 = arith.subf %get3A_590, %get3A_596 : vector<16xf32>
        %mul3A_598 = arith.mulf %sub3A_597, %sub3A_597 : vector<16xf32>
        %add3A_599 = arith.addf %add3A_539, %mul3A_598 : vector<16xf32>
        %get3A_600 = arith.constant 3 : i32
        %get3A_601 = arith.index_cast %get3A_600 : i32 to index
        %get3A_602 = arith.index_cast %scan3A_297 : i32 to index
        %get3A_603 = arith.constant 320 : index
        %get3A_604 = tpu.vector_load %arg7[%get3A_601, %get3A_602, %get3A_603] {strides = array<i32>} : memref<4x16x512xf32, #tpu.memory_space<vmem>>, vector<1x1x16xf32>,
        %get3A_605 = vector.shape_cast %get3A_604 : vector<1x1x16xf32> to vector<16xf32>
        %get3A_606 = arith.constant 3 : i32
        %get3A_607 = arith.index_cast %get3A_606 : i32 to index
        %get3A_608 = arith.index_cast %scan3A_297 : i32 to index
        %get3A_609 = arith.constant 320 : index
        %get3A_610 = tpu.vector_load %arg8[%get3A_607, %get3A_608, %get3A_609] {strides = array<i32>} : memref<4x16x512xf32, #tpu.memory_space<vmem>>, vector<1x1x16xf32>,
        %get3A_611 = vector.shape_cast %get3A_610 : vector<1x1x16xf32> to vector<16xf32>
        %sub3A_612 = arith.subf %get3A_605, %get3A_611 : vector<16xf32>
        %mul3A_613 = arith.mulf %sub3A_612, %sub3A_612 : vector<16xf32>
        %add3A_614 = arith.addf %add3A_554, %mul3A_613 : vector<16xf32>
        %get3A_615 = arith.constant 3 : i32
        %get3A_616 = arith.index_cast %get3A_615 : i32 to index
        %get3A_617 = arith.index_cast %scan3A_297 : i32 to index
        %get3A_618 = arith.constant 336 : index
        %get3A_619 = tpu.vector_load %arg7[%get3A_616, %get3A_617, %get3A_618] {strides = array<i32>} : memref<4x16x512xf32, #tpu.memory_space<vmem>>, vector<1x1x16xf32>,
        %get3A_620 = vector.shape_cast %get3A_619 : vector<1x1x16xf32> to vector<16xf32>
        %get3A_621 = arith.constant 3 : i32
        %get3A_622 = arith.index_cast %get3A_621 : i32 to index
        %get3A_623 = arith.index_cast %scan3A_297 : i32 to index
        %get3A_624 = arith.constant 336 : index
        %get3A_625 = tpu.vector_load %arg8[%get3A_622, %get3A_623, %get3A_624] {strides = array<i32>} : memref<4x16x512xf32, #tpu.memory_space<vmem>>, vector<1x1x16xf32>,
        %get3A_626 = vector.shape_cast %get3A_625 : vector<1x1x16xf32> to vector<16xf32>
        %sub3A_627 = arith.subf %get3A_620, %get3A_626 : vector<16xf32>
        %mul3A_628 = arith.mulf %sub3A_627, %sub3A_627 : vector<16xf32>
        %add3A_629 = arith.addf %add3A_569, %mul3A_628 : vector<16xf32>
        %get3A_630 = arith.constant 3 : i32
        %get3A_631 = arith.index_cast %get3A_630 : i32 to index
        %get3A_632 = arith.index_cast %scan3A_297 : i32 to index
        %get3A_633 = arith.constant 352 : index
        %get3A_634 = tpu.vector_load %arg7[%get3A_631, %get3A_632, %get3A_633] {strides = array<i32>} : memref<4x16x512xf32, #tpu.memory_space<vmem>>, vector<1x1x16xf32>,
        %get3A_635 = vector.shape_cast %get3A_634 : vector<1x1x16xf32> to vector<16xf32>
        %get3A_636 = arith.constant 3 : i32
        %get3A_637 = arith.index_cast %get3A_636 : i32 to index
        %get3A_638 = arith.index_cast %scan3A_297 : i32 to index
        %get3A_639 = arith.constant 352 : index
        %get3A_640 = tpu.vector_load %arg8[%get3A_637, %get3A_638, %get3A_639] {strides = array<i32>} : memref<4x16x512xf32, #tpu.memory_space<vmem>>, vector<1x1x16xf32>,
        %get3A_641 = vector.shape_cast %get3A_640 : vector<1x1x16xf32> to vector<16xf32>
        %sub3A_642 = arith.subf %get3A_635, %get3A_641 : vector<16xf32>
        %mul3A_643 = arith.mulf %sub3A_642, %sub3A_642 : vector<16xf32>
        %add3A_644 = arith.addf %add3A_584, %mul3A_643 : vector<16xf32>
        %get3A_645 = arith.constant 3 : i32
        %get3A_646 = arith.index_cast %get3A_645 : i32 to index
        %get3A_647 = arith.index_cast %scan3A_297 : i32 to index
        %get3A_648 = arith.constant 368 : index
        %get3A_649 = tpu.vector_load %arg7[%get3A_646, %get3A_647, %get3A_648] {strides = array<i32>} : memref<4x16x512xf32, #tpu.memory_space<vmem>>, vector<1x1x16xf32>,
        %get3A_650 = vector.shape_cast %get3A_649 : vector<1x1x16xf32> to vector<16xf32>
        %get3A_651 = arith.constant 3 : i32
        %get3A_652 = arith.index_cast %get3A_651 : i32 to index
        %get3A_653 = arith.index_cast %scan3A_297 : i32 to index
        %get3A_654 = arith.constant 368 : index
        %get3A_655 = tpu.vector_load %arg8[%get3A_652, %get3A_653, %get3A_654] {strides = array<i32>} : memref<4x16x512xf32, #tpu.memory_space<vmem>>, vector<1x1x16xf32>,
        %get3A_656 = vector.shape_cast %get3A_655 : vector<1x1x16xf32> to vector<16xf32>
        %sub3A_657 = arith.subf %get3A_650, %get3A_656 : vector<16xf32>
        %mul3A_658 = arith.mulf %sub3A_657, %sub3A_657 : vector<16xf32>
        %add3A_659 = arith.addf %add3A_599, %mul3A_658 : vector<16xf32>
        %get3A_660 = arith.constant 3 : i32
        %get3A_661 = arith.index_cast %get3A_660 : i32 to index
        %get3A_662 = arith.index_cast %scan3A_297 : i32 to index
        %get3A_663 = arith.constant 384 : index
        %get3A_664 = tpu.vector_load %arg7[%get3A_661, %get3A_662, %get3A_663] {strides = array<i32>} : memref<4x16x512xf32, #tpu.memory_space<vmem>>, vector<1x1x16xf32>,
        %get3A_665 = vector.shape_cast %get3A_664 : vector<1x1x16xf32> to vector<16xf32>
        %get3A_666 = arith.constant 3 : i32
        %get3A_667 = arith.index_cast %get3A_666 : i32 to index
        %get3A_668 = arith.index_cast %scan3A_297 : i32 to index
        %get3A_669 = arith.constant 384 : index
        %get3A_670 = tpu.vector_load %arg8[%get3A_667, %get3A_668, %get3A_669] {strides = array<i32>} : memref<4x16x512xf32, #tpu.memory_space<vmem>>, vector<1x1x16xf32>,
        %get3A_671 = vector.shape_cast %get3A_670 : vector<1x1x16xf32> to vector<16xf32>
        %sub3A_672 = arith.subf %get3A_665, %get3A_671 : vector<16xf32>
        %mul3A_673 = arith.mulf %sub3A_672, %sub3A_672 : vector<16xf32>
        %add3A_674 = arith.addf %add3A_614, %mul3A_673 : vector<16xf32>
        %get3A_675 = arith.constant 3 : i32
        %get3A_676 = arith.index_cast %get3A_675 : i32 to index
        %get3A_677 = arith.index_cast %scan3A_297 : i32 to index
        %get3A_678 = arith.constant 400 : index
        %get3A_679 = tpu.vector_load %arg7[%get3A_676, %get3A_677, %get3A_678] {strides = array<i32>} : memref<4x16x512xf32, #tpu.memory_space<vmem>>, vector<1x1x16xf32>,
        %get3A_680 = vector.shape_cast %get3A_679 : vector<1x1x16xf32> to vector<16xf32>
        %get3A_681 = arith.constant 3 : i32
        %get3A_682 = arith.index_cast %get3A_681 : i32 to index
        %get3A_683 = arith.index_cast %scan3A_297 : i32 to index
        %get3A_684 = arith.constant 400 : index
        %get3A_685 = tpu.vector_load %arg8[%get3A_682, %get3A_683, %get3A_684] {strides = array<i32>} : memref<4x16x512xf32, #tpu.memory_space<vmem>>, vector<1x1x16xf32>,
        %get3A_686 = vector.shape_cast %get3A_685 : vector<1x1x16xf32> to vector<16xf32>
        %sub3A_687 = arith.subf %get3A_680, %get3A_686 : vector<16xf32>
        %mul3A_688 = arith.mulf %sub3A_687, %sub3A_687 : vector<16xf32>
        %add3A_689 = arith.addf %add3A_629, %mul3A_688 : vector<16xf32>
        %get3A_690 = arith.constant 3 : i32
        %get3A_691 = arith.index_cast %get3A_690 : i32 to index
        %get3A_692 = arith.index_cast %scan3A_297 : i32 to index
        %get3A_693 = arith.constant 416 : index
        %get3A_694 = tpu.vector_load %arg7[%get3A_691, %get3A_692, %get3A_693] {strides = array<i32>} : memref<4x16x512xf32, #tpu.memory_space<vmem>>, vector<1x1x16xf32>,
        %get3A_695 = vector.shape_cast %get3A_694 : vector<1x1x16xf32> to vector<16xf32>
        %get3A_696 = arith.constant 3 : i32
        %get3A_697 = arith.index_cast %get3A_696 : i32 to index
        %get3A_698 = arith.index_cast %scan3A_297 : i32 to index
        %get3A_699 = arith.constant 416 : index
        %get3A_700 = tpu.vector_load %arg8[%get3A_697, %get3A_698, %get3A_699] {strides = array<i32>} : memref<4x16x512xf32, #tpu.memory_space<vmem>>, vector<1x1x16xf32>,
        %get3A_701 = vector.shape_cast %get3A_700 : vector<1x1x16xf32> to vector<16xf32>
        %sub3A_702 = arith.subf %get3A_695, %get3A_701 : vector<16xf32>
        %mul3A_703 = arith.mulf %sub3A_702, %sub3A_702 : vector<16xf32>
        %add3A_704 = arith.addf %add3A_644, %mul3A_703 : vector<16xf32>
        %get3A_705 = arith.constant 3 : i32
        %get3A_706 = arith.index_cast %get3A_705 : i32 to index
        %get3A_707 = arith.index_cast %scan3A_297 : i32 to index
        %get3A_708 = arith.constant 432 : index
        %get3A_709 = tpu.vector_load %arg7[%get3A_706, %get3A_707, %get3A_708] {strides = array<i32>} : memref<4x16x512xf32, #tpu.memory_space<vmem>>, vector<1x1x16xf32>,
        %get3A_710 = vector.shape_cast %get3A_709 : vector<1x1x16xf32> to vector<16xf32>
        %get3A_711 = arith.constant 3 : i32
        %get3A_712 = arith.index_cast %get3A_711 : i32 to index
        %get3A_713 = arith.index_cast %scan3A_297 : i32 to index
        %get3A_714 = arith.constant 432 : index
        %get3A_715 = tpu.vector_load %arg8[%get3A_712, %get3A_713, %get3A_714] {strides = array<i32>} : memref<4x16x512xf32, #tpu.memory_space<vmem>>, vector<1x1x16xf32>,
        %get3A_716 = vector.shape_cast %get3A_715 : vector<1x1x16xf32> to vector<16xf32>
        %sub3A_717 = arith.subf %get3A_710, %get3A_716 : vector<16xf32>
        %mul3A_718 = arith.mulf %sub3A_717, %sub3A_717 : vector<16xf32>
        %add3A_719 = arith.addf %add3A_659, %mul3A_718 : vector<16xf32>
        %get3A_720 = arith.constant 3 : i32
        %get3A_721 = arith.index_cast %get3A_720 : i32 to index
        %get3A_722 = arith.index_cast %scan3A_297 : i32 to index
        %get3A_723 = arith.constant 448 : index
        %get3A_724 = tpu.vector_load %arg7[%get3A_721, %get3A_722, %get3A_723] {strides = array<i32>} : memref<4x16x512xf32, #tpu.memory_space<vmem>>, vector<1x1x16xf32>,
        %get3A_725 = vector.shape_cast %get3A_724 : vector<1x1x16xf32> to vector<16xf32>
        %get3A_726 = arith.constant 3 : i32
        %get3A_727 = arith.index_cast %get3A_726 : i32 to index
        %get3A_728 = arith.index_cast %scan3A_297 : i32 to index
        %get3A_729 = arith.constant 448 : index
        %get3A_730 = tpu.vector_load %arg8[%get3A_727, %get3A_728, %get3A_729] {strides = array<i32>} : memref<4x16x512xf32, #tpu.memory_space<vmem>>, vector<1x1x16xf32>,
        %get3A_731 = vector.shape_cast %get3A_730 : vector<1x1x16xf32> to vector<16xf32>
        %sub3A_732 = arith.subf %get3A_725, %get3A_731 : vector<16xf32>
        %mul3A_733 = arith.mulf %sub3A_732, %sub3A_732 : vector<16xf32>
        %add3A_734 = arith.addf %add3A_674, %mul3A_733 : vector<16xf32>
        %get3A_735 = arith.constant 3 : i32
        %get3A_736 = arith.index_cast %get3A_735 : i32 to index
        %get3A_737 = arith.index_cast %scan3A_297 : i32 to index
        %get3A_738 = arith.constant 464 : index
        %get3A_739 = tpu.vector_load %arg7[%get3A_736, %get3A_737, %get3A_738] {strides = array<i32>} : memref<4x16x512xf32, #tpu.memory_space<vmem>>, vector<1x1x16xf32>,
        %get3A_740 = vector.shape_cast %get3A_739 : vector<1x1x16xf32> to vector<16xf32>
        %get3A_741 = arith.constant 3 : i32
        %get3A_742 = arith.index_cast %get3A_741 : i32 to index
        %get3A_743 = arith.index_cast %scan3A_297 : i32 to index
        %get3A_744 = arith.constant 464 : index
        %get3A_745 = tpu.vector_load %arg8[%get3A_742, %get3A_743, %get3A_744] {strides = array<i32>} : memref<4x16x512xf32, #tpu.memory_space<vmem>>, vector<1x1x16xf32>,
        %get3A_746 = vector.shape_cast %get3A_745 : vector<1x1x16xf32> to vector<16xf32>
        %sub3A_747 = arith.subf %get3A_740, %get3A_746 : vector<16xf32>
        %mul3A_748 = arith.mulf %sub3A_747, %sub3A_747 : vector<16xf32>
        %add3A_749 = arith.addf %add3A_689, %mul3A_748 : vector<16xf32>
        %get3A_750 = arith.constant 3 : i32
        %get3A_751 = arith.index_cast %get3A_750 : i32 to index
        %get3A_752 = arith.index_cast %scan3A_297 : i32 to index
        %get3A_753 = arith.constant 480 : index
        %get3A_754 = tpu.vector_load %arg7[%get3A_751, %get3A_752, %get3A_753] {strides = array<i32>} : memref<4x16x512xf32, #tpu.memory_space<vmem>>, vector<1x1x16xf32>,
        %get3A_755 = vector.shape_cast %get3A_754 : vector<1x1x16xf32> to vector<16xf32>
        %get3A_756 = arith.constant 3 : i32
        %get3A_757 = arith.index_cast %get3A_756 : i32 to index
        %get3A_758 = arith.index_cast %scan3A_297 : i32 to index
        %get3A_759 = arith.constant 480 : index
        %get3A_760 = tpu.vector_load %arg8[%get3A_757, %get3A_758, %get3A_759] {strides = array<i32>} : memref<4x16x512xf32, #tpu.memory_space<vmem>>, vector<1x1x16xf32>,
        %get3A_761 = vector.shape_cast %get3A_760 : vector<1x1x16xf32> to vector<16xf32>
        %sub3A_762 = arith.subf %get3A_755, %get3A_761 : vector<16xf32>
        %mul3A_763 = arith.mulf %sub3A_762, %sub3A_762 : vector<16xf32>
        %add3A_764 = arith.addf %add3A_704, %mul3A_763 : vector<16xf32>
        %get3A_765 = arith.constant 3 : i32
        %get3A_766 = arith.index_cast %get3A_765 : i32 to index
        %get3A_767 = arith.index_cast %scan3A_297 : i32 to index
        %get3A_768 = arith.constant 496 : index
        %get3A_769 = tpu.vector_load %arg7[%get3A_766, %get3A_767, %get3A_768] {strides = array<i32>} : memref<4x16x512xf32, #tpu.memory_space<vmem>>, vector<1x1x16xf32>,
        %get3A_770 = vector.shape_cast %get3A_769 : vector<1x1x16xf32> to vector<16xf32>
        %get3A_771 = arith.constant 3 : i32
        %get3A_772 = arith.index_cast %get3A_771 : i32 to index
        %get3A_773 = arith.index_cast %scan3A_297 : i32 to index
        %get3A_774 = arith.constant 496 : index
        %get3A_775 = tpu.vector_load %arg8[%get3A_772, %get3A_773, %get3A_774] {strides = array<i32>} : memref<4x16x512xf32, #tpu.memory_space<vmem>>, vector<1x1x16xf32>,
        %get3A_776 = vector.shape_cast %get3A_775 : vector<1x1x16xf32> to vector<16xf32>
        %sub3A_777 = arith.subf %get3A_770, %get3A_776 : vector<16xf32>
        %mul3A_778 = arith.mulf %sub3A_777, %sub3A_777 : vector<16xf32>
        %add3A_779 = arith.addf %add3A_719, %mul3A_778 : vector<16xf32>
        scf.yield %add3A_734, %add3A_749, %add3A_764, %add3A_779 : vector<16xf32>, vector<16xf32>, vector<16xf32>, vector<16xf32>
      }
      %scan3A_289 = arith.constant 16 : i32
      %add3A_290 = arith.constant 4 : i32
      %add3A_291 = arith.addi %add3A_256, %add3A_290 : i32
      %lt3A_292 = arith.constant 8 : i32
      %lt3A_293 = arith.cmpi slt, %add3A_291, %lt3A_292 : i32
      %convert_element_type3A_294 = arith.extui %lt3A_293 : i1 to i32
      %cond3A_295 = arith.constant 0 : i32
      %cond3A_296 = arith.cmpi ne, %convert_element_type3A_294, %cond3A_295 : i32
      scf.if %cond3A_296 {
        %add3A_297 = arith.constant 4 : i32
        %add3A_298 = arith.addi %add3A_256, %add3A_297 : i32
        %mul3A_299 = arith.constant 16 : i32
        %mul3A_300 = arith.muli %add3A_298, %mul3A_299 : i32
        %add3A_301 = arith.addi %mul3A_2, %mul3A_300 : i32
        %mul3A_302 = arith.constant 16 : i32
        %mul3A_303 = arith.muli %add3A_298, %mul3A_302 : i32
        %dma_start3A_304 = arith.constant 3 : i32
        %dma_start3A_305 = arith.constant 0 : i32
        %dma_start3A_306 = arith.constant 0 : i32
        %dma_start3A_307 = tpu.memref_slice %arg8[%dma_start3A_304, %dma_start3A_305, %dma_start3A_306] : memref<4x16x512xf32, #tpu.memory_space<vmem>> -> memref<1x16x512xf32, #tpu.memory_space<vmem>>
        %dma_start3A_308 = tpu.memref_squeeze %dma_start3A_307 : memref<1x16x512xf32, #tpu.memory_space<vmem>> -> memref<16x512xf32, #tpu.memory_space<vmem>>
        %dma_start3A_309 = tpu.memref_slice %arg6[%mul3A_303] : memref<128xi32, #tpu.memory_space<vmem>> -> memref<16xi32, #tpu.memory_space<vmem>>
        %dma_start3A_310 = arith.constant 0 : i32
        %dma_start3A_311 = arith.constant 0 : i32
        %dma_start3A_312 = tpu.memref_slice %arg4[%dma_start3A_310, %dma_start3A_311] : memref<1000x512xf32, #tpu.memory_space<hbm>> -> memref<1000x512xf32, #tpu.memory_space<hbm>>
        tpu.enqueue_indirect_dma source(%dma_start3A_312 : memref<1000x512xf32, #tpu.memory_space<hbm>>) target(%dma_start3A_308 : memref<16x512xf32, #tpu.memory_space<vmem>>) offsets(%dma_start3A_309 : memref<16xi32, #tpu.memory_space<vmem>>) semaphore(%arg17 : memref<!tpu.dma_semaphore, #tpu.memory_space<semaphore_mem>>)
        %dma_start3A_313 = arith.constant 3 : i32
        %dma_start3A_314 = arith.constant 0 : i32
        %dma_start3A_315 = arith.constant 0 : i32
        %dma_start3A_316 = tpu.memref_slice %arg7[%dma_start3A_313, %dma_start3A_314, %dma_start3A_315] : memref<4x16x512xf32, #tpu.memory_space<vmem>> -> memref<1x16x512xf32, #tpu.memory_space<vmem>>
        %dma_start3A_317 = tpu.memref_squeeze %dma_start3A_316 : memref<1x16x512xf32, #tpu.memory_space<vmem>> -> memref<16x512xf32, #tpu.memory_space<vmem>>
        %dma_start3A_318 = arith.constant 0 : i32
        %dma_start3A_319 = tpu.memref_slice %arg2[%add3A_301, %dma_start3A_318] : memref<4096x512xf32, #tpu.memory_space<hbm>> -> memref<16x512xf32, #tpu.memory_space<hbm>>
        %dma_start3A_320 = arith.constant 0 : i32
        %dma_start3A_321 = arith.constant 0 : i32
        %dma_start3A_322 = tpu.memref_slice %arg7[%dma_start3A_313, %dma_start3A_320, %dma_start3A_321] : memref<4x16x512xf32, #tpu.memory_space<vmem>> -> memref<1x16x512xf32, #tpu.memory_space<vmem>>
        %dma_start3A_323 = tpu.memref_squeeze %dma_start3A_322 : memref<1x16x512xf32, #tpu.memory_space<vmem>> -> memref<16x512xf32, #tpu.memory_space<vmem>>
        %dma_start3A_324 = arith.constant 0 : i32
        %dma_start3A_325 = tpu.memref_slice %arg2[%add3A_301, %dma_start3A_324] : memref<4096x512xf32, #tpu.memory_space<hbm>> -> memref<16x512xf32, #tpu.memory_space<hbm>>
        tpu.enqueue_dma source(%dma_start3A_325 : memref<16x512xf32, #tpu.memory_space<hbm>>) target(%dma_start3A_323 : memref<16x512xf32, #tpu.memory_space<vmem>>) target_semaphore(%arg13 : memref<!tpu.dma_semaphore, #tpu.memory_space<semaphore_mem>>)
      } else {
      }
      scf.yield %scan3A_288#0, %scan3A_288#1, %scan3A_288#2, %scan3A_288#3 : vector<16xf32>, vector<16xf32>, vector<16xf32>, vector<16xf32>
    }
    %scan3A_113 = arith.constant 2 : i32
    %add3A_114 = arith.addf %scan3A_112#0, %scan3A_112#1 : vector<16xf32>
    %add3A_115 = arith.addf %add3A_114, %scan3A_112#2 : vector<16xf32>
    %add3A_116 = arith.addf %add3A_115, %scan3A_112#3 : vector<16xf32>
    %swap3A = arith.constant 0 : index
    %swap3A_117 = tpu.vector_load %arg9[%swap3A] {strides = array<i32>} : memref<16xf32, #tpu.memory_space<vmem>>, vector<16xf32>,
    %swap3A_118 = vector.shape_cast %swap3A_117 : vector<16xf32> to vector<16xf32>
    %swap3A_119 = vector.shape_cast %add3A_116 : vector<16xf32> to vector<16xf32>
    tpu.vector_store %arg9[%swap3A], %swap3A_119 {strides = array<i32>} : memref<16xf32, #tpu.memory_space<vmem>>, vector<16xf32>,
    "tpu.region"() ({
      %run_scoped3A = tpu.sem_alloc : memref<!tpu.dma_semaphore, #tpu.memory_space<semaphore_mem>>
      %dma_start3A_120 = arith.constant 0 : i32
      %dma_start3A_121 = tpu.memref_slice %arg5[%add3A, %dma_start3A_120] : memref<32x16xf32, #tpu.memory_space<hbm>> -> memref<1x16xf32, #tpu.memory_space<hbm>>
      %dma_start3A_122 = tpu.memref_squeeze %dma_start3A_121 : memref<1x16xf32, #tpu.memory_space<hbm>> -> memref<16xf32, #tpu.memory_space<hbm>>
      %dma_start3A_123 = arith.constant 0 : i32
      %dma_start3A_124 = tpu.memref_slice %arg5[%add3A, %dma_start3A_123] : memref<32x16xf32, #tpu.memory_space<hbm>> -> memref<1x16xf32, #tpu.memory_space<hbm>>
      %dma_start3A_125 = tpu.memref_squeeze %dma_start3A_124 : memref<1x16xf32, #tpu.memory_space<hbm>> -> memref<16xf32, #tpu.memory_space<hbm>>
      tpu.enqueue_dma source(%arg9 : memref<16xf32, #tpu.memory_space<vmem>>) target(%dma_start3A_125 : memref<16xf32, #tpu.memory_space<hbm>>) target_semaphore(%run_scoped3A : memref<!tpu.dma_semaphore, #tpu.memory_space<semaphore_mem>>)
      %dma_wait3A = arith.constant 0 : i32
      %dma_wait3A_126 = tpu.memref_slice %arg5[%add3A, %dma_wait3A] : memref<32x16xf32, #tpu.memory_space<hbm>> -> memref<1x16xf32, #tpu.memory_space<hbm>>
      %dma_wait3A_127 = tpu.memref_squeeze %dma_wait3A_126 : memref<1x16xf32, #tpu.memory_space<hbm>> -> memref<16xf32, #tpu.memory_space<hbm>>
      %dma_wait3A_128 = arith.constant 0 : i32
      %dma_wait3A_129 = tpu.memref_slice %arg5[%add3A, %dma_wait3A_128] : memref<32x16xf32, #tpu.memory_space<hbm>> -> memref<1x16xf32, #tpu.memory_space<hbm>>
      %dma_wait3A_130 = tpu.memref_squeeze %dma_wait3A_129 : memref<1x16xf32, #tpu.memory_space<hbm>> -> memref<16xf32, #tpu.memory_space<hbm>>
      tpu.wait_dma2 semaphore(%run_scoped3A : memref<!tpu.dma_semaphore, #tpu.memory_space<semaphore_mem>>) src(%arg9 : memref<16xf32, #tpu.memory_space<vmem>>) dst(%dma_wait3A_130 : memref<16xf32, #tpu.memory_space<hbm>>)
      tpu.yield
    }) : () -> ()
    return
  }
}

</mosaic_0001>

<sc_bundles>
// kernel: kernel.3.cloned.1.call-start
scs
__scs_entry_jumppad:
0x0: {  	(pc) =	sbr.rel $0x88, $3  }
0x1: {  	(tag) =	ssettag $0x0;
	lr =	simm.s32 $0x1  }
0x2: {  	[smem:$0x3F9E] =	sst lr;
	_ =	strace $0xD0000000  }
0x3: {  	_ = 	snop  }
0x4: {  	_ = 	snop  }
0x5: {  	_ = 	snop  }
0x6: {  	_ = 	snop  }
0x7: {  	_ = 	snop  }
__scs_overlays_trampoline_lowered:
0x8: {  	[smem:$0x3FAD] =	sst s0  }
0x9: {  	[smem:$0x3FAE] =	sst s1  }
0xa: {  	[smem:$0x3FAF] =	sst s2  }
0xb: {  	[smem:$0x3FB0] =	sst s3  }
0xc: {  	[smem:$0x3FB1] =	sst s4  }
0xd: {  	[smem:$0x3FB2] =	sst s5  }
0xe: {  	[smem:$0x3FB3] =	sst s6  }
0xf: {  	[smem:$0x3FB4] =	sst s7  }
0x10: {  	[smem:$0x3FB5] =	sst s8  }
0x11: {  	[smem:$0x3FB6] =	sst s9;
	s0 =	simm.s32 @!p0 $0x0  }
0x12: {  	s1 =	sld [smem:$0x3F9C];
	s0 =	simm.s32 @p0 $0x1  }
0x13: {  	[smem:$0x3FB7] =	sst s0;
	s0 =	simm.s32 @!p1 $0x0  }
0x14: {  	s2 =	sld [smem:$0x3F9B];
	s0 =	simm.s32 @p1 $0x1  }
0x15: {  	[smem:$0x3FB8] =	sst s0;
	s0 =	simm.s32 @!p2 $0x0  }
0x16: {  	s3 =	sld [smem:$0x3FDB];
	s0 =	simm.s32 @p2 $0x1  }
0x17: {  	s4 =	simm.s32 $0x1BF5;
	[smem:$0x3FBA] =	sst s0  }
0x18: {  	s0 =	sld [smem:$0x3F9D];
	_ =	swait.ge [sflag:s4], $0x0  }
0x19: {  	s7 =	sld [smem:$0x3F9E]  }
0x1a: {  	s8 =	sadd.s32 $0xFFFFE003, lr  }
0x1b: {  	s9 =	sadd.s32 $0xFFFFFEF7, lr;
	s5 =	simm.s32 $0xFFFFFFFF;
	p2 =	slt.u32 s8, $0xFFFFF086  }
0x1c: {  	p1 =	slt.u32 s9, $0xF7A;
	s5 =	simm.s32 @!p2 $0x0  }
0x1d: {  	s5 =	simm.s32 @p1 $0x1;
	p0 =	seq.s32 s7, s2  }
0x1e: {  	s7 =	smul.u32 @!p0 $0xF7A, s2;
	p2 =	seq.s32 @!p0 s5, $0x0  }
0x1f: {  	s9 =	smul.u32 $0xF7A, s1;
	s8 =	simm.s32 @!p0 $0x1BF5;
	p2 =	por !p2, p0  }
0x20: {  	[sflag:s8] =	ssyncset.s32 @!p0 $0xFFFFF086;
	s6 =	sadd.s32 @!p0 s3, s7;
	s7 =	simm.s32 @!p0 $0x108  }
0x21: {  	s3 =	sadd.s32 s3, s9;
	s6 =	sadd.s32 @!p0 $0x88, s6;
	s7 =	simm.s32 @p2 $0x1082  }
0x22: {  	[simem:s7], [sflag:s8] =	dma.local @!p0 [hbm:s6], $0xF7A  }
0x23: {  	s9 =	sor.u32 $0xD0000000, s2;
	s6 =	simm.s32 $0x108;
	_ =	swait.ge @!p0 [sflag:s8], $0x0  }
0x24: {  	s3 =	sadd.s32 $0x88, s3;
	s6 =	simm.s32 @!p1 $0x1082;
	[sflag:s4] =	ssyncset.s32 $0xFFFFF086  }
0x25: {  	[simem:s6], [sflag:s4] =	dma.local [hbm:s3], $0xF7A  }
0x26: {  	[smem:$0x3F9E] =	sst s1;
	(tag) =	ssettag s2;
	_ =	strace s9  }
0x27: {  	s1 =	sld [smem:$0x3FAE]  }
0x28: {  	s2 =	sld [smem:$0x3FAF]  }
0x29: {  	s4 =	sld [smem:$0x3FB1]  }
0x2a: {  	p0 =	seq.s32 s5, $0x0;
	s5 =	sld [smem:$0x3FB2]  }
0x2b: {  	s6 =	sld [smem:$0x3FB3]  }
0x2c: {  	s7 =	sld [smem:$0x3FB4]  }
0x2d: {  	s3 =	simm.s32 $0x108;
	s8 =	sld [smem:$0x3FB5]  }
0x2e: {  	s3 =	simm.s32 @!p0 $0x1082;
	s9 =	sld [smem:$0x3FB6]  }
0x2f: {  	lr =	sadd.s32 s0, s3;
	s0 =	sld [smem:$0x3FAD]  }
0x30: {  	s3 =	sld [smem:$0x3FB0]  }
0x31: {  	[smem:$0x3FB9] =	sst s10  }
0x32: {  	s10 =	sld [smem:$0x3FB7];
	_ =	sdelay $0x3  }
0x33: {  	p0 =	seq.s32 s10, $0x1;
	s10 =	sld [smem:$0x3FB9];
	_ =	sdelay $0x3  }
0x34: {  	[smem:$0x3FB9] =	sst s10  }
0x35: {  	s10 =	sld [smem:$0x3FB8];
	_ =	sdelay $0x3  }
0x36: {  	p1 =	seq.s32 s10, $0x1;
	s10 =	sld [smem:$0x3FB9];
	_ =	sdelay $0x3  }
0x37: {  	[smem:$0x3FB9] =	sst s10  }
0x38: {  	s10 =	sld [smem:$0x3FBA]  }
0x39: {  	_ = 	snop;
	(pc) =	sbr.ind lr, $3  }
0x3a: {  	_ = 	snop  }
0x3b: {  	_ = 	snop  }
0x3c: {  	p2 =	seq.s32 s10, $0x1;
	s10 =	sld [smem:$0x3FB9]  }
0x3d: {  	_ =	shalt  }
0x3e: {  	_ =	shalt  }
0x3f: {  	_ =	shalt  }
0x40: {  	_ =	shalt  }
0x41: {  	_ =	shalt  }
0x42: {  	_ =	shalt  }
0x43: {  	_ =	shalt  }
0x44: {  	_ =	shalt  }
0x45: {  	_ =	shalt  }
0x46: {  	_ =	shalt  }
0x47: {  	_ =	shalt  }
0x48: {  	_ =	shalt  }
0x49: {  	_ =	shalt  }
0x4a: {  	_ =	shalt  }
0x4b: {  	_ =	shalt  }
0x4c: {  	_ =	shalt  }
0x4d: {  	_ =	shalt  }
0x4e: {  	_ =	shalt  }
0x4f: {  	_ =	shalt  }
0x50: {  	_ =	shalt  }
0x51: {  	_ =	shalt  }
0x52: {  	_ =	shalt  }
0x53: {  	_ =	shalt  }
0x54: {  	_ =	shalt  }
0x55: {  	_ =	shalt  }
0x56: {  	_ =	shalt  }
0x57: {  	_ =	shalt  }
0x58: {  	_ =	shalt  }
0x59: {  	_ =	shalt  }
0x5a: {  	_ =	shalt  }
0x5b: {  	_ =	shalt  }
0x5c: {  	_ =	shalt  }
0x5d: {  	_ =	shalt  }
0x5e: {  	_ =	shalt  }
0x5f: {  	_ =	shalt  }
0x60: {  	_ =	shalt  }
0x61: {  	_ =	shalt  }
0x62: {  	_ =	shalt  }
0x63: {  	_ =	shalt  }
0x64: {  	_ =	shalt  }
0x65: {  	_ =	shalt  }
0x66: {  	_ =	shalt  }
0x67: {  	_ =	shalt  }
0x68: {  	_ =	shalt  }
0x69: {  	_ =	shalt  }
0x6a: {  	_ =	shalt  }
0x6b: {  	_ =	shalt  }
0x6c: {  	_ =	shalt  }
0x6d: {  	_ =	shalt  }
0x6e: {  	_ =	shalt  }
0x6f: {  	_ =	shalt  }
0x70: {  	_ =	shalt  }
0x71: {  	_ =	shalt  }
0x72: {  	_ =	shalt  }
0x73: {  	_ =	shalt  }
0x74: {  	_ =	shalt  }
0x75: {  	_ =	shalt  }
0x76: {  	_ =	shalt  }
0x77: {  	_ =	shalt  }
0x78: {  	_ =	shalt  }
0x79: {  	_ =	shalt  }
0x7a: {  	_ =	shalt  }
0x7b: {  	_ =	shalt  }
0x7c: {  	_ =	shalt  }
0x7d: {  	_ =	shalt  }
0x7e: {  	_ =	shalt  }
0x7f: {  	_ =	shalt  }
0x80: {  	_ =	shalt  }
0x81: {  	_ =	shalt  }
0x82: {  	_ =	shalt  }
0x83: {  	_ =	shalt  }
0x84: {  	_ =	shalt  }
0x85: {  	_ =	shalt  }
0x86: {  	_ =	shalt  }
0x87: {  	_ =	shalt  }
.Lfunc_end0:
.L_simem_size_0:
called_computation_lowered:
.L_overlay_start_0:
0x88: {  	s2 =	sld [smem:$0x3FD9]  }
0x89: {  	s3 =	sld [smem:$0x3FFE];
	_ =	sdelay $0x1  }
0x8a: {  	s1 =	srdreg.scid  }
0x8b: {  	s0 =	sand.u32 $0x1, s1  }
0x8c: {  	s17 =	sshll.u32 s0, $0xA;
	s2 =	sadd.s32 s3, s2  }
0x8d: {  	s2 =	sadd.s32 s2, s17  }
0x8e: {  	[smem:$0x3FC5] =	sst s2  }
0x8f: {  	_ = 	snop  }
0x90: {  	s2 =	sld [smem:$0x3FC9]  }
0x91: {  	s18 =	sld [smem:$0x3FC8]  }
0x92: {  	s4 =	sld [smem:$0x3FC7];
	(tm) =	ssettm $0x1  }
0x93: {  	s5 =	sld [smem:$0x3FFB];
	_ =	sdelay $0x3  }
0x94: {  	_ =	strace s5  }
0x95: {  	s5 =	sld [smem:$0x3FFC];
	_ =	sdelay $0x3  }
0x96: {  	_ =	strace s5  }
0x97: {  	s5 =	sld [smem:$0x3FFD];
	_ =	sdelay $0x3  }
0x98: {  	_ =	strace s5  }
0x99: {  	_ =	strace $0x8FFFFFFF  }
0x9a: {  	s19 =	sld [smem:$0x3FDB];
	_ =	sdelay $0x1  }
0x9b: {  	s6 =	simm.s32 $_scs_section_size  }
0x9c: {  	s7 =	simm.s32 $_size__tile_overlayer_lowered;
	s8 =	simm.s32 $_tile_overlayer_lowered  }
0x9d: {  	s22 =	simm.s32 $0x1BFF;
	s21 =	sshll.u32 s8, $0x1;
	s5 =	sadd.s32 s6, s19  }
0x9e: {  	s9 =	simm.s32 $0x0;
	s20 =	sshll.u32 s7, $0x1;
	s7 =	sadd.s32 s21, s5  }
0x9f: {  	[timem:s9], [sflag:s22] =	dma.local [hbm:s7], s20  }
0xa0: {  	_ =	swait.ge [sflag:s22], s20  }
0xa1: {  	s6 =	ssub.s32 $0x0, s20;
	[sflag:s22] =	ssyncset.done $0x0  }
0xa2: {  	[sflag:s22] =	ssyncadd.s32 s6;
	_ =	sdelay $0x1  }
0xa3: {  	s23 =	simm.s32 $0x1B8B  }
0xa4: {  	_ =	swait.ge [sflag:s23], $0x1  }
0xa5: {  	[sflag:s23] =	ssyncset.done $0x0  }
0xa6: {  	s25 =	simm.s32 $0x1B8E;
	s24 =	sld [smem:$0x3FFE];
	[sflag:s23] =	ssyncadd.s32 $0xFFFFFFFF  }
0xa7: {  	s26 =	simm.s32 $execute0_lowered;
	[smem:$0x3FD2] =	sst s25  }
0xa8: {  	s7 =	sshll.u32 s26, $0x1;
	_ =	strace $0x80000046;
	[dreg:$0x1] =	wrdreg $0xFFFFFFFF  }
0xa9: {  	s28 =	simm.s32 $_size_execute0_lowered;
	s5 =	sadd.s32 s5, s7;
	[dreg:$0x0] =	wrdreg $0x0  }
0xaa: {  	s7 =	sshll.u32 s28, $0x1;
	[dreg:$0x2] =	wrdreg s5  }
0xab: {  	[dreg:$0x3] =	wrdreg s7  }
0xac: {  	[dreg:$0x4] =	wrdreg $0xC0  }
0xad: {  	_ =	task [dreg:s9], $0x5FFFF  }
0xae: {  	[dreg:$0x1] =	wrdreg $0xFFFFFFFF  }
0xaf: {  	[dreg:$0x0] =	wrdreg $0x60  }
0xb0: {  	[dreg:$0x2] =	wrdreg s2  }
0xb1: {  	[dreg:$0x3] =	wrdreg s18  }
0xb2: {  	[dreg:$0x4] =	wrdreg s4  }
0xb3: {  	[dreg:$0x5] =	wrdreg s24  }
0xb4: {  	[dreg:$0x6] =	wrdreg $0x9  }
0xb5: {  	_ =	task.clear_ibuf [dreg:s9], $0x7FFFF;
	_ =	strace $0x90000046  }
0xb6: {  	s29 =	simm.s32 $0x9;
	_ =	strace $0x80000048  }
0xb7: {  	_ =	swait.ge [sflag:s29], $0x1  }
0xb8: {  	[sflag:s29] =	ssyncadd.s32 $0xFFFFFFFF  }
0xb9: {  	_ =	strace $0x90000048  }
0xba: {  	_ =	sfence  }
0xbb: {  	s30 =	sld [smem:$0x0];
	_ =	sdelay $0x2  }
0xbc: {  	s31 =	sshll.u32 s1, $0xD;
	s1 =	sshrl.u32 s1, $0x2  }
0xbd: {  	s3 =	sand.u32 $0x4000, s31;
	s1 =	sadd.s32 s1, s30  }
0xbe: {  	s0 =	sor.u32 s3, s0;
	s1 =	sshll.u32 s1, $0x11  }
0xbf: {  	s0 =	sor.u32 s1, s0  }
0xc0: {  	s0 =	sadd.s32 $0x8F2B, s0  }
0xc1: {  	[sflag:s0] =	ssyncadd.remote.s32 $0x1  }
0xc2: {  	_ =	sfence.sel $0xFFFF  }
0xc3: {  	[dreg:$0x0] =	wrdreg $0xFFFFFFFF;
	(pc) =	sbr.abs _section_cstart, $3  }
0xc4: {  	[dreg:$0x1] =	wrdreg $0xFFFFFFFF  }
0xc5: {  	_ =	task.clear_ibuf [dreg:s9], $0x2FFFF;
	_ =	strace $0x9FFFFFFF  }
0xc6: {  	(tm) =	ssettm $0x7FFFFFFF  }
0xc7: {  	_ =	shalt  }
tec
execute0_lowered:
.L_overlay_start_1:
0x0: {  	(tag) =	ssettag $0x1  }
0x1: {  	s0 =	rddreg [dreg:$0x0]  }
0x2: {  	s1 =	rddreg [dreg:$0x1]  }
0x3: {  	s2 =	rddreg [dreg:$0x2]  }
0x4: {  	s6 =	rddreg [dreg:$0x3]  }
0x5: {  	s4 =	srdreg.scid;
	s5 =	stileid.u32;
	s3 =	simm.s32 $0x0  }
0x6: {  	s17 =	simm.s32 $0x9;
	s18 =	simm.s32 $0xE080;
	s19 =	simm.s32 $0xE880  }
0x7: {  	s20 =	simm.s32 $0xF080;
	s21 =	simm.s32 $0xF880;
	s22 =	simm.s32 $0x6080  }
0x8: {  	s28 =	simm.s32 $0x3;
	s29 =	simm.s32 $0x7;
	s30 =	simm.s32 $0x4  }
0x9: {  	s31 =	simm.s32 $0x8;
	s4 =	sand.u32 $0x1, s4;
	s5 =	sshll.u32 s5, $0x1  }
0xa: {  	[smem:$0x7FF] =	sst s3;
	s10 =	sadd.s32 $0xC00, s0;
	s14 =	sadd.s32 $0x1C00, s0  }
0xb: {  	s7 =	ssub.s32 $0x2, s4;
	s5 =	sor.u32 s4, s5;
	_ =	strace $0x80000047  }
0xc: {  	s8 =	sshrl.u32 s7, $0x1;
	s4 =	sshll.u32 s5, $0xD;
	s9 =	sshll.u32 s5, $0x4  }
0xd: {  	s8 =	ssub.s32 s7, s8;
	s5 =	sadd.s32 s0, s4;
	s1 =	sadd.s32 s1, s9  }
0xe: {  	s7 =	sadd.s32 $0x100, s2;
	s25 =	sadd.s32 s6, s9;
	[dreg:$0x5] =	wrdreg s1  }
0xf: {  	v2 =	vlaneseq.u32;
	s23 =	sadd.s32 $0x400, s5;
	s24 =	sadd.s32 $0x800, s5;
	[dreg:$0x8] =	wrdreg s25  }
0x10: {  	v0 =	vand.u32 $0x7, v2;
	v1 =	vshrl.u32 v2, $0x3;
	s11 =	sadd.s32 $0x1000, s5;
	s12 =	sadd.s32 $0x1400, s5;
	[dreg:$0x6] =	wrdreg s23  }
0x11: {  	v63 =	vor.u32 $0x8, v2;
	[tilespmem:$0x1FFD0] =	vst v0;
	v62 =	vmul.u32 $0x8, v1;
	s13 =	sadd.s32 $0x1800, s5;
	s26 =	smax.u32 s8, $0x1;
	[dreg:$0x7] =	wrdreg s24  }
0x12: {  	[tilespmem:$0x1FFF0] =	vst v63;
	s25 =	simm.s32 $0x2;
	s1 =	simm.s32 $0x0;
	[dreg:$0x9] =	wrdreg s26  }
0x13: {  	vm0 =	vmmov $0xffff;
	[tilespmem:$0x1FFE0] =	vst v62;
	s23 =	simm.s32 $0x1;
	s24 =	simm.s32 $0x5;
	s26 =	simm.s32 $0x6  }
.LBB2_1:
0x14: {  	s0 =	rddreg [dreg:$0x5]  }
0x15: {  	[tilespmem:s3], [sflag:$0x9] =	stream.linear.gather [hbm4b:s0+s3], $0x80, $0x38;
	[tilespmem:$0x10100] =	vst v63  }
0x16: {  	_ =	swait.ge [sflag:s17], $0x80  }
0x17: {  	[sflag:s17] =	ssyncset.done $0x0  }
0x18: {  	[sflag:s17] =	ssyncadd.s32 $0xFFFFFF80  }
0x19: {  	v3 =	vld [tilespmem:$0x0];
	_ =	sdelay $0x2  }
0x1a: {  	v0 =	vld [tilespmem:$0x1FFD0];
	_ =	sdelay $0x1  }
0x1b: {  	v1 =	vld [tilespmem:$0x1FFE0];
	v4 =	vshll.u32 v3, $0x2  }
0x1c: {  	v3 =	vand.u32 $0x7, v3;
	v4 =	vand.u32 $0xFFFFFFE0, v4  }
0x1d: {  	v2 =	vld [tilespmem:$0x1FFF0];
	v3 =	vor.u32 v3, v4  }
0x1e: {  	v4 =	vperm.xlane v3, v0;
	_ =	sdelay $0x1  }
0x1f: {  	v4 =	vadd.s32 v1, v4;
	_ =	sdelay $0x1  }
0x20: {  	v3 =	vperm.xlane v3, v2;
	_ =	sdelay $0x1  }
0x21: {  	s16 =	simm.s32 $0x8080;
	v3 =	vadd.s32 v1, v3  }
0x22: {  	[tilespmem:s16], [sflag:$0x5] =	stream.indirect_vreg.gather [hbm4b:s2+s3], $0x80, v4, vm0, $0xb8;
	[tilespmem:$0x10100] =	vst v63  }
0x23: {  	s6 =	simm.s32 $0x8880  }
0x24: {  	[tilespmem:s6], [sflag:$0x5] =	stream.indirect_vreg.gather [hbm4b:s7+s3], $0x80, v4, vm0, $0xb8;
	[tilespmem:$0x10100] =	vst v63  }
0x25: {  	s8 =	simm.s32 $0x9080  }
0x26: {  	[tilespmem:s8], [sflag:$0x5] =	stream.indirect_vreg.gather [hbm4b:s2+s3], $0x80, v3, vm0, $0xb8;
	[tilespmem:$0x10100] =	vst v63  }
0x27: {  	s9 =	simm.s32 $0x9880  }
0x28: {  	[tilespmem:s9], [sflag:$0x5] =	stream.indirect_vreg.gather [hbm4b:s7+s3], $0x80, v3, vm0, $0xb8;
	[tilespmem:$0x10100] =	vst v63  }
0x29: {  	s15 =	simm.s32 $0x80  }
0x2a: {  	[tilespmem:s15], [sflag:$0x1] =	stream.linear.gather [hbm4b:s5+s3], $0x2000, $0x38;
	[tilespmem:$0x10100] =	vst v63  }
0x2b: {  	v3 =	vld [tilespmem:$0x10];
	_ =	sdelay $0x4  }
0x2c: {  	v4 =	vshll.u32 v3, $0x2  }
0x2d: {  	v3 =	vand.u32 $0x7, v3;
	v4 =	vand.u32 $0xFFFFFFE0, v4  }
0x2e: {  	v3 =	vor.u32 v3, v4  }
0x2f: {  	v4 =	vperm.xlane v3, v0;
	_ =	sdelay $0x1  }
0x30: {  	v4 =	vadd.s32 v1, v4;
	_ =	sdelay $0x1  }
0x31: {  	v3 =	vperm.xlane v3, v2;
	_ =	sdelay $0x1  }
0x32: {  	s16 =	simm.s32 $0xA080;
	v3 =	vadd.s32 v1, v3  }
0x33: {  	[tilespmem:s16], [sflag:$0x6] =	stream.indirect_vreg.gather [hbm4b:s2+s3], $0x80, v4, vm0, $0xb8;
	[tilespmem:$0x10100] =	vst v63  }
0x34: {  	s6 =	simm.s32 $0xA880  }
0x35: {  	[tilespmem:s6], [sflag:$0x6] =	stream.indirect_vreg.gather [hbm4b:s7+s3], $0x80, v4, vm0, $0xb8;
	[tilespmem:$0x10100] =	vst v63  }
0x36: {  	s8 =	simm.s32 $0xB080  }
0x37: {  	[tilespmem:s8], [sflag:$0x6] =	stream.indirect_vreg.gather [hbm4b:s2+s3], $0x80, v3, vm0, $0xb8;
	[tilespmem:$0x10100] =	vst v63  }
0x38: {  	s9 =	simm.s32 $0xB880  }
0x39: {  	[tilespmem:s9], [sflag:$0x6] =	stream.indirect_vreg.gather [hbm4b:s7+s3], $0x80, v3, vm0, $0xb8;
	[tilespmem:$0x10100] =	vst v63  }
0x3a: {  	s15 =	rddreg [dreg:$0x6];
	s6 =	simm.s32 $0x2080  }
0x3b: {  	[tilespmem:s6], [sflag:$0x2] =	stream.linear.gather [hbm4b:s15+s3], $0x2000, $0x38;
	[tilespmem:$0x10100] =	vst v63  }
0x3c: {  	v3 =	vld [tilespmem:$0x20];
	_ =	sdelay $0x4  }
0x3d: {  	v4 =	vshll.u32 v3, $0x2  }
0x3e: {  	v3 =	vand.u32 $0x7, v3;
	v4 =	vand.u32 $0xFFFFFFE0, v4  }
0x3f: {  	v3 =	vor.u32 v3, v4  }
0x40: {  	v4 =	vperm.xlane v3, v0;
	_ =	sdelay $0x1  }
0x41: {  	v4 =	vadd.s32 v1, v4;
	_ =	sdelay $0x1  }
0x42: {  	v3 =	vperm.xlane v3, v2;
	_ =	sdelay $0x1  }
0x43: {  	s16 =	simm.s32 $0xC080;
	v3 =	vadd.s32 v1, v3  }
0x44: {  	[tilespmem:s16], [sflag:$0x7] =	stream.indirect_vreg.gather [hbm4b:s2+s3], $0x80, v4, vm0, $0xb8;
	[tilespmem:$0x10100] =	vst v63  }
0x45: {  	s6 =	simm.s32 $0xC880  }
0x46: {  	[tilespmem:s6], [sflag:$0x7] =	stream.indirect_vreg.gather [hbm4b:s7+s3], $0x80, v4, vm0, $0xb8;
	[tilespmem:$0x10100] =	vst v63  }
0x47: {  	s8 =	simm.s32 $0xD080  }
0x48: {  	[tilespmem:s8], [sflag:$0x7] =	stream.indirect_vreg.gather [hbm4b:s2+s3], $0x80, v3, vm0, $0xb8;
	[tilespmem:$0x10100] =	vst v63  }
0x49: {  	p1 =	por $0x1, $0x1;
	s0 =	smov.u32 s10;
	s9 =	simm.s32 $0xD880  }
0x4a: {  	[tilespmem:s9], [sflag:$0x7] =	stream.indirect_vreg.gather [hbm4b:s7+s3], $0x80, v3, vm0, $0xb8;
	[tilespmem:$0x10100] =	vst v63  }
0x4b: {  	v5 =	vimm.f32 $0.0e+00;
	s15 =	rddreg [dreg:$0x7];
	s16 =	simm.s32 $0x4080;
	s6 =	simm.s32 $0x30  }
0x4c: {  	v6 =	vimm.f32 $0.0e+00;
	v4 =	vimm.f32 $0.0e+00;
	v3 =	vimm.f32 $0.0e+00;
	[tilespmem:s16], [sflag:$0x3] =	stream.linear.gather [hbm4b:s15+s3], $0x2000, $0x38;
	[tilespmem:$0x10100] =	vst v63  }
.LBB2_2:
0x4d: {  	v7 =	vld [tilespmem:s6+$0x0];
	_ =	sdelay $0x2  }
0x4e: {  	v0 =	vld [tilespmem:$0x1FFD0];
	_ =	sdelay $0x1  }
0x4f: {  	v8 =	vshll.u32 v7, $0x2  }
0x50: {  	v7 =	vand.u32 $0x7, v7;
	v8 =	vand.u32 $0xFFFFFFE0, v8  }
0x51: {  	v7 =	vor.u32 v7, v8  }
0x52: {  	v8 =	vperm.xlane v7, v0;
	v0 =	vld [tilespmem:$0x1FFE0];
	_ =	sdelay $0x1  }
0x53: {  	v1 =	vld [tilespmem:$0x1FFF0];
	_ =	sdelay $0x2  }
0x54: {  	v8 =	vadd.s32 v0, v8;
	_ =	sdelay $0x1  }
0x55: {  	v7 =	vperm.xlane v7, v1;
	_ =	sdelay $0x1  }
0x56: {  	s6 =	simm.s32 $0x0;
	v7 =	vadd.s32 v0, v7  }
0x57: {  	[tilespmem:s18], [sflag:$0x8] =	stream.indirect_vreg.gather [hbm4b:s2+s6], $0x80, v8, vm0, $0xb8;
	[tilespmem:$0x10100] =	vst v63  }
0x58: {  	_ = 	snop  }
0x59: {  	[tilespmem:s19], [sflag:$0x8] =	stream.indirect_vreg.gather [hbm4b:s7+s6], $0x80, v8, vm0, $0xb8;
	[tilespmem:$0x10100] =	vst v63  }
0x5a: {  	_ = 	snop  }
0x5b: {  	[tilespmem:s20], [sflag:$0x8] =	stream.indirect_vreg.gather [hbm4b:s2+s6], $0x80, v7, vm0, $0xb8;
	[tilespmem:$0x10100] =	vst v63  }
0x5c: {  	_ = 	snop  }
0x5d: {  	[tilespmem:s21], [sflag:$0x8] =	stream.indirect_vreg.gather [hbm4b:s7+s6], $0x80, v7, vm0, $0xb8;
	[tilespmem:$0x10100] =	vst v63  }
0x5e: {  	s0 =	sadd.s32 s4, s0  }
0x5f: {  	[tilespmem:s22], [sflag:$0x4] =	stream.linear.gather [hbm4b:s0+s6], $0x2000, $0x38;
	[tilespmem:$0x10100] =	vst v63  }
0x60: {  	_ =	swait.ge [sflag:s23], $0x2000  }
0x61: {  	[sflag:s23] =	ssyncset.done $0x0  }
0x62: {  	[sflag:s23] =	ssyncadd.s32 $0xFFFFE000  }
0x63: {  	_ =	swait.ge [sflag:s24], $0x2000  }
0x64: {  	s16 =	sand.u32 $0x1000, s6;
	s8 =	sand.u32 $0x380, s6;
	[sflag:s24] =	ssyncset.done $0x0  }
0x65: {  	s0 =	sor.u32 s8, s16;
	[sflag:s24] =	ssyncadd.s32 $0xFFFFE000  }
0x66: {  	v7 =	vld [tilespmem:s0+$0xCC0]  }
0x67: {  	v8 =	vld [tilespmem:s0+$0x8CC0]  }
0x68: {  	v9 =	vld [tilespmem:s0+$0xCD0]  }
0x69: {  	v10 =	vld [tilespmem:s0+$0x8CD0]  }
0x6a: {  	v11 =	vld [tilespmem:s0+$0xCE0]  }
0x6b: {  	v12 =	vld [tilespmem:s0+$0x8CE0]  }
0x6c: {  	v13 =	vld [tilespmem:s0+$0xCF0]  }
0x6d: {  	v16 =	vld [tilespmem:s0+$0x8CF0]  }
0x6e: {  	v17 =	vld [tilespmem:s0+$0xC80]  }
0x6f: {  	v18 =	vld [tilespmem:s0+$0x8C80]  }
0x70: {  	v19 =	vld [tilespmem:s0+$0xC90]  }
0x71: {  	v20 =	vld [tilespmem:s0+$0x8C90]  }
0x72: {  	v21 =	vld [tilespmem:s0+$0xCA0]  }
0x73: {  	v22 =	vld [tilespmem:s0+$0x8CA0]  }
0x74: {  	v23 =	vld [tilespmem:s0+$0xCB0]  }
0x75: {  	v24 =	vld [tilespmem:s0+$0x8CB0]  }
0x76: {  	v26 =	vld [tilespmem:s0+$0x8C0]  }
0x77: {  	v27 =	vld [tilespmem:s0+$0x88C0]  }
0x78: {  	v29 =	vld [tilespmem:s0+$0x8D0]  }
0x79: {  	v30 =	vld [tilespmem:s0+$0x88D0]  }
0x7a: {  	v36 =	vld [tilespmem:s0+$0x8E0]  }
0x7b: {  	v37 =	vld [tilespmem:s0+$0x88E0]  }
0x7c: {  	v39 =	vld [tilespmem:s0+$0x8F0]  }
0x7d: {  	v40 =	vld [tilespmem:s0+$0x88F0]  }
0x7e: {  	v41 =	vld [tilespmem:s0+$0x880]  }
0x7f: {  	v42 =	vld [tilespmem:s0+$0x8880]  }
0x80: {  	v43 =	vld [tilespmem:s0+$0x890]  }
0x81: {  	v44 =	vld [tilespmem:s0+$0x8890]  }
0x82: {  	v45 =	vld [tilespmem:s0+$0x8A0]  }
0x83: {  	v46 =	vld [tilespmem:s0+$0x88A0]  }
0x84: {  	v47 =	vld [tilespmem:s0+$0x8B0]  }
0x85: {  	v49 =	vld [tilespmem:s0+$0x88B0]  }
0x86: {  	v50 =	vld [tilespmem:s0+$0x4C0]  }
0x87: {  	v51 =	vld [tilespmem:s0+$0x84C0]  }
0x88: {  	v52 =	vld [tilespmem:s0+$0x4D0]  }
0x89: {  	v53 =	vld [tilespmem:s0+$0x84D0]  }
0x8a: {  	v54 =	vld [tilespmem:s0+$0x4E0]  }
0x8b: {  	v56 =	vld [tilespmem:s0+$0x84E0]  }
0x8c: {  	v57 =	vld [tilespmem:s0+$0x4F0]  }
0x8d: {  	v58 =	vld [tilespmem:s0+$0x84F0]  }
0x8e: {  	v59 =	vld [tilespmem:s0+$0x480]  }
0x8f: {  	v60 =	vld [tilespmem:s0+$0x8480]  }
0x90: {  	v61 =	vld [tilespmem:s0+$0x490]  }
0x91: {  	v62 =	vld [tilespmem:s0+$0x8490]  }
0x92: {  	v63 =	vld [tilespmem:s0+$0x4A0]  }
0x93: {  	v0 =	vld [tilespmem:s0+$0x84A0]  }
0x94: {  	v31 =	vld [tilespmem:s0+$0x4B0]  }
0x95: {  	v33 =	vld [tilespmem:s0+$0x84B0]  }
0x96: {  	v28 =	vld [tilespmem:s0+$0xC0];
	v14 =	vsub.f32 v7, v8  }
0x97: {  	v34 =	vld [tilespmem:s0+$0x80C0];
	v15 =	vsub.f32 v9, v10;
	v8 =	vsub.f32 v11, v12  }
0x98: {  	v32 =	vld [tilespmem:s0+$0xD0];
	v17 =	vsub.f32 v17, v18;
	v7 =	vsub.f32 v13, v16  }
0x99: {  	v35 =	vld [tilespmem:s0+$0x80D0];
	v18 =	vsub.f32 v19, v20;
	v10 =	vsub.f32 v21, v22  }
0x9a: {  	v25 =	vld [tilespmem:s0+$0xE0];
	v21 =	vsub.f32 v26, v27;
	v9 =	vsub.f32 v23, v24  }
0x9b: {  	v38 =	vld [tilespmem:s0+$0x80];
	v22 =	vsub.f32 v29, v30;
	v12 =	vsub.f32 v36, v37  }
0x9c: {  	v48 =	vld [tilespmem:s0+$0x8080];
	v23 =	vsub.f32 v41, v42;
	v11 =	vsub.f32 v39, v40  }
0x9d: {  	v55 =	vld [tilespmem:s0+$0x8090];
	v24 =	vsub.f32 v43, v44;
	v16 =	vsub.f32 v45, v46  }
0x9e: {  	v26 =	vld [tilespmem:s0+$0x80E0];
	v29 =	vsub.f32 v50, v51;
	v13 =	vsub.f32 v47, v49  }
0x9f: {  	v43 =	vld [tilespmem:s0+$0x90];
	v30 =	vsub.f32 v52, v53;
	v20 =	vsub.f32 v54, v56  }
0xa0: {  	v53 =	vld [tilespmem:s0+$0xA0];
	v36 =	vsub.f32 v59, v60;
	v19 =	vsub.f32 v57, v58  }
0xa1: {  	p0 =	por p1, p1;
	s8 =	simm.s32 $0x200;
	v58 =	vld [tilespmem:s0+$0x80A0];
	v37 =	vsub.f32 v61, v62;
	v27 =	vsub.f32 v63, v0  }
.LBB2_3:
0xa2: {  	p1 =	sne.s32 s8, $0x1E00;
	v0 =	vld [tilespmem:s0+$0xB0];
	v31 =	vsub.f32 v31, v33;
	v33 =	vmul.f32 v14, v14;
	v39 =	vmul.f32 v15, v15  }
0xa3: {  	v28 =	vsub.f32 v28, v34;
	v34 =	vmul.f32 v17, v17;
	v41 =	vmul.f32 v18, v18;
	s6 =	sadd.s32 $0x80, s6;
	v40 =	vld [tilespmem:s0+$0x80B0]  }
0xa4: {  	s9 =	sand.u32 $0x1000, s8;
	v18 =	vsub.f32 v32, v35;
	v35 =	vmul.f32 v21, v21;
	v42 =	vmul.f32 v22, v22;
	s15 =	sand.u32 $0x380, s6;
	v32 =	vld [tilespmem:s0+$0xF0]  }
0xa5: {  	v21 =	vsub.f32 v38, v48;
	v38 =	vmul.f32 v23, v23;
	v44 =	vmul.f32 v24, v24;
	v22 =	vld [tilespmem:s0+$0x80F0];
	s0 =	sor.u32 s15, s9  }
0xa6: {  	v29 =	vmul.f32 v29, v29;
	v30 =	vmul.f32 v30, v30;
	v23 =	vsub.f32 v43, v55;
	v14 =	vld [tilespmem:s0+$0xCC0]  }
0xa7: {  	v36 =	vmul.f32 v36, v36;
	v37 =	vmul.f32 v37, v37;
	v24 =	vsub.f32 v53, v58;
	v15 =	vld [tilespmem:s0+$0x8CC0]  }
0xa8: {  	v28 =	vmul.f32 v28, v28;
	v17 =	vld [tilespmem:s0+$0xCD0];
	v0 =	vsub.f32 v0, v40;
	v40 =	vmul.f32 v18, v18  }
0xa9: {  	v25 =	vsub.f32 v25, v26;
	v43 =	vmul.f32 v21, v21;
	v23 =	vmul.f32 v23, v23;
	v18 =	vld [tilespmem:s0+$0x8CD0]  }
0xaa: {  	v24 =	vmul.f32 v24, v24;
	v21 =	vld [tilespmem:s0+$0xCE0];
	v0 =	vmul.f32 v0, v0;
	v26 =	vsub.f32 v32, v22  }
0xab: {  	v25 =	vmul.f32 v25, v25;
	v6 =	vadd.f32 v43, v6;
	v5 =	vadd.f32 v23, v5;
	v22 =	vld [tilespmem:s0+$0x8CE0]  }
0xac: {  	v4 =	vadd.f32 v24, v4;
	v23 =	vld [tilespmem:s0+$0xCF0];
	v0 =	vadd.f32 v0, v3;
	v3 =	vmul.f32 v26, v26  }
0xad: {  	v6 =	vadd.f32 v28, v6;
	v5 =	vadd.f32 v40, v5;
	v26 =	vmul.f32 v27, v27;
	v24 =	vld [tilespmem:s0+$0x8CF0]  }
0xae: {  	v4 =	vadd.f32 v25, v4;
	v27 =	vld [tilespmem:s0+$0xC80];
	v0 =	vadd.f32 v3, v0;
	v3 =	vmul.f32 v31, v31  }
0xaf: {  	v20 =	vmul.f32 v20, v20;
	v6 =	vadd.f32 v36, v6;
	v5 =	vadd.f32 v37, v5;
	v25 =	vld [tilespmem:s0+$0x8C80]  }
0xb0: {  	v4 =	vadd.f32 v26, v4;
	v36 =	vld [tilespmem:s0+$0xC90];
	v0 =	vadd.f32 v3, v0;
	v3 =	vmul.f32 v19, v19  }
0xb1: {  	v16 =	vmul.f32 v16, v16;
	v6 =	vadd.f32 v29, v6;
	v5 =	vadd.f32 v30, v5;
	v19 =	vld [tilespmem:s0+$0x8C90]  }
0xb2: {  	v4 =	vadd.f32 v20, v4;
	v26 =	vld [tilespmem:s0+$0xCA0];
	v0 =	vadd.f32 v3, v0;
	v3 =	vmul.f32 v13, v13  }
0xb3: {  	v12 =	vmul.f32 v12, v12;
	v6 =	vadd.f32 v38, v6;
	v5 =	vadd.f32 v44, v5;
	v13 =	vld [tilespmem:s0+$0x8CA0]  }
0xb4: {  	v4 =	vadd.f32 v16, v4;
	v20 =	vld [tilespmem:s0+$0xCB0];
	v0 =	vadd.f32 v3, v0;
	v3 =	vmul.f32 v11, v11  }
0xb5: {  	v10 =	vmul.f32 v10, v10;
	v6 =	vadd.f32 v35, v6;
	v5 =	vadd.f32 v42, v5;
	v11 =	vld [tilespmem:s0+$0x8CB0]  }
0xb6: {  	v4 =	vadd.f32 v12, v4;
	v16 =	vld [tilespmem:s0+$0x8C0];
	v0 =	vadd.f32 v3, v0;
	v3 =	vmul.f32 v9, v9  }
0xb7: {  	v8 =	vmul.f32 v8, v8;
	v6 =	vadd.f32 v34, v6;
	v5 =	vadd.f32 v41, v5;
	v9 =	vld [tilespmem:s0+$0x88C0]  }
0xb8: {  	v4 =	vadd.f32 v10, v4;
	v12 =	vld [tilespmem:s0+$0x8D0];
	v0 =	vadd.f32 v3, v0;
	v3 =	vmul.f32 v7, v7  }
0xb9: {  	v6 =	vadd.f32 v33, v6;
	v5 =	vadd.f32 v39, v5;
	v29 =	vld [tilespmem:s0+$0x88D0]  }
0xba: {  	v4 =	vadd.f32 v8, v4;
	v30 =	vld [tilespmem:s0+$0x8E0];
	v3 =	vadd.f32 v3, v0  }
0xbb: {  	v0 =	vld [tilespmem:s0+$0x88E0]  }
0xbc: {  	v37 =	vld [tilespmem:s0+$0x8F0]  }
0xbd: {  	v39 =	vld [tilespmem:s0+$0x88F0]  }
0xbe: {  	v40 =	vld [tilespmem:s0+$0x880]  }
0xbf: {  	v41 =	vld [tilespmem:s0+$0x8880]  }
0xc0: {  	v42 =	vld [tilespmem:s0+$0x890]  }
0xc1: {  	v43 =	vld [tilespmem:s0+$0x8890]  }
0xc2: {  	v44 =	vld [tilespmem:s0+$0x8A0]  }
0xc3: {  	v45 =	vld [tilespmem:s0+$0x88A0]  }
0xc4: {  	v46 =	vld [tilespmem:s0+$0x8B0]  }
0xc5: {  	v47 =	vld [tilespmem:s0+$0x88B0]  }
0xc6: {  	v49 =	vld [tilespmem:s0+$0x4C0]  }
0xc7: {  	v50 =	vld [tilespmem:s0+$0x84C0]  }
0xc8: {  	v51 =	vld [tilespmem:s0+$0x4D0]  }
0xc9: {  	v52 =	vld [tilespmem:s0+$0x84D0]  }
0xca: {  	v53 =	vld [tilespmem:s0+$0x4E0]  }
0xcb: {  	v54 =	vld [tilespmem:s0+$0x84E0]  }
0xcc: {  	v56 =	vld [tilespmem:s0+$0x4F0]  }
0xcd: {  	v57 =	vld [tilespmem:s0+$0x84F0]  }
0xce: {  	v58 =	vld [tilespmem:s0+$0x480]  }
0xcf: {  	v59 =	vld [tilespmem:s0+$0x8480]  }
0xd0: {  	v60 =	vld [tilespmem:s0+$0x490]  }
0xd1: {  	v61 =	vld [tilespmem:s0+$0x8490]  }
0xd2: {  	v62 =	vld [tilespmem:s0+$0x4A0]  }
0xd3: {  	v63 =	vld [tilespmem:s0+$0x84A0]  }
0xd4: {  	v31 =	vld [tilespmem:s0+$0x4B0]  }
0xd5: {  	v33 =	vld [tilespmem:s0+$0x84B0]  }
0xd6: {  	v14 =	vsub.f32 v14, v15;
	v28 =	vld [tilespmem:s0+$0xC0]  }
0xd7: {  	v15 =	vsub.f32 v17, v18;
	v8 =	vsub.f32 v21, v22;
	v34 =	vld [tilespmem:s0+$0x80C0]  }
0xd8: {  	v17 =	vsub.f32 v27, v25;
	v7 =	vsub.f32 v23, v24;
	v32 =	vld [tilespmem:s0+$0xD0]  }
0xd9: {  	v18 =	vsub.f32 v36, v19;
	v10 =	vsub.f32 v26, v13;
	v35 =	vld [tilespmem:s0+$0x80D0]  }
0xda: {  	v21 =	vsub.f32 v16, v9;
	v9 =	vsub.f32 v20, v11;
	v25 =	vld [tilespmem:s0+$0xE0]  }
0xdb: {  	v22 =	vsub.f32 v12, v29;
	v12 =	vsub.f32 v30, v0;
	v26 =	vld [tilespmem:s0+$0x80E0]  }
0xdc: {  	v11 =	vsub.f32 v37, v39;
	v23 =	vsub.f32 v40, v41;
	v38 =	vld [tilespmem:s0+$0x80]  }
.Ltmp0:
0xdd: {  	v24 =	vsub.f32 v42, v43;
	v16 =	vsub.f32 v44, v45;
	v48 =	vld [tilespmem:s0+$0x8080];
	(pc) =	sbr.rel @p1 .LBB2_3-.Ltmp0, $4  }
0xde: {  	v13 =	vsub.f32 v46, v47;
	v29 =	vsub.f32 v49, v50;
	v43 =	vld [tilespmem:s0+$0x90]  }
0xdf: {  	v30 =	vsub.f32 v51, v52;
	v20 =	vsub.f32 v53, v54;
	v55 =	vld [tilespmem:s0+$0x8090]  }
0xe0: {  	v19 =	vsub.f32 v56, v57;
	v36 =	vsub.f32 v58, v59;
	v53 =	vld [tilespmem:s0+$0xA0]  }
0xe1: {  	s8 =	sadd.s32 $0x200, s8;
	v37 =	vsub.f32 v60, v61;
	v27 =	vsub.f32 v62, v63;
	v58 =	vld [tilespmem:s0+$0x80A0]  }
0xe2: {  	v0 =	vld @p0 [tilespmem:$0x40];
	_ =	sdelay $0x4  }
0xe3: {  	v39 =	vshll.u32 @p0 v0, $0x2  }
0xe4: {  	v40 =	vlaneseq.u32 @p0;
	v0 =	vand.u32 @p0 $0x7, v0;
	v39 =	vand.u32 @p0 $0xFFFFFFE0, v39  }
0xe5: {  	v41 =	vshrl.u32 @p0 v40, $0x3;
	v0 =	vor.u32 @p0 v0, v39;
	v39 =	vand.u32 @p0 $0x7, v40  }
0xe6: {  	v41 =	vmul.u32 @p0 $0x8, v41;
	v39 =	vperm.xlane @p0 v0, v39;
	_ =	sdelay $0x1  }
0xe7: {  	v39 =	vadd.s32 @p0 v41, v39  }
0xe8: {  	v59 =	vld [tilespmem:s0+$0xB0];
	v40 =	vor.u32 @p0 $0x8, v40  }
0xe9: {  	v60 =	vld [tilespmem:s0+$0x80B0];
	v0 =	vperm.xlane @p0 v0, v40  }
0xea: {  	v61 =	vld [tilespmem:s0+$0xF0]  }
0xeb: {  	v62 =	vld [tilespmem:s0+$0x80F0];
	vm1 =	vmmov @p0 $0xffff;
	s0 =	simm.s32 @p0 $0x0;
	s6 =	simm.s32 @p0 $0x8080;
	v0 =	vadd.s32 @p0 v41, v0  }
0xec: {  	[tilespmem:s6], [sflag:$0x5] =	stream.indirect_vreg.gather @p0 [hbm4b:s2+s0], $0x80, v39, vm1, $0xb8;
	[tilespmem:$0x10100] =	vst v63  }
0xed: {  	s6 =	simm.s32 @p0 $0x8880  }
0xee: {  	[tilespmem:s6], [sflag:$0x5] =	stream.indirect_vreg.gather @p0 [hbm4b:s7+s0], $0x80, v39, vm1, $0xb8;
	[tilespmem:$0x10100] =	vst v63  }
0xef: {  	s6 =	simm.s32 @p0 $0x9080  }
0xf0: {  	[tilespmem:s6], [sflag:$0x5] =	stream.indirect_vreg.gather @p0 [hbm4b:s2+s0], $0x80, v0, vm1, $0xb8;
	[tilespmem:$0x10100] =	vst v63  }
0xf1: {  	s6 =	simm.s32 @p0 $0x9880  }
0xf2: {  	[tilespmem:s6], [sflag:$0x5] =	stream.indirect_vreg.gather @p0 [hbm4b:s7+s0], $0x80, v0, vm1, $0xb8;
	[tilespmem:$0x10100] =	vst v63  }
0xf3: {  	s6 =	simm.s32 @p0 $0x80  }
0xf4: {  	[tilespmem:s6], [sflag:$0x1] =	stream.linear.gather @p0 [hbm4b:s11+s0], $0x2000, $0x38;
	[tilespmem:$0x10100] =	vst v63  }
0xf5: {  	_ =	swait.ge [sflag:s25], $0x2000  }
0xf6: {  	[sflag:s25] =	ssyncset.done $0x0  }
0xf7: {  	s0 =	simm.s32 $0x0;
	[sflag:s25] =	ssyncadd.s32 $0xFFFFE000  }
0xf8: {  	s8 =	sand.u32 $0xFFFFF000, s0;
	_ =	swait.ge [sflag:s26], $0x2000  }
0xf9: {  	s8 =	sadd.s32 $0x0, s8;
	[sflag:s26] =	ssyncset.done $0x0  }
0xfa: {  	s6 =	sor.u32 $0x2C40, s8;
	[sflag:s26] =	ssyncadd.s32 $0xFFFFE000  }
0xfb: {  	v0 =	vld [tilespmem:s6+$0x80];
	_ =	sdelay $0x1  }
0xfc: {  	v31 =	vsub.f32 v31, v33;
	v28 =	vsub.f32 v28, v34  }
0xfd: {  	v25 =	vsub.f32 v25, v26;
	v42 =	vsub.f32 v59, v60  }
0xfe: {  	v27 =	vmul.f32 v27, v27;
	v41 =	vsub.f32 v53, v58;
	v39 =	vsub.f32 v38, v48  }
0xff: {  	v26 =	vsub.f32 v61, v62;
	v40 =	vsub.f32 v43, v55;
	v43 =	vmul.f32 v42, v42;
	[tilespmem:$0x1FF10] =	vst v0;
	v0 =	vld [tilespmem:s6+$0x8080]  }
0x100: {  	v32 =	vsub.f32 v32, v35;
	v35 =	vmul.f32 v41, v41;
	v33 =	vmul.f32 v39, v39  }
0x101: {  	v28 =	vmul.f32 v28, v28;
	v26 =	vmul.f32 v26, v26;
	v3 =	vadd.f32 v43, v3  }
0x102: {  	v25 =	vmul.f32 v25, v25;
	v4 =	vadd.f32 v35, v4;
	v6 =	vadd.f32 v33, v6  }
0x103: {  	v3 =	vadd.f32 v26, v3;
	v26 =	vmul.f32 v29, v29;
	v29 =	vmul.f32 v31, v31;
	s9 =	sor.u32 $0x2C50, s8  }
0x104: {  	v4 =	vadd.f32 v25, v4;
	v6 =	vadd.f32 v28, v6;
	v28 =	vmul.f32 v36, v36;
	[tilespmem:$0x1FF20] =	vst v0;
	v0 =	vld [tilespmem:s9+$0x80]  }
0x105: {  	v19 =	vmul.f32 v19, v19;
	v3 =	vadd.f32 v29, v3  }
0x106: {  	v20 =	vmul.f32 v20, v20;
	v4 =	vadd.f32 v27, v4;
	v6 =	vadd.f32 v28, v6  }
0x107: {  	v23 =	vmul.f32 v23, v23;
	v13 =	vmul.f32 v13, v13;
	v3 =	vadd.f32 v19, v3  }
0x108: {  	v16 =	vmul.f32 v16, v16;
	v4 =	vadd.f32 v20, v4;
	v6 =	vadd.f32 v26, v6  }
0x109: {  	v21 =	vmul.f32 v21, v21;
	v11 =	vmul.f32 v11, v11;
	v3 =	vadd.f32 v13, v3;
	[tilespmem:$0x1FF30] =	vst v0;
	v0 =	vld [tilespmem:s9+$0x8080]  }
0x10a: {  	v12 =	vmul.f32 v12, v12;
	v4 =	vadd.f32 v16, v4;
	v6 =	vadd.f32 v23, v6  }
0x10b: {  	v10 =	vmul.f32 v10, v10;
	v9 =	vmul.f32 v9, v9;
	v3 =	vadd.f32 v11, v3  }
0x10c: {  	v13 =	vmul.f32 v17, v17;
	v4 =	vadd.f32 v12, v4;
	v6 =	vadd.f32 v21, v6  }
0x10d: {  	v8 =	vmul.f32 v8, v8;
	v34 =	vmul.f32 v40, v40;
	v3 =	vadd.f32 v9, v3;
	s15 =	sor.u32 $0x2C60, s8  }
0x10e: {  	v4 =	vadd.f32 v10, v4;
	v6 =	vadd.f32 v13, v6;
	v13 =	vmul.f32 v7, v7;
	[tilespmem:$0x1FF40] =	vst v0;
	v0 =	vld [tilespmem:s15+$0x80]  }
0x10f: {  	v5 =	vadd.f32 v34, v5  }
0x110: {  	v32 =	vmul.f32 v32, v32;
	v7 =	vadd.f32 v8, v4;
	v8 =	vadd.f32 v13, v3;
	v3 =	vld [tilespmem:$0x1FF10]  }
0x111: {  	v4 =	vld [tilespmem:$0x1FF20]  }
0x112: {  	v5 =	vadd.f32 v32, v5;
	v25 =	vmul.f32 v37, v37  }
0x113: {  	[tilespmem:$0x1FF50] =	vst v0;
	v0 =	vld [tilespmem:s15+$0x8080]  }
0x114: {  	v5 =	vadd.f32 v25, v5;
	v25 =	vmul.f32 v30, v30  }
0x115: {  	v24 =	vmul.f32 v24, v24  }
0x116: {  	v5 =	vadd.f32 v25, v5;
	v12 =	vmul.f32 v15, v15;
	v15 =	vsub.f32 v3, v4;
	v3 =	vld [tilespmem:$0x1FF30]  }
0x117: {  	s16 =	sor.u32 $0x2C70, s8;
	v4 =	vld [tilespmem:$0x1FF40]  }
0x118: {  	v5 =	vadd.f32 v24, v5;
	v16 =	vmul.f32 v22, v22;
	[tilespmem:$0x1FF60] =	vst v0;
	v0 =	vld [tilespmem:s16+$0x80]  }
0x119: {  	s15 =	sor.u32 $0x2C20, s8  }
0x11a: {  	v5 =	vadd.f32 v16, v5;
	v16 =	vmul.f32 v18, v18;
	v54 =	vld [tilespmem:s15+$0x80]  }
0x11b: {  	v56 =	vld [tilespmem:s15+$0x8080]  }
0x11c: {  	v5 =	vadd.f32 v16, v5;
	v16 =	vsub.f32 v3, v4;
	v3 =	vld [tilespmem:$0x1FF50]  }
0x11d: {  	s15 =	sand.u32 $0x380, s0;
	[tilespmem:$0x1FF90] =	vst v0;
	v0 =	vld [tilespmem:s16+$0x8080];
	s16 =	sand.u32 $0x1000, s0  }
0x11e: {  	v4 =	vld [tilespmem:$0x1FF60];
	s6 =	sor.u32 s15, s16  }
0x11f: {  	v63 =	vld [tilespmem:s6+$0x28C0]  }
0x120: {  	v45 =	vld [tilespmem:s6+$0xA8C0]  }
0x121: {  	v50 =	vld [tilespmem:s6+$0x28D0]  }
0x122: {  	v49 =	vld [tilespmem:s6+$0xA8D0]  }
0x123: {  	v47 =	vld [tilespmem:s6+$0x28E0]  }
0x124: {  	v46 =	vld [tilespmem:s6+$0xA8E0]  }
0x125: {  	v51 =	vld [tilespmem:s6+$0x28F0]  }
0x126: {  	v48 =	vld [tilespmem:s6+$0xA8F0]  }
0x127: {  	v44 =	vld [tilespmem:s6+$0x2880]  }
0x128: {  	v53 =	vld [tilespmem:s6+$0xA880]  }
0x129: {  	v55 =	vld [tilespmem:s6+$0x2890]  }
0x12a: {  	v58 =	vld [tilespmem:s6+$0xA890]  }
0x12b: {  	v59 =	vld [tilespmem:s6+$0x28A0]  }
0x12c: {  	v60 =	vld [tilespmem:s6+$0xA8A0]  }
0x12d: {  	v61 =	vld [tilespmem:s6+$0x28B0]  }
0x12e: {  	s16 =	sor.u32 $0x2440, s8;
	v43 =	vld [tilespmem:s6+$0xA8B0]  }
0x12f: {  	v42 =	vld [tilespmem:s16+$0x80]  }
0x130: {  	s15 =	sor.u32 $0x2450, s8;
	v41 =	vld [tilespmem:s16+$0x8080]  }
0x131: {  	v31 =	vld [tilespmem:s15+$0x80]  }
0x132: {  	v62 =	vld [tilespmem:s15+$0x8080]  }
0x133: {  	v29 =	vld [tilespmem:s6+$0x20C0]  }
0x134: {  	v34 =	vld [tilespmem:s6+$0xA0C0]  }
0x135: {  	v32 =	vld [tilespmem:s6+$0x20D0]  }
0x136: {  	v35 =	vld [tilespmem:s6+$0xA0D0]  }
0x137: {  	v25 =	vld [tilespmem:s6+$0x20E0]  }
0x138: {  	s9 =	sor.u32 $0x2C00, s8;
	v26 =	vld [tilespmem:s6+$0xA0E0]  }
0x139: {  	[tilespmem:$0x1FFA0] =	vst v0;
	v0 =	vld [tilespmem:s9+$0x80]  }
0x13a: {  	s16 =	sor.u32 $0x2460, s8;
	v38 =	vld [tilespmem:s6+$0x2080]  }
0x13b: {  	v40 =	vld [tilespmem:s16+$0x80]  }
0x13c: {  	s15 =	sor.u32 $0x2470, s8;
	v20 =	vld [tilespmem:s16+$0x8080]  }
0x13d: {  	v39 =	vld [tilespmem:s15+$0x80]  }
0x13e: {  	[tilespmem:$0x1FF70] =	vst v0;
	v0 =	vld [tilespmem:s9+$0x8080]  }
0x13f: {  	s16 =	sor.u32 $0x2400, s8;
	v37 =	vld [tilespmem:s15+$0x8080]  }
0x140: {  	v36 =	vld [tilespmem:s16+$0x80]  }
0x141: {  	v19 =	vld [tilespmem:s16+$0x8080]  }
0x142: {  	v4 =	vsub.f32 v3, v4;
	s9 =	sor.u32 $0x2C10, s8;
	v3 =	vld [tilespmem:$0x1FF70]  }
0x143: {  	[tilespmem:$0x1FF80] =	vst v0;
	v0 =	vld [tilespmem:s9+$0x80]  }
0x144: {  	v9 =	vadd.f32 v12, v5;
	s15 =	sor.u32 $0x2410, s8;
	v5 =	vld [tilespmem:$0x1FF80]  }
0x145: {  	v27 =	vld [tilespmem:s15+$0x80]  }
0x146: {  	v2 =	vld [tilespmem:s15+$0x8080];
	s16 =	sor.u32 $0x2420, s8  }
0x147: {  	v1 =	vld [tilespmem:s16+$0x80]  }
0x148: {  	[tilespmem:$0x1FFB0] =	vst v0;
	v0 =	vld [tilespmem:s9+$0x8080]  }
0x149: {  	v11 =	vmul.f32 v14, v14;
	v17 =	vsub.f32 v3, v5;
	v3 =	vld [tilespmem:$0x1FF90]  }
0x14a: {  	v5 =	vld [tilespmem:$0x1FFA0]  }
0x14b: {  	v10 =	vadd.f32 v11, v6;
	v11 =	vsub.f32 v51, v48;
	v48 =	vld [tilespmem:s6+$0xA080];
	s9 =	sor.u32 $0x2C30, s8  }
0x14c: {  	v57 =	vld [tilespmem:s9+$0x80]  }
0x14d: {  	s8 =	sor.u32 $0x2430, s8;
	v52 =	vld [tilespmem:s9+$0x8080]  }
0x14e: {  	v21 =	vsub.f32 v63, v45;
	v22 =	vsub.f32 v50, v49;
	v28 =	vld [tilespmem:s8+$0x80]  }
0x14f: {  	v12 =	vsub.f32 v47, v46;
	[tilespmem:$0x1FFC0] =	vst v0;
	v3 =	vsub.f32 v3, v5;
	v5 =	vld [tilespmem:$0x1FFB0]  }
0x150: {  	v23 =	vsub.f32 v44, v53;
	v24 =	vsub.f32 v55, v58;
	v6 =	vld [tilespmem:$0x1FFC0]  }
0x151: {  	v14 =	vsub.f32 v59, v60;
	v30 =	vsub.f32 v42, v41;
	v0 =	vld [tilespmem:s16+$0x8080]  }
0x152: {  	v13 =	vsub.f32 v61, v43;
	v31 =	vsub.f32 v31, v62;
	v33 =	vld [tilespmem:s8+$0x8080]  }
0x153: {  	v46 =	vld [tilespmem:s6+$0x2090];
	v20 =	vsub.f32 v40, v20;
	v36 =	vsub.f32 v36, v19  }
0x154: {  	v58 =	vld [tilespmem:s6+$0xA0A0];
	v19 =	vsub.f32 v39, v37;
	v37 =	vsub.f32 v27, v2  }
0x155: {  	v18 =	vsub.f32 v5, v6;
	v5 =	vsub.f32 v57, v52;
	v57 =	vld [tilespmem:s6+$0xA090]  }
0x156: {  	s8 =	simm.s32 $0x200;
	v27 =	vsub.f32 v1, v0;
	v6 =	vsub.f32 v54, v56;
	v54 =	vld [tilespmem:s6+$0x20A0]  }
.LBB2_5:
0x157: {  	p1 =	sne.s32 s8, $0x1E00;
	v0 =	vld [tilespmem:s6+$0x20B0];
	v1 =	vsub.f32 v28, v33;
	v2 =	vmul.f32 v15, v15;
	v28 =	vmul.f32 v16, v16  }
0x158: {  	s9 =	sand.u32 $0xFFFFF000, s8;
	v29 =	vsub.f32 v29, v34;
	v34 =	vmul.f32 v17, v17;
	v39 =	vmul.f32 v18, v18;
	s0 =	sadd.s32 $0x80, s0;
	v33 =	vld [tilespmem:s6+$0xA0B0]  }
0x159: {  	v18 =	vsub.f32 v32, v35;
	v35 =	vmul.f32 v21, v21;
	v40 =	vmul.f32 v22, v22;
	s9 =	sadd.s32 s9, s0;
	v32 =	vld [tilespmem:s6+$0x20F0]  }
0x15a: {  	v21 =	vsub.f32 v38, v48;
	v38 =	vmul.f32 v23, v23;
	v41 =	vmul.f32 v24, v24;
	s15 =	sor.u32 $0x2C40, s9;
	v22 =	vld [tilespmem:s6+$0xA0F0]  }
0x15b: {  	v30 =	vmul.f32 v30, v30;
	v31 =	vmul.f32 v31, v31;
	v23 =	vsub.f32 v46, v57;
	v15 =	vld [tilespmem:s15+$0x80]  }
0x15c: {  	v36 =	vmul.f32 v36, v36;
	v37 =	vmul.f32 v37, v37;
	s6 =	sor.u32 $0x2C50, s9;
	v24 =	vsub.f32 v54, v58;
	v16 =	vld [tilespmem:s15+$0x8080]  }
0x15d: {  	v29 =	vmul.f32 v29, v29;
	v17 =	vld [tilespmem:s6+$0x80];
	v0 =	vsub.f32 v0, v33;
	v33 =	vmul.f32 v18, v18  }
0x15e: {  	v25 =	vsub.f32 v25, v26;
	v42 =	vmul.f32 v21, v21;
	v23 =	vmul.f32 v23, v23;
	v18 =	vld [tilespmem:s6+$0x8080];
	s6 =	sor.u32 $0x2C60, s9  }
0x15f: {  	v24 =	vmul.f32 v24, v24;
	v21 =	vld [tilespmem:s6+$0x80];
	v0 =	vmul.f32 v0, v0;
	v26 =	vsub.f32 v32, v22  }
0x160: {  	v10 =	vadd.f32 v42, v10;
	v9 =	vadd.f32 v23, v9;
	v32 =	vmul.f32 v25, v25;
	v22 =	vld [tilespmem:s6+$0x8080];
	s6 =	sor.u32 $0x2C70, s9  }
0x161: {  	v7 =	vadd.f32 v24, v7;
	v23 =	vld [tilespmem:s6+$0x80];
	v0 =	vadd.f32 v0, v8;
	v8 =	vmul.f32 v26, v26  }
0x162: {  	v27 =	vmul.f32 v27, v27;
	s15 =	sor.u32 $0x2C00, s9;
	v10 =	vadd.f32 v29, v10;
	v9 =	vadd.f32 v33, v9;
	v24 =	vld [tilespmem:s6+$0x8080]  }
0x163: {  	v1 =	vmul.f32 v1, v1;
	v7 =	vadd.f32 v32, v7;
	v25 =	vld [tilespmem:s15+$0x80];
	v0 =	vadd.f32 v8, v0  }
0x164: {  	v9 =	vadd.f32 v37, v9;
	s6 =	sor.u32 $0x2C10, s9;
	v8 =	vadd.f32 v36, v10;
	v10 =	vmul.f32 v20, v20;
	v26 =	vld [tilespmem:s15+$0x8080]  }
0x165: {  	v7 =	vadd.f32 v27, v7;
	v20 =	vld [tilespmem:s6+$0x80];
	v0 =	vadd.f32 v1, v0;
	v1 =	vmul.f32 v19, v19  }
0x166: {  	v14 =	vmul.f32 v14, v14;
	v9 =	vadd.f32 v31, v9;
	v8 =	vadd.f32 v30, v8;
	v19 =	vld [tilespmem:s6+$0x8080];
	s6 =	sor.u32 $0x2C20, s9  }
0x167: {  	v7 =	vadd.f32 v10, v7;
	v27 =	vld [tilespmem:s6+$0x80];
	v0 =	vadd.f32 v1, v0;
	v1 =	vmul.f32 v13, v13  }
0x168: {  	s15 =	sor.u32 $0x2C30, s9;
	v9 =	vadd.f32 v41, v9;
	v10 =	vmul.f32 v12, v12;
	v8 =	vadd.f32 v38, v8;
	v13 =	vld [tilespmem:s6+$0x8080]  }
0x169: {  	s16 =	sand.u32 $0x380, s0;
	v7 =	vadd.f32 v14, v7;
	s6 =	sand.u32 $0x1000, s8;
	v12 =	vld [tilespmem:s15+$0x80];
	v0 =	vadd.f32 v1, v0;
	v1 =	vmul.f32 v11, v11  }
0x16a: {  	v6 =	vmul.f32 v6, v6;
	v9 =	vadd.f32 v40, v9;
	s6 =	sor.u32 s16, s6;
	v8 =	vadd.f32 v35, v8;
	v11 =	vld [tilespmem:s15+$0x8080]  }
0x16b: {  	v7 =	vadd.f32 v10, v7;
	v14 =	vld [tilespmem:s6+$0x28C0];
	v0 =	vadd.f32 v1, v0;
	v1 =	vmul.f32 v5, v5  }
0x16c: {  	v4 =	vmul.f32 v4, v4;
	v9 =	vadd.f32 v39, v9;
	v8 =	vadd.f32 v34, v8;
	v5 =	vld [tilespmem:s6+$0xA8C0]  }
0x16d: {  	v6 =	vadd.f32 v6, v7;
	v30 =	vld [tilespmem:s6+$0x28D0];
	v0 =	vadd.f32 v1, v0;
	v1 =	vmul.f32 v3, v3  }
0x16e: {  	v9 =	vadd.f32 v28, v9;
	v10 =	vadd.f32 v2, v8;
	v31 =	vld [tilespmem:s6+$0xA8D0]  }
0x16f: {  	v7 =	vadd.f32 v4, v6;
	v2 =	vld [tilespmem:s6+$0x28E0];
	v8 =	vadd.f32 v1, v0  }
0x170: {  	v0 =	vld [tilespmem:s6+$0xA8E0]  }
0x171: {  	v1 =	vld [tilespmem:s6+$0x28F0]  }
0x172: {  	v36 =	vld [tilespmem:s6+$0xA8F0]  }
0x173: {  	v37 =	vld [tilespmem:s6+$0x2880]  }
0x174: {  	v39 =	vld [tilespmem:s6+$0xA880]  }
0x175: {  	v40 =	vld [tilespmem:s6+$0x2890]  }
0x176: {  	v41 =	vld [tilespmem:s6+$0xA890]  }
0x177: {  	v42 =	vld [tilespmem:s6+$0x28A0]  }
0x178: {  	v43 =	vld [tilespmem:s6+$0xA8A0]  }
0x179: {  	v44 =	vld [tilespmem:s6+$0x28B0]  }
0x17a: {  	s15 =	sor.u32 $0x2440, s9;
	v45 =	vld [tilespmem:s6+$0xA8B0]  }
0x17b: {  	v47 =	vld [tilespmem:s15+$0x80]  }
0x17c: {  	v49 =	vld [tilespmem:s15+$0x8080];
	s15 =	sor.u32 $0x2450, s9  }
0x17d: {  	v50 =	vld [tilespmem:s15+$0x80]  }
0x17e: {  	v51 =	vld [tilespmem:s15+$0x8080];
	s15 =	sor.u32 $0x2460, s9  }
0x17f: {  	v52 =	vld [tilespmem:s15+$0x80]  }
0x180: {  	v53 =	vld [tilespmem:s15+$0x8080];
	s15 =	sor.u32 $0x2470, s9  }
0x181: {  	v55 =	vld [tilespmem:s15+$0x80]  }
0x182: {  	s16 =	sor.u32 $0x2400, s9;
	v56 =	vld [tilespmem:s15+$0x8080]  }
0x183: {  	v58 =	vld [tilespmem:s16+$0x80]  }
0x184: {  	s15 =	sor.u32 $0x2410, s9;
	v59 =	vld [tilespmem:s16+$0x8080]  }
0x185: {  	v60 =	vld [tilespmem:s15+$0x80]  }
0x186: {  	v61 =	vld [tilespmem:s15+$0x8080];
	s15 =	sor.u32 $0x2420, s9  }
0x187: {  	v62 =	vld [tilespmem:s15+$0x80]  }
0x188: {  	s9 =	sor.u32 $0x2430, s9;
	v63 =	vld [tilespmem:s15+$0x8080]  }
0x189: {  	v28 =	vld [tilespmem:s9+$0x80]  }
0x18a: {  	v33 =	vld [tilespmem:s9+$0x8080]  }
0x18b: {  	v15 =	vsub.f32 v15, v16;
	v29 =	vld [tilespmem:s6+$0x20C0]  }
0x18c: {  	v16 =	vsub.f32 v17, v18;
	v4 =	vsub.f32 v21, v22;
	v34 =	vld [tilespmem:s6+$0xA0C0]  }
0x18d: {  	v17 =	vsub.f32 v25, v26;
	v3 =	vsub.f32 v23, v24;
	v32 =	vld [tilespmem:s6+$0x20D0]  }
0x18e: {  	v18 =	vsub.f32 v20, v19;
	v6 =	vsub.f32 v27, v13;
	v35 =	vld [tilespmem:s6+$0xA0D0]  }
0x18f: {  	v21 =	vsub.f32 v14, v5;
	v5 =	vsub.f32 v12, v11;
	v25 =	vld [tilespmem:s6+$0x20E0]  }
0x190: {  	v22 =	vsub.f32 v30, v31;
	v12 =	vsub.f32 v2, v0;
	v26 =	vld [tilespmem:s6+$0xA0E0]  }
0x191: {  	v11 =	vsub.f32 v1, v36;
	v23 =	vsub.f32 v37, v39;
	v38 =	vld [tilespmem:s6+$0x2080]  }
.Ltmp1:
0x192: {  	v24 =	vsub.f32 v40, v41;
	v14 =	vsub.f32 v42, v43;
	v48 =	vld [tilespmem:s6+$0xA080];
	(pc) =	sbr.rel @p1 .LBB2_5-.Ltmp1, $4  }
0x193: {  	v13 =	vsub.f32 v44, v45;
	v30 =	vsub.f32 v47, v49;
	v46 =	vld [tilespmem:s6+$0x2090]  }
0x194: {  	v31 =	vsub.f32 v50, v51;
	v20 =	vsub.f32 v52, v53;
	v57 =	vld [tilespmem:s6+$0xA090]  }
0x195: {  	v19 =	vsub.f32 v55, v56;
	v36 =	vsub.f32 v58, v59;
	v54 =	vld [tilespmem:s6+$0x20A0]  }
0x196: {  	s8 =	sadd.s32 $0x200, s8;
	v37 =	vsub.f32 v60, v61;
	v27 =	vsub.f32 v62, v63;
	v58 =	vld [tilespmem:s6+$0xA0A0]  }
0x197: {  	v0 =	vld @p0 [tilespmem:$0x50];
	_ =	sdelay $0x4  }
0x198: {  	v1 =	vshll.u32 @p0 v0, $0x2  }
0x199: {  	v2 =	vlaneseq.u32 @p0;
	v0 =	vand.u32 @p0 $0x7, v0;
	v1 =	vand.u32 @p0 $0xFFFFFFE0, v1  }
0x19a: {  	v39 =	vshrl.u32 @p0 v2, $0x3;
	v0 =	vor.u32 @p0 v0, v1;
	v1 =	vand.u32 @p0 $0x7, v2  }
0x19b: {  	v39 =	vmul.u32 @p0 $0x8, v39;
	v1 =	vperm.xlane @p0 v0, v1;
	_ =	sdelay $0x1  }
0x19c: {  	v1 =	vadd.s32 @p0 v39, v1  }
0x19d: {  	v59 =	vld [tilespmem:s6+$0x20B0];
	v2 =	vor.u32 @p0 $0x8, v2  }
0x19e: {  	v60 =	vld [tilespmem:s6+$0xA0B0];
	v0 =	vperm.xlane @p0 v0, v2  }
0x19f: {  	v61 =	vld [tilespmem:s6+$0xA0F0]  }
0x1a0: {  	s0 =	simm.s32 @p0 $0x0;
	v2 =	vld [tilespmem:s6+$0x20F0];
	s6 =	simm.s32 @p0 $0xA080;
	v0 =	vadd.s32 @p0 v39, v0  }
0x1a1: {  	[tilespmem:s6], [sflag:$0x6] =	stream.indirect_vreg.gather @p0 [hbm4b:s2+s0], $0x80, v1, vm1, $0xb8;
	[tilespmem:$0x10100] =	vst v63  }
0x1a2: {  	s6 =	simm.s32 @p0 $0xA880  }
0x1a3: {  	[tilespmem:s6], [sflag:$0x6] =	stream.indirect_vreg.gather @p0 [hbm4b:s7+s0], $0x80, v1, vm1, $0xb8;
	[tilespmem:$0x10100] =	vst v63  }
0x1a4: {  	s6 =	simm.s32 @p0 $0xB080  }
0x1a5: {  	[tilespmem:s6], [sflag:$0x6] =	stream.indirect_vreg.gather @p0 [hbm4b:s2+s0], $0x80, v0, vm1, $0xb8;
	[tilespmem:$0x10100] =	vst v63  }
0x1a6: {  	s6 =	simm.s32 @p0 $0xB880  }
0x1a7: {  	[tilespmem:s6], [sflag:$0x6] =	stream.indirect_vreg.gather @p0 [hbm4b:s7+s0], $0x80, v0, vm1, $0xb8;
	[tilespmem:$0x10100] =	vst v63  }
0x1a8: {  	s6 =	simm.s32 @p0 $0x2080  }
0x1a9: {  	[tilespmem:s6], [sflag:$0x2] =	stream.linear.gather @p0 [hbm4b:s12+s0], $0x2000, $0x38;
	[tilespmem:$0x10100] =	vst v63  }
0x1aa: {  	_ =	swait.ge [sflag:s28], $0x2000  }
0x1ab: {  	[sflag:s28] =	ssyncset.done $0x0  }
0x1ac: {  	s0 =	simm.s32 $0x0;
	[sflag:s28] =	ssyncadd.s32 $0xFFFFE000  }
0x1ad: {  	s8 =	sand.u32 $0xFFFFF000, s0;
	_ =	swait.ge [sflag:s29], $0x2000  }
0x1ae: {  	s8 =	sadd.s32 $0x0, s8;
	[sflag:s29] =	ssyncset.done $0x0  }
0x1af: {  	s6 =	sor.u32 $0x4C40, s8;
	[sflag:s29] =	ssyncadd.s32 $0xFFFFE000  }
0x1b0: {  	v28 =	vsub.f32 v28, v33;
	v40 =	vsub.f32 v38, v48;
	v20 =	vmul.f32 v20, v20;
	v0 =	vld [tilespmem:s6+$0x80]  }
0x1b1: {  	v29 =	vsub.f32 v29, v34;
	v19 =	vmul.f32 v19, v19;
	v14 =	vmul.f32 v14, v14  }
0x1b2: {  	v32 =	vsub.f32 v32, v35;
	v13 =	vmul.f32 v13, v13;
	v11 =	vmul.f32 v11, v11  }
0x1b3: {  	v25 =	vsub.f32 v25, v26;
	v5 =	vmul.f32 v5, v5;
	v27 =	vmul.f32 v27, v27  }
0x1b4: {  	v41 =	vsub.f32 v46, v57;
	v33 =	vmul.f32 v40, v40;
	v43 =	vsub.f32 v59, v60  }
0x1b5: {  	v29 =	vmul.f32 v29, v29;
	v32 =	vmul.f32 v32, v32;
	v42 =	vsub.f32 v54, v58;
	[tilespmem:$0x1FE50] =	vst v0;
	v0 =	vld [tilespmem:s6+$0x8080]  }
0x1b6: {  	v25 =	vmul.f32 v25, v25;
	v44 =	vmul.f32 v43, v43;
	v2 =	vsub.f32 v2, v61  }
0x1b7: {  	v34 =	vmul.f32 v41, v41;
	v26 =	vmul.f32 v42, v42  }
0x1b8: {  	v10 =	vadd.f32 v33, v10;
	v8 =	vadd.f32 v44, v8;
	v2 =	vmul.f32 v2, v2  }
0x1b9: {  	v28 =	vmul.f32 v28, v28;
	v9 =	vadd.f32 v34, v9;
	v7 =	vadd.f32 v26, v7;
	s9 =	sor.u32 $0x4C50, s8  }
0x1ba: {  	v10 =	vadd.f32 v29, v10;
	v26 =	vmul.f32 v36, v36;
	v2 =	vadd.f32 v2, v8;
	[tilespmem:$0x1FE60] =	vst v0;
	v0 =	vld [tilespmem:s9+$0x80]  }
0x1bb: {  	v9 =	vadd.f32 v32, v9;
	v7 =	vadd.f32 v25, v7;
	v25 =	vmul.f32 v37, v37  }
0x1bc: {  	v10 =	vadd.f32 v26, v10;
	v8 =	vmul.f32 v30, v30;
	v2 =	vadd.f32 v28, v2  }
0x1bd: {  	v9 =	vadd.f32 v25, v9;
	v25 =	vmul.f32 v31, v31;
	v7 =	vadd.f32 v27, v7  }
0x1be: {  	v8 =	vadd.f32 v8, v10;
	v10 =	vmul.f32 v23, v23;
	v2 =	vadd.f32 v19, v2  }
0x1bf: {  	v9 =	vadd.f32 v25, v9;
	v7 =	vadd.f32 v20, v7;
	v23 =	vmul.f32 v24, v24;
	[tilespmem:$0x1FE70] =	vst v0;
	v0 =	vld [tilespmem:s9+$0x8080]  }
0x1c0: {  	v8 =	vadd.f32 v10, v8;
	v10 =	vmul.f32 v21, v21;
	v2 =	vadd.f32 v13, v2  }
0x1c1: {  	v7 =	vadd.f32 v14, v7;
	v14 =	vmul.f32 v22, v22;
	v9 =	vadd.f32 v23, v9  }
0x1c2: {  	v13 =	vmul.f32 v17, v17;
	v8 =	vadd.f32 v10, v8;
	v2 =	vadd.f32 v11, v2  }
0x1c3: {  	v3 =	vmul.f32 v3, v3;
	v9 =	vadd.f32 v14, v9;
	v10 =	vmul.f32 v18, v18;
	s15 =	sor.u32 $0x4C60, s8  }
0x1c4: {  	v8 =	vadd.f32 v13, v8;
	v11 =	vmul.f32 v15, v15;
	v2 =	vadd.f32 v5, v2;
	[tilespmem:$0x1FE80] =	vst v0;
	v0 =	vld [tilespmem:s15+$0x80]  }
0x1c5: {  	v9 =	vadd.f32 v10, v9  }
0x1c6: {  	v10 =	vadd.f32 v11, v8;
	v8 =	vadd.f32 v3, v2;
	v2 =	vld [tilespmem:$0x1FE50]  }
0x1c7: {  	v3 =	vld [tilespmem:$0x1FE60];
	_ =	sdelay $0x1  }
0x1c8: {  	[tilespmem:$0x1FE90] =	vst v0;
	v0 =	vld [tilespmem:s15+$0x8080];
	_ =	sdelay $0x2  }
0x1c9: {  	v15 =	vsub.f32 v2, v3;
	v2 =	vld [tilespmem:$0x1FE70]  }
0x1ca: {  	s16 =	sor.u32 $0x4C70, s8;
	v3 =	vld [tilespmem:$0x1FE80]  }
0x1cb: {  	[tilespmem:$0x1FEA0] =	vst v0;
	v0 =	vld [tilespmem:s16+$0x80]  }
0x1cc: {  	s15 =	sor.u32 $0x4C20, s8  }
0x1cd: {  	v12 =	vmul.f32 v12, v12;
	v53 =	vld [tilespmem:s15+$0x80]  }
0x1ce: {  	v55 =	vld [tilespmem:s15+$0x8080]  }
0x1cf: {  	v7 =	vadd.f32 v12, v7;
	v12 =	vmul.f32 v16, v16;
	v16 =	vsub.f32 v2, v3;
	v2 =	vld [tilespmem:$0x1FE90]  }
0x1d0: {  	s15 =	sand.u32 $0x380, s0;
	[tilespmem:$0x1FED0] =	vst v0;
	v0 =	vld [tilespmem:s16+$0x8080];
	s16 =	sand.u32 $0x1000, s0  }
0x1d1: {  	v3 =	vld [tilespmem:$0x1FEA0];
	s6 =	sor.u32 s15, s16  }
0x1d2: {  	v49 =	vld [tilespmem:s6+$0x48C0]  }
0x1d3: {  	v62 =	vld [tilespmem:s6+$0xC8C0]  }
0x1d4: {  	v63 =	vld [tilespmem:s6+$0x48D0]  }
0x1d5: {  	v47 =	vld [tilespmem:s6+$0xC8D0]  }
0x1d6: {  	v50 =	vld [tilespmem:s6+$0x48E0]  }
0x1d7: {  	v45 =	vld [tilespmem:s6+$0xC8E0]  }
0x1d8: {  	v51 =	vld [tilespmem:s6+$0x48F0]  }
0x1d9: {  	v48 =	vld [tilespmem:s6+$0xC8F0]  }
0x1da: {  	v46 =	vld [tilespmem:s6+$0x4880]  }
0x1db: {  	v54 =	vld [tilespmem:s6+$0xC880]  }
0x1dc: {  	v57 =	vld [tilespmem:s6+$0x4890]  }
0x1dd: {  	v58 =	vld [tilespmem:s6+$0xC890]  }
0x1de: {  	v59 =	vld [tilespmem:s6+$0x48A0]  }
0x1df: {  	v60 =	vld [tilespmem:s6+$0xC8A0]  }
0x1e0: {  	v61 =	vld [tilespmem:s6+$0x48B0]  }
0x1e1: {  	s16 =	sor.u32 $0x4440, s8;
	v44 =	vld [tilespmem:s6+$0xC8B0]  }
0x1e2: {  	v43 =	vld [tilespmem:s16+$0x80]  }
0x1e3: {  	s15 =	sor.u32 $0x4450, s8;
	v30 =	vld [tilespmem:s16+$0x8080]  }
0x1e4: {  	v42 =	vld [tilespmem:s15+$0x80]  }
0x1e5: {  	v31 =	vld [tilespmem:s15+$0x8080]  }
0x1e6: {  	v29 =	vld [tilespmem:s6+$0x40C0]  }
0x1e7: {  	v34 =	vld [tilespmem:s6+$0xC0C0]  }
0x1e8: {  	v32 =	vld [tilespmem:s6+$0x40D0]  }
0x1e9: {  	v35 =	vld [tilespmem:s6+$0xC0D0]  }
0x1ea: {  	v25 =	vld [tilespmem:s6+$0x40E0]  }
0x1eb: {  	v26 =	vld [tilespmem:s6+$0xC0E0]  }
0x1ec: {  	s9 =	sor.u32 $0x4C00, s8;
	v38 =	vld [tilespmem:s6+$0x4080]  }
0x1ed: {  	s16 =	sor.u32 $0x4460, s8;
	[tilespmem:$0x1FEE0] =	vst v0;
	v0 =	vld [tilespmem:s9+$0x80]  }
0x1ee: {  	v41 =	vld [tilespmem:s16+$0x80]  }
0x1ef: {  	s15 =	sor.u32 $0x4470, s8;
	v20 =	vld [tilespmem:s16+$0x8080]  }
0x1f0: {  	v40 =	vld [tilespmem:s15+$0x80]  }
0x1f1: {  	v39 =	vld [tilespmem:s15+$0x8080]  }
0x1f2: {  	v6 =	vmul.f32 v6, v6;
	s16 =	sor.u32 $0x4400, s8;
	[tilespmem:$0x1FEB0] =	vst v0;
	v0 =	vld [tilespmem:s9+$0x8080]  }
0x1f3: {  	v36 =	vld [tilespmem:s16+$0x80]  }
0x1f4: {  	v4 =	vmul.f32 v4, v4;
	v6 =	vadd.f32 v6, v7;
	s15 =	sor.u32 $0x4410, s8;
	v19 =	vld [tilespmem:s16+$0x8080]  }
0x1f5: {  	v37 =	vld [tilespmem:s15+$0x80]  }
0x1f6: {  	v7 =	vadd.f32 v4, v6;
	v4 =	vsub.f32 v2, v3;
	s9 =	sor.u32 $0x4C10, s8;
	v2 =	vld [tilespmem:$0x1FEB0]  }
0x1f7: {  	[tilespmem:$0x1FEC0] =	vst v0;
	v0 =	vld [tilespmem:s9+$0x80]  }
0x1f8: {  	v3 =	vld [tilespmem:$0x1FEC0]  }
0x1f9: {  	v27 =	vld [tilespmem:s15+$0x8080];
	s16 =	sor.u32 $0x4420, s8  }
0x1fa: {  	v1 =	vld [tilespmem:s16+$0x80]  }
0x1fb: {  	v11 =	vsub.f32 v51, v48;
	v48 =	vld [tilespmem:s6+$0xC080]  }
0x1fc: {  	[tilespmem:$0x1FEF0] =	vst v0;
	v0 =	vld [tilespmem:s9+$0x8080]  }
0x1fd: {  	v17 =	vsub.f32 v2, v3;
	v2 =	vld [tilespmem:$0x1FED0]  }
0x1fe: {  	s9 =	sor.u32 $0x4C30, s8;
	v3 =	vld [tilespmem:$0x1FEE0]  }
0x1ff: {  	v56 =	vld [tilespmem:s9+$0x80]  }
0x200: {  	v9 =	vadd.f32 v12, v9;
	s8 =	sor.u32 $0x4430, s8;
	v52 =	vld [tilespmem:s9+$0x8080]  }
0x201: {  	v6 =	vsub.f32 v53, v55;
	v21 =	vsub.f32 v49, v62;
	v28 =	vld [tilespmem:s8+$0x80]  }
0x202: {  	v22 =	vsub.f32 v63, v47;
	v12 =	vsub.f32 v50, v45;
	[tilespmem:$0x1FF00] =	vst v0;
	v0 =	vld [tilespmem:s16+$0x8080]  }
0x203: {  	v23 =	vsub.f32 v46, v54;
	v3 =	vsub.f32 v2, v3;
	v2 =	vld [tilespmem:$0x1FEF0]  }
0x204: {  	v24 =	vsub.f32 v57, v58;
	v14 =	vsub.f32 v59, v60;
	v5 =	vld [tilespmem:$0x1FF00]  }
0x205: {  	v30 =	vsub.f32 v43, v30;
	v13 =	vsub.f32 v61, v44;
	v33 =	vld [tilespmem:s8+$0x8080]  }
0x206: {  	v46 =	vld [tilespmem:s6+$0x4090];
	v31 =	vsub.f32 v42, v31;
	v20 =	vsub.f32 v41, v20  }
0x207: {  	v57 =	vld [tilespmem:s6+$0xC090];
	v36 =	vsub.f32 v36, v19;
	v19 =	vsub.f32 v40, v39  }
0x208: {  	v54 =	vld [tilespmem:s6+$0x40A0];
	v37 =	vsub.f32 v37, v27;
	v27 =	vsub.f32 v1, v0  }
0x209: {  	v58 =	vld [tilespmem:s6+$0xC0A0];
	s8 =	simm.s32 $0x200;
	v18 =	vsub.f32 v2, v5;
	v5 =	vsub.f32 v56, v52  }
.LBB2_7:
0x20a: {  	p1 =	sne.s32 s8, $0x1E00;
	v0 =	vld [tilespmem:s6+$0x40B0];
	v1 =	vsub.f32 v28, v33;
	v2 =	vmul.f32 v15, v15;
	v28 =	vmul.f32 v16, v16  }
0x20b: {  	s9 =	sand.u32 $0xFFFFF000, s8;
	v29 =	vsub.f32 v29, v34;
	v34 =	vmul.f32 v17, v17;
	v39 =	vmul.f32 v18, v18;
	s0 =	sadd.s32 $0x80, s0;
	v33 =	vld [tilespmem:s6+$0xC0B0]  }
0x20c: {  	v18 =	vsub.f32 v32, v35;
	v35 =	vmul.f32 v21, v21;
	v40 =	vmul.f32 v22, v22;
	s9 =	sadd.s32 s9, s0;
	v32 =	vld [tilespmem:s6+$0x40F0]  }
0x20d: {  	v21 =	vsub.f32 v38, v48;
	v38 =	vmul.f32 v23, v23;
	v41 =	vmul.f32 v24, v24;
	s15 =	sor.u32 $0x4C40, s9;
	v22 =	vld [tilespmem:s6+$0xC0F0]  }
0x20e: {  	v30 =	vmul.f32 v30, v30;
	v31 =	vmul.f32 v31, v31;
	v23 =	vsub.f32 v46, v57;
	v15 =	vld [tilespmem:s15+$0x80]  }
0x20f: {  	v36 =	vmul.f32 v36, v36;
	v37 =	vmul.f32 v37, v37;
	s6 =	sor.u32 $0x4C50, s9;
	v24 =	vsub.f32 v54, v58;
	v16 =	vld [tilespmem:s15+$0x8080]  }
0x210: {  	v29 =	vmul.f32 v29, v29;
	v17 =	vld [tilespmem:s6+$0x80];
	v0 =	vsub.f32 v0, v33;
	v33 =	vmul.f32 v18, v18  }
0x211: {  	v25 =	vsub.f32 v25, v26;
	v42 =	vmul.f32 v21, v21;
	v23 =	vmul.f32 v23, v23;
	v18 =	vld [tilespmem:s6+$0x8080];
	s6 =	sor.u32 $0x4C60, s9  }
0x212: {  	v24 =	vmul.f32 v24, v24;
	v21 =	vld [tilespmem:s6+$0x80];
	v0 =	vmul.f32 v0, v0;
	v26 =	vsub.f32 v32, v22  }
0x213: {  	v10 =	vadd.f32 v42, v10;
	v9 =	vadd.f32 v23, v9;
	v32 =	vmul.f32 v25, v25;
	v22 =	vld [tilespmem:s6+$0x8080];
	s6 =	sor.u32 $0x4C70, s9  }
0x214: {  	v7 =	vadd.f32 v24, v7;
	v23 =	vld [tilespmem:s6+$0x80];
	v0 =	vadd.f32 v0, v8;
	v8 =	vmul.f32 v26, v26  }
0x215: {  	v27 =	vmul.f32 v27, v27;
	s15 =	sor.u32 $0x4C00, s9;
	v10 =	vadd.f32 v29, v10;
	v9 =	vadd.f32 v33, v9;
	v24 =	vld [tilespmem:s6+$0x8080]  }
0x216: {  	v1 =	vmul.f32 v1, v1;
	v7 =	vadd.f32 v32, v7;
	v25 =	vld [tilespmem:s15+$0x80];
	v0 =	vadd.f32 v8, v0  }
0x217: {  	v9 =	vadd.f32 v37, v9;
	s6 =	sor.u32 $0x4C10, s9;
	v8 =	vadd.f32 v36, v10;
	v10 =	vmul.f32 v20, v20;
	v26 =	vld [tilespmem:s15+$0x8080]  }
0x218: {  	v7 =	vadd.f32 v27, v7;
	v20 =	vld [tilespmem:s6+$0x80];
	v0 =	vadd.f32 v1, v0;
	v1 =	vmul.f32 v19, v19  }
0x219: {  	v14 =	vmul.f32 v14, v14;
	v9 =	vadd.f32 v31, v9;
	v8 =	vadd.f32 v30, v8;
	v19 =	vld [tilespmem:s6+$0x8080];
	s6 =	sor.u32 $0x4C20, s9  }
0x21a: {  	v7 =	vadd.f32 v10, v7;
	v27 =	vld [tilespmem:s6+$0x80];
	v0 =	vadd.f32 v1, v0;
	v1 =	vmul.f32 v13, v13  }
0x21b: {  	s15 =	sor.u32 $0x4C30, s9;
	v9 =	vadd.f32 v41, v9;
	v10 =	vmul.f32 v12, v12;
	v8 =	vadd.f32 v38, v8;
	v13 =	vld [tilespmem:s6+$0x8080]  }
0x21c: {  	s16 =	sand.u32 $0x380, s0;
	v7 =	vadd.f32 v14, v7;
	s6 =	sand.u32 $0x1000, s8;
	v12 =	vld [tilespmem:s15+$0x80];
	v0 =	vadd.f32 v1, v0;
	v1 =	vmul.f32 v11, v11  }
0x21d: {  	v6 =	vmul.f32 v6, v6;
	v9 =	vadd.f32 v40, v9;
	s6 =	sor.u32 s16, s6;
	v8 =	vadd.f32 v35, v8;
	v11 =	vld [tilespmem:s15+$0x8080]  }
0x21e: {  	v7 =	vadd.f32 v10, v7;
	v14 =	vld [tilespmem:s6+$0x48C0];
	v0 =	vadd.f32 v1, v0;
	v1 =	vmul.f32 v5, v5  }
0x21f: {  	v4 =	vmul.f32 v4, v4;
	v9 =	vadd.f32 v39, v9;
	v8 =	vadd.f32 v34, v8;
	v5 =	vld [tilespmem:s6+$0xC8C0]  }
0x220: {  	v6 =	vadd.f32 v6, v7;
	v30 =	vld [tilespmem:s6+$0x48D0];
	v0 =	vadd.f32 v1, v0;
	v1 =	vmul.f32 v3, v3  }
0x221: {  	v9 =	vadd.f32 v28, v9;
	v10 =	vadd.f32 v2, v8;
	v31 =	vld [tilespmem:s6+$0xC8D0]  }
0x222: {  	v7 =	vadd.f32 v4, v6;
	v2 =	vld [tilespmem:s6+$0x48E0];
	v8 =	vadd.f32 v1, v0  }
0x223: {  	v0 =	vld [tilespmem:s6+$0xC8E0]  }
0x224: {  	v1 =	vld [tilespmem:s6+$0x48F0]  }
0x225: {  	v36 =	vld [tilespmem:s6+$0xC8F0]  }
0x226: {  	v37 =	vld [tilespmem:s6+$0x4880]  }
0x227: {  	v39 =	vld [tilespmem:s6+$0xC880]  }
0x228: {  	v40 =	vld [tilespmem:s6+$0x4890]  }
0x229: {  	v41 =	vld [tilespmem:s6+$0xC890]  }
0x22a: {  	v42 =	vld [tilespmem:s6+$0x48A0]  }
0x22b: {  	v43 =	vld [tilespmem:s6+$0xC8A0]  }
0x22c: {  	v44 =	vld [tilespmem:s6+$0x48B0]  }
0x22d: {  	s15 =	sor.u32 $0x4440, s9;
	v45 =	vld [tilespmem:s6+$0xC8B0]  }
0x22e: {  	v47 =	vld [tilespmem:s15+$0x80]  }
0x22f: {  	v49 =	vld [tilespmem:s15+$0x8080];
	s15 =	sor.u32 $0x4450, s9  }
0x230: {  	v50 =	vld [tilespmem:s15+$0x80]  }
0x231: {  	v51 =	vld [tilespmem:s15+$0x8080];
	s15 =	sor.u32 $0x4460, s9  }
0x232: {  	v52 =	vld [tilespmem:s15+$0x80]  }
0x233: {  	v53 =	vld [tilespmem:s15+$0x8080];
	s15 =	sor.u32 $0x4470, s9  }
0x234: {  	v55 =	vld [tilespmem:s15+$0x80]  }
0x235: {  	s16 =	sor.u32 $0x4400, s9;
	v56 =	vld [tilespmem:s15+$0x8080]  }
0x236: {  	v58 =	vld [tilespmem:s16+$0x80]  }
0x237: {  	s15 =	sor.u32 $0x4410, s9;
	v59 =	vld [tilespmem:s16+$0x8080]  }
0x238: {  	v60 =	vld [tilespmem:s15+$0x80]  }
0x239: {  	v61 =	vld [tilespmem:s15+$0x8080];
	s15 =	sor.u32 $0x4420, s9  }
0x23a: {  	v62 =	vld [tilespmem:s15+$0x80]  }
0x23b: {  	s9 =	sor.u32 $0x4430, s9;
	v63 =	vld [tilespmem:s15+$0x8080]  }
0x23c: {  	v28 =	vld [tilespmem:s9+$0x80]  }
0x23d: {  	v33 =	vld [tilespmem:s9+$0x8080]  }
0x23e: {  	v15 =	vsub.f32 v15, v16;
	v29 =	vld [tilespmem:s6+$0x40C0]  }
0x23f: {  	v16 =	vsub.f32 v17, v18;
	v4 =	vsub.f32 v21, v22;
	v34 =	vld [tilespmem:s6+$0xC0C0]  }
0x240: {  	v17 =	vsub.f32 v25, v26;
	v3 =	vsub.f32 v23, v24;
	v32 =	vld [tilespmem:s6+$0x40D0]  }
0x241: {  	v18 =	vsub.f32 v20, v19;
	v6 =	vsub.f32 v27, v13;
	v35 =	vld [tilespmem:s6+$0xC0D0]  }
0x242: {  	v21 =	vsub.f32 v14, v5;
	v5 =	vsub.f32 v12, v11;
	v25 =	vld [tilespmem:s6+$0x40E0]  }
0x243: {  	v22 =	vsub.f32 v30, v31;
	v12 =	vsub.f32 v2, v0;
	v26 =	vld [tilespmem:s6+$0xC0E0]  }
0x244: {  	v11 =	vsub.f32 v1, v36;
	v23 =	vsub.f32 v37, v39;
	v38 =	vld [tilespmem:s6+$0x4080]  }
.Ltmp2:
0x245: {  	v24 =	vsub.f32 v40, v41;
	v14 =	vsub.f32 v42, v43;
	v48 =	vld [tilespmem:s6+$0xC080];
	(pc) =	sbr.rel @p1 .LBB2_7-.Ltmp2, $4  }
0x246: {  	v13 =	vsub.f32 v44, v45;
	v30 =	vsub.f32 v47, v49;
	v46 =	vld [tilespmem:s6+$0x4090]  }
0x247: {  	v31 =	vsub.f32 v50, v51;
	v20 =	vsub.f32 v52, v53;
	v57 =	vld [tilespmem:s6+$0xC090]  }
0x248: {  	v19 =	vsub.f32 v55, v56;
	v36 =	vsub.f32 v58, v59;
	v54 =	vld [tilespmem:s6+$0x40A0]  }
0x249: {  	s8 =	sadd.s32 $0x200, s8;
	v37 =	vsub.f32 v60, v61;
	v27 =	vsub.f32 v62, v63;
	v58 =	vld [tilespmem:s6+$0xC0A0]  }
0x24a: {  	v0 =	vld @p0 [tilespmem:$0x60];
	_ =	sdelay $0x4  }
0x24b: {  	v1 =	vshll.u32 @p0 v0, $0x2  }
0x24c: {  	v2 =	vlaneseq.u32 @p0;
	v0 =	vand.u32 @p0 $0x7, v0;
	v1 =	vand.u32 @p0 $0xFFFFFFE0, v1  }
0x24d: {  	v39 =	vshrl.u32 @p0 v2, $0x3;
	v0 =	vor.u32 @p0 v0, v1;
	v1 =	vand.u32 @p0 $0x7, v2  }
0x24e: {  	v39 =	vmul.u32 @p0 $0x8, v39;
	v1 =	vperm.xlane @p0 v0, v1;
	_ =	sdelay $0x1  }
0x24f: {  	v1 =	vadd.s32 @p0 v39, v1  }
0x250: {  	v59 =	vld [tilespmem:s6+$0x40B0];
	v2 =	vor.u32 @p0 $0x8, v2  }
0x251: {  	v60 =	vld [tilespmem:s6+$0xC0B0];
	v0 =	vperm.xlane @p0 v0, v2  }
0x252: {  	v61 =	vld [tilespmem:s6+$0xC0F0]  }
0x253: {  	s0 =	simm.s32 @p0 $0x0;
	v2 =	vld [tilespmem:s6+$0x40F0];
	s6 =	simm.s32 @p0 $0xC080;
	v0 =	vadd.s32 @p0 v39, v0  }
0x254: {  	[tilespmem:s6], [sflag:$0x7] =	stream.indirect_vreg.gather @p0 [hbm4b:s2+s0], $0x80, v1, vm1, $0xb8;
	[tilespmem:$0x10100] =	vst v63  }
0x255: {  	s6 =	simm.s32 @p0 $0xC880  }
0x256: {  	[tilespmem:s6], [sflag:$0x7] =	stream.indirect_vreg.gather @p0 [hbm4b:s7+s0], $0x80, v1, vm1, $0xb8;
	[tilespmem:$0x10100] =	vst v63  }
0x257: {  	s6 =	simm.s32 @p0 $0xD080  }
0x258: {  	[tilespmem:s6], [sflag:$0x7] =	stream.indirect_vreg.gather @p0 [hbm4b:s2+s0], $0x80, v0, vm1, $0xb8;
	[tilespmem:$0x10100] =	vst v63  }
0x259: {  	s6 =	simm.s32 @p0 $0xD880  }
0x25a: {  	[tilespmem:s6], [sflag:$0x7] =	stream.indirect_vreg.gather @p0 [hbm4b:s7+s0], $0x80, v0, vm1, $0xb8;
	[tilespmem:$0x10100] =	vst v63  }
0x25b: {  	s6 =	simm.s32 @p0 $0x4080  }
0x25c: {  	[tilespmem:s6], [sflag:$0x3] =	stream.linear.gather @p0 [hbm4b:s13+s0], $0x2000, $0x38;
	[tilespmem:$0x10100] =	vst v63  }
0x25d: {  	_ =	swait.ge [sflag:s30], $0x2000  }
0x25e: {  	[sflag:s30] =	ssyncset.done $0x0  }
0x25f: {  	s0 =	simm.s32 $0x0;
	[sflag:s30] =	ssyncadd.s32 $0xFFFFE000  }
0x260: {  	s8 =	sand.u32 $0xFFFFF000, s0;
	_ =	swait.ge [sflag:s31], $0x2000  }
0x261: {  	s8 =	sadd.s32 $0x0, s8;
	[sflag:s31] =	ssyncset.done $0x0  }
0x262: {  	s6 =	sor.u32 $0x6C40, s8;
	[sflag:s31] =	ssyncadd.s32 $0xFFFFE000  }
0x263: {  	v0 =	vld [tilespmem:s6+$0x80];
	_ =	sdelay $0x4  }
0x264: {  	[tilespmem:$0x1FD80] =	vst v0;
	v0 =	vld [tilespmem:s6+$0x8080];
	_ =	sdelay $0x3  }
0x265: {  	s9 =	sor.u32 $0x6C50, s8  }
0x266: {  	[tilespmem:$0x1FD90] =	vst v0;
	v0 =	vld [tilespmem:s9+$0x80];
	_ =	sdelay $0x2  }
0x267: {  	v44 =	vsub.f32 v54, v58;
	v60 =	vsub.f32 v59, v60  }
0x268: {  	v25 =	vsub.f32 v25, v26  }
0x269: {  	v26 =	vmul.f32 v44, v44;
	v2 =	vsub.f32 v2, v61;
	v61 =	vmul.f32 v60, v60;
	[tilespmem:$0x1FDA0] =	vst v0;
	v0 =	vld [tilespmem:s9+$0x8080]  }
0x26a: {  	v28 =	vsub.f32 v28, v33;
	v25 =	vmul.f32 v25, v25  }
0x26b: {  	v7 =	vadd.f32 v26, v7;
	v8 =	vadd.f32 v61, v8;
	v2 =	vmul.f32 v2, v2  }
0x26c: {  	v27 =	vmul.f32 v27, v27  }
0x26d: {  	v28 =	vmul.f32 v28, v28;
	v7 =	vadd.f32 v25, v7;
	v2 =	vadd.f32 v2, v8;
	s15 =	sor.u32 $0x6C60, s8  }
0x26e: {  	v20 =	vmul.f32 v20, v20;
	[tilespmem:$0x1FDB0] =	vst v0;
	v0 =	vld [tilespmem:s15+$0x80]  }
0x26f: {  	v19 =	vmul.f32 v19, v19;
	v7 =	vadd.f32 v27, v7;
	v2 =	vadd.f32 v28, v2  }
0x270: {  	v14 =	vmul.f32 v14, v14  }
0x271: {  	v13 =	vmul.f32 v13, v13;
	v7 =	vadd.f32 v20, v7;
	v2 =	vadd.f32 v19, v2  }
0x272: {  	v12 =	vmul.f32 v12, v12  }
0x273: {  	v11 =	vmul.f32 v11, v11;
	v7 =	vadd.f32 v14, v7;
	v2 =	vadd.f32 v13, v2;
	[tilespmem:$0x1FDC0] =	vst v0;
	v0 =	vld [tilespmem:s15+$0x8080]  }
0x274: {  	v6 =	vmul.f32 v6, v6  }
0x275: {  	v5 =	vmul.f32 v5, v5;
	v7 =	vadd.f32 v12, v7;
	v2 =	vadd.f32 v11, v2  }
0x276: {  	v4 =	vmul.f32 v4, v4  }
0x277: {  	v3 =	vmul.f32 v3, v3;
	v7 =	vadd.f32 v6, v7;
	s16 =	sor.u32 $0x6C70, s8;
	v2 =	vadd.f32 v5, v2  }
0x278: {  	[tilespmem:$0x1FDD0] =	vst v0;
	v0 =	vld [tilespmem:s16+$0x80]  }
0x279: {  	v5 =	vadd.f32 v4, v7;
	v7 =	vadd.f32 v3, v2;
	v2 =	vld [tilespmem:$0x1FD80]  }
0x27a: {  	v3 =	vld [tilespmem:$0x1FD90];
	_ =	sdelay $0x2  }
0x27b: {  	v42 =	vsub.f32 v38, v48;
	[tilespmem:$0x1FE00] =	vst v0;
	v0 =	vld [tilespmem:s16+$0x8080]  }
0x27c: {  	v29 =	vsub.f32 v29, v34  }
0x27d: {  	v33 =	vmul.f32 v42, v42;
	v8 =	vmul.f32 v30, v30;
	v30 =	vsub.f32 v2, v3;
	v2 =	vld [tilespmem:$0x1FDA0]  }
0x27e: {  	v3 =	vld [tilespmem:$0x1FDB0]  }
0x27f: {  	v29 =	vmul.f32 v29, v29;
	v10 =	vadd.f32 v33, v10;
	s9 =	sor.u32 $0x6C00, s8  }
0x280: {  	[tilespmem:$0x1FE10] =	vst v0;
	v0 =	vld [tilespmem:s9+$0x80]  }
0x281: {  	v10 =	vadd.f32 v29, v10;
	v26 =	vmul.f32 v36, v36;
	_ =	sdelay $0x1  }
0x282: {  	v10 =	vadd.f32 v26, v10;
	v26 =	vmul.f32 v31, v31;
	v31 =	vsub.f32 v2, v3;
	v2 =	vld [tilespmem:$0x1FDC0]  }
0x283: {  	v3 =	vld [tilespmem:$0x1FDD0]  }
0x284: {  	v43 =	vsub.f32 v46, v57;
	[tilespmem:$0x1FDE0] =	vst v0;
	v0 =	vld [tilespmem:s9+$0x8080];
	_ =	sdelay $0x1  }
0x285: {  	v32 =	vsub.f32 v32, v35;
	v34 =	vmul.f32 v43, v43;
	_ =	sdelay $0x1  }
0x286: {  	v32 =	vmul.f32 v32, v32;
	v9 =	vadd.f32 v34, v9;
	v4 =	vsub.f32 v2, v3;
	s9 =	sor.u32 $0x6C10, s8;
	v2 =	vld [tilespmem:$0x1FDE0]  }
0x287: {  	[tilespmem:$0x1FDF0] =	vst v0;
	v0 =	vld [tilespmem:s9+$0x80]  }
0x288: {  	v29 =	vmul.f32 v37, v37;
	v9 =	vadd.f32 v32, v9;
	v3 =	vld [tilespmem:$0x1FDF0]  }
0x289: {  	v8 =	vadd.f32 v8, v10;
	v10 =	vmul.f32 v23, v23  }
0x28a: {  	v9 =	vadd.f32 v29, v9  }
0x28b: {  	v8 =	vadd.f32 v10, v8;
	v10 =	vmul.f32 v21, v21  }
0x28c: {  	v24 =	vmul.f32 v24, v24;
	v9 =	vadd.f32 v26, v9;
	[tilespmem:$0x1FE20] =	vst v0;
	v0 =	vld [tilespmem:s9+$0x8080]  }
0x28d: {  	v8 =	vadd.f32 v10, v8;
	v10 =	vmul.f32 v18, v18;
	v18 =	vsub.f32 v2, v3;
	v2 =	vld [tilespmem:$0x1FE00]  }
0x28e: {  	v9 =	vadd.f32 v24, v9;
	v14 =	vmul.f32 v22, v22;
	s15 =	sor.u32 $0x6C20, s8;
	v3 =	vld [tilespmem:$0x1FE10]  }
0x28f: {  	v13 =	vmul.f32 v17, v17;
	v55 =	vld [tilespmem:s15+$0x8080];
	s9 =	sor.u32 $0x6C30, s8  }
0x290: {  	v9 =	vadd.f32 v14, v9;
	v56 =	vld [tilespmem:s9+$0x80]  }
0x291: {  	v8 =	vadd.f32 v13, v8;
	v53 =	vld [tilespmem:s9+$0x8080]  }
0x292: {  	v11 =	vmul.f32 v15, v15;
	v9 =	vadd.f32 v10, v9;
	v10 =	vmul.f32 v16, v16;
	[tilespmem:$0x1FE30] =	vst v0;
	v0 =	vld [tilespmem:s15+$0x80]  }
0x293: {  	s16 =	sand.u32 $0x1000, s0;
	s15 =	sand.u32 $0x380, s0;
	v3 =	vsub.f32 v2, v3;
	v2 =	vld [tilespmem:$0x1FE20]  }
0x294: {  	v6 =	vadd.f32 v11, v8;
	v8 =	vadd.f32 v10, v9;
	s6 =	sor.u32 s15, s16;
	v9 =	vld [tilespmem:$0x1FE30]  }
0x295: {  	v49 =	vld [tilespmem:s6+$0x68C0]  }
0x296: {  	v62 =	vld [tilespmem:s6+$0xE8C0]  }
0x297: {  	v63 =	vld [tilespmem:s6+$0x68D0]  }
0x298: {  	v51 =	vld [tilespmem:s6+$0xE8D0]  }
0x299: {  	v50 =	vld [tilespmem:s6+$0x68E0]  }
0x29a: {  	v47 =	vld [tilespmem:s6+$0xE8E0]  }
0x29b: {  	v52 =	vld [tilespmem:s6+$0x68F0]  }
0x29c: {  	v45 =	vld [tilespmem:s6+$0xE8F0]  }
0x29d: {  	v46 =	vld [tilespmem:s6+$0x6880]  }
0x29e: {  	v48 =	vld [tilespmem:s6+$0xE880]  }
0x29f: {  	v57 =	vld [tilespmem:s6+$0x6890]  }
0x2a0: {  	v35 =	vld [tilespmem:s6+$0xE890]  }
0x2a1: {  	v54 =	vld [tilespmem:s6+$0x68A0]  }
0x2a2: {  	v58 =	vld [tilespmem:s6+$0xE8A0]  }
0x2a3: {  	v59 =	vld [tilespmem:s6+$0x68B0]  }
0x2a4: {  	s16 =	sor.u32 $0x6440, s8;
	v41 =	vld [tilespmem:s6+$0xE8B0]  }
0x2a5: {  	v36 =	vld [tilespmem:s16+$0x80]  }
0x2a6: {  	s15 =	sor.u32 $0x6450, s8;
	v60 =	vld [tilespmem:s16+$0x8080]  }
0x2a7: {  	v61 =	vld [tilespmem:s15+$0x80]  }
0x2a8: {  	v38 =	vld [tilespmem:s15+$0x8080]  }
0x2a9: {  	v27 =	vld [tilespmem:s6+$0x60C0]  }
0x2aa: {  	v16 =	vld [tilespmem:s6+$0xE0C0]  }
0x2ab: {  	v15 =	vld [tilespmem:s6+$0x60D0]  }
0x2ac: {  	v17 =	vld [tilespmem:s6+$0xE0D0]  }
0x2ad: {  	v19 =	vld [tilespmem:s6+$0x60E0]  }
0x2ae: {  	v20 =	vld [tilespmem:s6+$0xE0E0]  }
0x2af: {  	v33 =	vld [tilespmem:s6+$0x6080]  }
0x2b0: {  	s16 =	sor.u32 $0x6460, s8;
	v37 =	vld [tilespmem:s6+$0xE080]  }
0x2b1: {  	v39 =	vld [tilespmem:s16+$0x80]  }
0x2b2: {  	s15 =	sor.u32 $0x6470, s8;
	v23 =	vld [tilespmem:s16+$0x8080]  }
0x2b3: {  	v44 =	vld [tilespmem:s15+$0x80]  }
0x2b4: {  	s16 =	sor.u32 $0x6400, s8;
	v43 =	vld [tilespmem:s15+$0x8080]  }
0x2b5: {  	v40 =	vld [tilespmem:s16+$0x80]  }
0x2b6: {  	s15 =	sor.u32 $0x6410, s8;
	v22 =	vld [tilespmem:s16+$0x8080]  }
0x2b7: {  	v42 =	vld [tilespmem:s15+$0x80]  }
0x2b8: {  	v25 =	vld [tilespmem:s15+$0x8080];
	s16 =	sor.u32 $0x6420, s8  }
0x2b9: {  	v1 =	vld [tilespmem:s16+$0x80];
	v24 =	vsub.f32 v2, v9;
	v9 =	vsub.f32 v56, v53  }
0x2ba: {  	s8 =	sor.u32 $0x6430, s8;
	[tilespmem:$0x1FE40] =	vst v0;
	v0 =	vld [tilespmem:s16+$0x8080];
	v21 =	vsub.f32 v49, v62;
	v32 =	vsub.f32 v63, v51  }
0x2bb: {  	v28 =	vld [tilespmem:s8+$0x80];
	v12 =	vsub.f32 v50, v47;
	v26 =	vsub.f32 v46, v48  }
0x2bc: {  	v2 =	vld [tilespmem:$0x1FE40];
	v11 =	vsub.f32 v52, v45;
	v34 =	vsub.f32 v57, v35  }
0x2bd: {  	v29 =	vld [tilespmem:s8+$0x8080];
	v14 =	vsub.f32 v54, v58;
	v36 =	vsub.f32 v36, v60  }
0x2be: {  	v35 =	vld [tilespmem:s6+$0x6090];
	v13 =	vsub.f32 v59, v41;
	v38 =	vsub.f32 v61, v38  }
0x2bf: {  	v41 =	vld [tilespmem:s6+$0xE090];
	v23 =	vsub.f32 v39, v23;
	v40 =	vsub.f32 v40, v22  }
0x2c0: {  	v39 =	vld [tilespmem:s6+$0x60A0];
	v22 =	vsub.f32 v44, v43;
	v42 =	vsub.f32 v42, v25  }
0x2c1: {  	s8 =	simm.s32 $0x200;
	v43 =	vld [tilespmem:s6+$0xE0A0];
	v25 =	vsub.f32 v1, v0;
	v10 =	vsub.f32 v2, v55  }
.LBB2_9:
0x2c2: {  	p1 =	sne.s32 s8, $0x1E00;
	v0 =	vld [tilespmem:s6+$0x60B0];
	v1 =	vsub.f32 v28, v29;
	v2 =	vmul.f32 v30, v30;
	v28 =	vmul.f32 v31, v31  }
0x2c3: {  	s9 =	sand.u32 $0xFFFFF000, s8;
	v27 =	vsub.f32 v27, v16;
	v30 =	vmul.f32 v18, v18;
	v31 =	vmul.f32 v24, v24;
	s0 =	sadd.s32 $0x80, s0;
	v29 =	vld [tilespmem:s6+$0xE0B0]  }
0x2c4: {  	v18 =	vsub.f32 v15, v17;
	v44 =	vmul.f32 v21, v21;
	v32 =	vmul.f32 v32, v32;
	s9 =	sadd.s32 s9, s0;
	v24 =	vld [tilespmem:s6+$0x60F0]  }
0x2c5: {  	v21 =	vsub.f32 v33, v37;
	v37 =	vmul.f32 v26, v26;
	v34 =	vmul.f32 v34, v34;
	s15 =	sor.u32 $0x6C40, s9;
	v33 =	vld [tilespmem:s6+$0xE0F0]  }
0x2c6: {  	v26 =	vsub.f32 v35, v41;
	v35 =	vmul.f32 v36, v36;
	v36 =	vmul.f32 v38, v38;
	v15 =	vld [tilespmem:s15+$0x80]  }
0x2c7: {  	s6 =	sor.u32 $0x6C50, s9;
	v38 =	vsub.f32 v39, v43;
	v39 =	vmul.f32 v40, v40;
	v40 =	vmul.f32 v42, v42;
	v16 =	vld [tilespmem:s15+$0x8080]  }
0x2c8: {  	v27 =	vmul.f32 v27, v27;
	v17 =	vld [tilespmem:s6+$0x80];
	v0 =	vsub.f32 v0, v29;
	v29 =	vmul.f32 v18, v18  }
0x2c9: {  	v21 =	vmul.f32 v21, v21;
	v41 =	vsub.f32 v19, v20;
	v26 =	vmul.f32 v26, v26;
	v18 =	vld [tilespmem:s6+$0x8080];
	s6 =	sor.u32 $0x6C60, s9  }
0x2ca: {  	v38 =	vmul.f32 v38, v38;
	v19 =	vld [tilespmem:s6+$0x80];
	v0 =	vmul.f32 v0, v0;
	v24 =	vsub.f32 v24, v33  }
0x2cb: {  	v6 =	vadd.f32 v21, v6;
	v8 =	vadd.f32 v26, v8;
	v26 =	vmul.f32 v41, v41;
	v20 =	vld [tilespmem:s6+$0x8080];
	s6 =	sor.u32 $0x6C70, s9  }
0x2cc: {  	v5 =	vadd.f32 v38, v5;
	v21 =	vld [tilespmem:s6+$0x80];
	v0 =	vadd.f32 v0, v7;
	v7 =	vmul.f32 v24, v24  }
0x2cd: {  	s15 =	sor.u32 $0x6C00, s9;
	v6 =	vadd.f32 v27, v6;
	v27 =	vmul.f32 v25, v25;
	v8 =	vadd.f32 v29, v8;
	v24 =	vld [tilespmem:s6+$0x8080]  }
0x2ce: {  	v1 =	vmul.f32 v1, v1;
	v5 =	vadd.f32 v26, v5;
	v25 =	vld [tilespmem:s15+$0x80];
	v0 =	vadd.f32 v7, v0  }
0x2cf: {  	v6 =	vadd.f32 v39, v6;
	s6 =	sor.u32 $0x6C10, s9;
	v7 =	vadd.f32 v40, v8;
	v8 =	vmul.f32 v23, v23;
	v26 =	vld [tilespmem:s15+$0x8080]  }
0x2d0: {  	v5 =	vadd.f32 v27, v5;
	v23 =	vld [tilespmem:s6+$0x80];
	v0 =	vadd.f32 v1, v0;
	v1 =	vmul.f32 v22, v22  }
0x2d1: {  	v14 =	vmul.f32 v14, v14;
	v6 =	vadd.f32 v35, v6;
	v7 =	vadd.f32 v36, v7;
	v22 =	vld [tilespmem:s6+$0x8080];
	s6 =	sor.u32 $0x6C20, s9  }
0x2d2: {  	v5 =	vadd.f32 v8, v5;
	v33 =	vld [tilespmem:s6+$0x80];
	v0 =	vadd.f32 v1, v0;
	v1 =	vmul.f32 v13, v13  }
0x2d3: {  	v6 =	vadd.f32 v37, v6;
	s15 =	sor.u32 $0x6C30, s9;
	v8 =	vmul.f32 v12, v12;
	v7 =	vadd.f32 v34, v7;
	v13 =	vld [tilespmem:s6+$0x8080]  }
0x2d4: {  	s16 =	sand.u32 $0x380, s0;
	v5 =	vadd.f32 v14, v5;
	s6 =	sand.u32 $0x1000, s8;
	v12 =	vld [tilespmem:s15+$0x80];
	v0 =	vadd.f32 v1, v0;
	v1 =	vmul.f32 v11, v11  }
0x2d5: {  	v10 =	vmul.f32 v10, v10;
	v6 =	vadd.f32 v44, v6;
	s6 =	sor.u32 s16, s6;
	v7 =	vadd.f32 v32, v7;
	v11 =	vld [tilespmem:s15+$0x8080]  }
0x2d6: {  	v5 =	vadd.f32 v8, v5;
	v14 =	vld [tilespmem:s6+$0x68C0];
	v0 =	vadd.f32 v1, v0;
	v1 =	vmul.f32 v9, v9  }
0x2d7: {  	v4 =	vmul.f32 v4, v4;
	v6 =	vadd.f32 v30, v6;
	v7 =	vadd.f32 v31, v7;
	v9 =	vld [tilespmem:s6+$0xE8C0]  }
0x2d8: {  	v5 =	vadd.f32 v10, v5;
	v32 =	vld [tilespmem:s6+$0x68D0];
	v0 =	vadd.f32 v1, v0;
	v1 =	vmul.f32 v3, v3  }
0x2d9: {  	v6 =	vadd.f32 v2, v6;
	v8 =	vadd.f32 v28, v7;
	v34 =	vld [tilespmem:s6+$0xE8D0]  }
0x2da: {  	v5 =	vadd.f32 v4, v5;
	v2 =	vld [tilespmem:s6+$0x68E0];
	v7 =	vadd.f32 v1, v0  }
0x2db: {  	v0 =	vld [tilespmem:s6+$0xE8E0]  }
0x2dc: {  	v1 =	vld [tilespmem:s6+$0x68F0]  }
0x2dd: {  	v35 =	vld [tilespmem:s6+$0xE8F0]  }
0x2de: {  	v36 =	vld [tilespmem:s6+$0x6880]  }
0x2df: {  	v37 =	vld [tilespmem:s6+$0xE880]  }
0x2e0: {  	v38 =	vld [tilespmem:s6+$0x6890]  }
0x2e1: {  	v39 =	vld [tilespmem:s6+$0xE890]  }
0x2e2: {  	v40 =	vld [tilespmem:s6+$0x68A0]  }
0x2e3: {  	v41 =	vld [tilespmem:s6+$0xE8A0]  }
0x2e4: {  	v42 =	vld [tilespmem:s6+$0x68B0]  }
0x2e5: {  	s15 =	sor.u32 $0x6440, s9;
	v43 =	vld [tilespmem:s6+$0xE8B0]  }
0x2e6: {  	v44 =	vld [tilespmem:s15+$0x80]  }
0x2e7: {  	v45 =	vld [tilespmem:s15+$0x8080];
	s15 =	sor.u32 $0x6450, s9  }
0x2e8: {  	v46 =	vld [tilespmem:s15+$0x80]  }
0x2e9: {  	v47 =	vld [tilespmem:s15+$0x8080];
	s15 =	sor.u32 $0x6460, s9  }
0x2ea: {  	v48 =	vld [tilespmem:s15+$0x80]  }
0x2eb: {  	v49 =	vld [tilespmem:s15+$0x8080];
	s15 =	sor.u32 $0x6470, s9  }
0x2ec: {  	v50 =	vld [tilespmem:s15+$0x80]  }
0x2ed: {  	s16 =	sor.u32 $0x6400, s9;
	v51 =	vld [tilespmem:s15+$0x8080]  }
0x2ee: {  	v52 =	vld [tilespmem:s16+$0x80]  }
0x2ef: {  	s15 =	sor.u32 $0x6410, s9;
	v53 =	vld [tilespmem:s16+$0x8080]  }
0x2f0: {  	v54 =	vld [tilespmem:s15+$0x80]  }
0x2f1: {  	v55 =	vld [tilespmem:s15+$0x8080];
	s15 =	sor.u32 $0x6420, s9  }
0x2f2: {  	v56 =	vld [tilespmem:s15+$0x80]  }
0x2f3: {  	s9 =	sor.u32 $0x6430, s9;
	v57 =	vld [tilespmem:s15+$0x8080]  }
0x2f4: {  	v28 =	vld [tilespmem:s9+$0x80]  }
0x2f5: {  	v29 =	vld [tilespmem:s9+$0x8080]  }
0x2f6: {  	v30 =	vsub.f32 v15, v16;
	v27 =	vld [tilespmem:s6+$0x60C0]  }
0x2f7: {  	v31 =	vsub.f32 v17, v18;
	v4 =	vsub.f32 v19, v20;
	v16 =	vld [tilespmem:s6+$0xE0C0]  }
0x2f8: {  	v18 =	vsub.f32 v25, v26;
	v3 =	vsub.f32 v21, v24;
	v15 =	vld [tilespmem:s6+$0x60D0]  }
0x2f9: {  	v24 =	vsub.f32 v23, v22;
	v10 =	vsub.f32 v33, v13;
	v17 =	vld [tilespmem:s6+$0xE0D0]  }
0x2fa: {  	v21 =	vsub.f32 v14, v9;
	v9 =	vsub.f32 v12, v11;
	v19 =	vld [tilespmem:s6+$0x60E0]  }
0x2fb: {  	v32 =	vsub.f32 v32, v34;
	v12 =	vsub.f32 v2, v0;
	v20 =	vld [tilespmem:s6+$0xE0E0]  }
0x2fc: {  	v11 =	vsub.f32 v1, v35;
	v26 =	vsub.f32 v36, v37;
	v33 =	vld [tilespmem:s6+$0x6080]  }
.Ltmp3:
0x2fd: {  	v34 =	vsub.f32 v38, v39;
	v14 =	vsub.f32 v40, v41;
	v37 =	vld [tilespmem:s6+$0xE080];
	(pc) =	sbr.rel @p1 .LBB2_9-.Ltmp3, $4  }
0x2fe: {  	v13 =	vsub.f32 v42, v43;
	v36 =	vsub.f32 v44, v45;
	v35 =	vld [tilespmem:s6+$0x6090]  }
0x2ff: {  	v38 =	vsub.f32 v46, v47;
	v23 =	vsub.f32 v48, v49;
	v41 =	vld [tilespmem:s6+$0xE090]  }
0x300: {  	v22 =	vsub.f32 v50, v51;
	v40 =	vsub.f32 v52, v53;
	v39 =	vld [tilespmem:s6+$0x60A0]  }
0x301: {  	s8 =	sadd.s32 $0x200, s8;
	v42 =	vsub.f32 v54, v55;
	v25 =	vsub.f32 v56, v57;
	v43 =	vld [tilespmem:s6+$0xE0A0]  }
0x302: {  	v2 =	vmul.f32 v30, v30  }
0x303: {  	v0 =	vld [tilespmem:s6+$0x60B0];
	v47 =	vmul.f32 v31, v31;
	v18 =	vmul.f32 v18, v18  }
0x304: {  	v1 =	vsub.f32 v28, v29;
	v48 =	vld [tilespmem:s6+$0xE0B0];
	v24 =	vmul.f32 v24, v24;
	v21 =	vmul.f32 v21, v21  }
0x305: {  	v16 =	vsub.f32 v27, v16;
	v49 =	vld [tilespmem:s6+$0x60F0];
	v50 =	vmul.f32 v32, v32;
	v26 =	vmul.f32 v26, v26  }
0x306: {  	v15 =	vsub.f32 v15, v17;
	v52 =	vld [tilespmem:s6+$0xE0F0];
	v53 =	vmul.f32 v34, v34;
	v55 =	vmul.f32 v36, v36  }
0x307: {  	v51 =	vsub.f32 v33, v37;
	v56 =	vmul.f32 v38, v38;
	v58 =	vmul.f32 v40, v40  }
0x308: {  	v59 =	vmul.f32 v42, v42;
	v54 =	vsub.f32 v35, v41;
	v16 =	vmul.f32 v16, v16  }
0x309: {  	v15 =	vmul.f32 v15, v15;
	v57 =	vsub.f32 v39, v43;
	v0 =	vsub.f32 v0, v48  }
0x30a: {  	v19 =	vsub.f32 v19, v20;
	v60 =	vmul.f32 v51, v51;
	v61 =	vmul.f32 v54, v54  }
0x30b: {  	v17 =	vsub.f32 v49, v52;
	v62 =	vmul.f32 v57, v57;
	v0 =	vmul.f32 v0, v0  }
0x30c: {  	v19 =	vmul.f32 v19, v19;
	v6 =	vadd.f32 v60, v6;
	v8 =	vadd.f32 v61, v8  }
0x30d: {  	v5 =	vadd.f32 v62, v5;
	v0 =	vadd.f32 v0, v7;
	v7 =	vmul.f32 v17, v17  }
0x30e: {  	v63 =	vmul.f32 v25, v25;
	v6 =	vadd.f32 v16, v6;
	v8 =	vadd.f32 v15, v8  }
0x30f: {  	v1 =	vmul.f32 v1, v1;
	v5 =	vadd.f32 v19, v5;
	v0 =	vadd.f32 v7, v0  }
0x310: {  	v6 =	vadd.f32 v58, v6;
	v7 =	vadd.f32 v59, v8;
	v8 =	vmul.f32 v23, v23  }
0x311: {  	v5 =	vadd.f32 v63, v5;
	v0 =	vadd.f32 v1, v0;
	v1 =	vmul.f32 v22, v22  }
0x312: {  	v14 =	vmul.f32 v14, v14;
	v6 =	vadd.f32 v55, v6;
	v7 =	vadd.f32 v56, v7  }
0x313: {  	v5 =	vadd.f32 v8, v5;
	v0 =	vadd.f32 v1, v0;
	v1 =	vmul.f32 v13, v13  }
0x314: {  	v6 =	vadd.f32 v26, v6;
	v8 =	vmul.f32 v12, v12;
	v7 =	vadd.f32 v53, v7  }
0x315: {  	v5 =	vadd.f32 v14, v5;
	v0 =	vadd.f32 v1, v0;
	v1 =	vmul.f32 v11, v11  }
0x316: {  	v10 =	vmul.f32 v10, v10;
	v6 =	vadd.f32 v21, v6;
	v7 =	vadd.f32 v50, v7  }
.Ltmp4:
0x317: {  	v5 =	vadd.f32 v8, v5;
	v0 =	vadd.f32 v1, v0;
	v1 =	vmul.f32 v9, v9;
	(pc) =	sbr.rel @p0 .LBB2_2-.Ltmp4, $4  }
0x318: {  	v4 =	vmul.f32 v4, v4;
	v6 =	vadd.f32 v18, v6;
	v7 =	vadd.f32 v24, v7  }
0x319: {  	v8 =	vadd.f32 v10, v5;
	v0 =	vadd.f32 v1, v0;
	v1 =	vmul.f32 v3, v3  }
0x31a: {  	v6 =	vadd.f32 v2, v6;
	v5 =	vadd.f32 v47, v7  }
0x31b: {  	p1 =	por $0x0, $0x0;
	s6 =	simm.s32 $0x70;
	s0 =	smov.u32 s14;
	v4 =	vadd.f32 v4, v8;
	v3 =	vadd.f32 v1, v0  }
0x31c: {  	v0 =	vadd.f32 v5, v6;
	_ =	sdelay $0x1  }
0x31d: {  	v0 =	vadd.f32 v4, v0;
	_ =	sdelay $0x1  }
0x31e: {  	v0 =	vadd.f32 v3, v0;
	_ =	sdelay $0x1  }
0x31f: {  	s0 =	rddreg [dreg:$0x8];
	s6 =	simm.s32 $0x10080;
	[tilespmem:$0x10080] =	vst v0  }
0x320: {  	[hbm4b:s0+s3] =	stream.linear.scatter [tilespmem:s6], [sflag:$0x9], $0x80, $0x38;
	[tilespmem:$0x10100] =	vst v63  }
0x321: {  	_ =	swait.ge [sflag:s17], $0x80  }
0x322: {  	s1 =	sadd.s32 $0x1, s1;
	s16 =	rddreg [dreg:$0x9]  }
0x323: {  	p0 =	sne.s32 s1, s16  }
.Ltmp5:
0x324: {  	_ = 	snop;
	(pc) =	sbr.rel @p0 .LBB2_1-.Ltmp5, $3  }
0x325: {  	_ =	sdelay $0x1  }
0x326: {  	[sflag:s17] =	ssyncset.done $0x0  }
0x327: {  	[sflag:s17] =	ssyncadd.s32 $0xFFFFFF80  }
0x328: {  	_ =	sfence.sel $0x180000  }
0x329: {  	[bflag:$0x0] =	sbarrier.arrive $0xFFFF  }
0x32a: {  	_ =	strace $0x90000047  }
0x32b: {  	s0 =	stileid.u32;
	[bflag:$0x2] =	sbarrier.arrive $0xFFFF  }
0x32c: {  	p0 =	sne.s32 s0, $0x0;
	s0 =	rddreg [dreg:$0x4]  }
0x32d: {  	s0 =	sadd.s32 @!p0 $0x100000, s0  }
0x32e: {  	[sflag:s0] =	ssyncadd.tile.s32 @!p0 $0x1;
	_ =	shalt  }
.Lfunc_end2:
_tile_overlayer_lowered:
.L_overlay_start_2:
0x32f: {  	(tag) =	ssettag $0x2  }
0x330: {  	s0 =	rddreg [dreg:$0x0];
	s2 =	stileid.u32  }
0x331: {  	s1 =	rddreg [dreg:$0x1];
	p0 =	sne.s32 s2, $0x0  }
0x332: {  	s3 =	rddreg [dreg:$0x2];
	[bflag:$0x3] =	sbarrier.arrive $0xFFFF;
	s2 =	simm.s32 @!p0 $0x1C09  }
0x333: {  	[timem:s3], [sflag:s2] =	dma.local @!p0 [hbm:s0], s1  }
0x334: {  	s0 =	simm.s32 @!p0 $0x9  }
0x335: {  	_ =	swait.ge @!p0 [sflag:s0], s1  }
0x336: {  	s1 =	ssub.s32 @!p0 $0x0, s1;
	[sflag:s0] =	ssyncset.done @!p0 $0x0  }
0x337: {  	[sflag:s0] =	ssyncadd.s32 @!p0 s1  }
0x338: {  	[bflag:$0x3] =	sbarrier.arrive $0xFFFF  }
0x339: {  	_ =	shalt  }

</sc_bundles>
